<compile_context>
chip_gen: v7x
topology: tpu7x:2x2x1
jax: 0.10.2.dev20260603
libtpu: 0.0.44.dev20260713+nightly
codegen_flags: <defaults>
</compile_context>

<pallas_src>
import functools

import jax
import jax.numpy as jnp
from jax import lax
from jax.experimental import pallas as pl
from jax.experimental.pallas import tpu as pltpu
from jax.experimental.pallas import tpu_sc as plsc

N = 10000
D = 128
H = D // 2
NP = 10240
NC = 2
NS = 16
CH = 128
NBUF = 4
ROWS_PER_SUB = NP // NS
ZR = 64


def _cdiv(a, b):
    return (a + b - 1) // b


def _sc_body(chunks, h_hbm, src_hbm, dst_hbm, out_hbm,
             src_v, dst_v, rows_v, zer_v, agg_sh, gsemA, gsemB, ssemA, ssemB):
    c = lax.axis_index("c")
    s = lax.axis_index("s")

    zeros16 = jnp.zeros((16,), jnp.float32)

    def zloop(i, carry):
        r = i // (H // 16)
        k = i % (H // 16)
        zer_v[r, pl.ds(k * 16, 16)] = zeros16
        return carry

    lax.fori_loop(0, ZR * (H // 16), zloop, 0)

    row0 = s * ROWS_PER_SUB

    def zcopy(j, carry):
        pltpu.sync_copy(zer_v, agg_sh.at[pl.ds(row0 + j * ZR, ZR)])
        return carry

    lax.fori_loop(0, ROWS_PER_SUB // ZR, zcopy, 0)

    pltpu.sync_copy(src_hbm.at[s], src_v)
    pltpu.sync_copy(dst_hbm.at[s], dst_v)

    plsc.subcore_barrier()

    h_half = h_hbm.at[c]
    hb = NBUF // 2
    ngroups = chunks // NBUF

    def fire_gather(j, b, sem):
        return pltpu.async_copy(h_half.at[src_v.at[j]], rows_v.at[b], sem)

    def wait_gather(b, sem):
        pltpu.make_async_copy(h_half.at[src_v.at[0]], rows_v.at[b], sem).wait()

    def fire_scatter(j, b, sem):
        return pltpu.async_copy(rows_v.at[b], agg_sh.at[dst_v.at[j]], sem,
                                add=True)

    def wait_scatter(b, sem):
        pltpu.make_async_copy(rows_v.at[b], agg_sh.at[dst_v.at[0]], sem).wait()

    for b in range(hb):
        fire_gather(b, b, gsemA)
    for b in range(hb, NBUF):
        fire_gather(b, b, gsemB)

    def body(g, carry):
        j0 = g * NBUF
        for b in range(hb):
            wait_gather(b, gsemA)
            fire_scatter(j0 + b, b, ssemA)
        for b in range(hb, NBUF):
            wait_gather(b, gsemB)
            fire_scatter(j0 + b, b, ssemB)
        for b in range(hb):
            wait_scatter(b, ssemA)

        @pl.when(g + 1 < ngroups)
        def _():
            for b in range(hb):
                fire_gather(j0 + NBUF + b, b, gsemA)

        for b in range(hb, NBUF):
            wait_scatter(b, ssemB)

        @pl.when(g + 1 < ngroups)
        def _():
            for b in range(hb, NBUF):
                fire_gather(j0 + NBUF + b, b, gsemB)

        return carry

    lax.fori_loop(0, ngroups, body, 0)

    plsc.subcore_barrier()

    pltpu.sync_copy(agg_sh.at[pl.ds(row0, ROWS_PER_SUB)],
                    out_hbm.at[c, pl.ds(row0, ROWS_PER_SUB)])


def _make_sc_agg(chunks):
    mesh = plsc.VectorSubcoreMesh(core_axis_name="c", subcore_axis_name="s")
    return pl.kernel(
        functools.partial(_sc_body, chunks),
        out_type=jax.ShapeDtypeStruct((NC, NP, H), jnp.float32),
        mesh=mesh,
        scratch_types=[
            pltpu.VMEM((chunks, CH), jnp.int32),
            pltpu.VMEM((chunks, CH), jnp.int32),
            pltpu.VMEM((NBUF, CH, H), jnp.float32),
            pltpu.VMEM((ZR, H), jnp.float32),
            pltpu.VMEM_SHARED((NP, H), jnp.float32),
            pltpu.SemaphoreType.DMA,
            pltpu.SemaphoreType.DMA,
            pltpu.SemaphoreType.DMA,
            pltpu.SemaphoreType.DMA,
        ],
        compiler_params=pltpu.CompilerParams(use_tc_tiling_on_sc=False),
    )


def _atom_body(x_ref, t_ref, o_ref):
    nf = t_ref.shape[0]
    col = lax.broadcasted_iota(jnp.int32, (1, 128), 1)
    acc = jnp.zeros((x_ref.shape[0], D), jnp.float32)
    for i in range(nf):
        oh = (x_ref[:, i:i + 1] == col).astype(jnp.float32)
        acc = acc + jnp.dot(oh, t_ref[i], precision=lax.Precision.HIGHEST,
                            preferred_element_type=jnp.float32)
    o_ref[0] = acc[:, :H]
    o_ref[1] = acc[:, H:]


def _atom_encode(xp, tables_p, block=512):
    nf = tables_p.shape[0]
    grid = (NP // block,)
    return pl.pallas_call(
        _atom_body,
        grid=grid,
        in_specs=[
            pl.BlockSpec((block, xp.shape[1]), lambda i: (i, 0)),
            pl.BlockSpec((nf, 128, 128), lambda i: (0, 0, 0)),
        ],
        out_specs=pl.BlockSpec((NC, block, H), lambda i: (0, i, 0)),
        out_shape=jax.ShapeDtypeStruct((NC, NP, H), jnp.float32),
    )(xp, tables_p)


def _combine_body(a_ref, h_ref, wr_ref, wt_ref, b_ref, o_ref):
    agg = jnp.concatenate([a_ref[0], a_ref[1]], axis=1)
    hb = jnp.concatenate([h_ref[0], h_ref[1]], axis=1)
    out = (
        jnp.dot(agg, wr_ref[...], preferred_element_type=jnp.float32)
        + jnp.dot(hb, wt_ref[...], preferred_element_type=jnp.float32)
        + b_ref[...]
    )
    o_ref[0] = out[:, :H]
    o_ref[1] = out[:, H:]


def _combine(parts, h, wr, wt, b, block=512):
    grid = (NP // block,)
    return pl.pallas_call(
        _combine_body,
        grid=grid,
        in_specs=[
            pl.BlockSpec((NC, block, H), lambda i: (0, i, 0)),
            pl.BlockSpec((NC, block, H), lambda i: (0, i, 0)),
            pl.BlockSpec((D, D), lambda i: (0, 0)),
            pl.BlockSpec((D, D), lambda i: (0, 0)),
            pl.BlockSpec((1, D), lambda i: (0, 0)),
        ],
        out_specs=pl.BlockSpec((NC, block, H), lambda i: (0, i, 0)),
        out_shape=jax.ShapeDtypeStruct((NC, NP, H), jnp.float32),
    )(parts, h, wr, wt, b)


def kernel(x, edge_index, edge_attr, batch, atom_tables, W_rel, b_rel, W_root):
    del edge_attr, batch
    e = edge_index.shape[1]
    num_layers = W_rel.shape[0]

    xp = jnp.zeros((NP, x.shape[1]), jnp.int32).at[:N].set(x.astype(jnp.int32))
    tables_p = jnp.zeros((atom_tables.shape[0], 128, 128), jnp.float32)
    tables_p = tables_p.at[:, :atom_tables.shape[1], :].set(
        atom_tables.astype(jnp.float32))

    chunks = NBUF * _cdiv(e, NS * CH * NBUF)
    ep = NS * chunks * CH
    src = jnp.full((ep,), 0, jnp.int32).at[:e].set(edge_index[0].astype(jnp.int32))
    dst = jnp.full((ep,), N, jnp.int32).at[:e].set(edge_index[1].astype(jnp.int32))
    src = src.reshape(NS, chunks, CH)
    dst = dst.reshape(NS, chunks, CH)

    sc_agg = _make_sc_agg(chunks)

    h = _atom_encode(xp, tables_p)
    for l in range(num_layers):
        parts = sc_agg(h, src, dst)
        h = _combine(parts, h, W_rel[l], W_root[l], b_rel[l].reshape(1, D))
    return jnp.concatenate([h[0, :N], h[1, :N]], axis=1)

# --- scband reference (transcript-rebuilt; emitter-appended) ---
"""Pipeline reference for scband-gnn-node-23270132810370 (READ-ONLY COPY).

The authoritative reference and input builder live on the scoring server;
editing this copy changes nothing except your own understanding.
"""

import jax, jax.numpy as jnp
import numpy as np

N = 10000
E = 320000
D = 128
L = 3
NUM_ATOM_FEATS = 9
ATOM_VOCAB = 120
D_EDGE = 4


def setup_inputs(seed: int = 0) -> dict:
    key = jax.random.key(seed)
    ks = jax.random.split(key, 8)
    x = jax.random.randint(ks[0], (N, NUM_ATOM_FEATS), 0, 119, dtype=jnp.int64)
    edge_index = jax.random.randint(ks[1], (2, E), 0, N, dtype=jnp.int64)
    edge_attr = jax.random.normal(ks[2], (E, D_EDGE), dtype=jnp.float32)
    batch = jnp.sort(jax.random.randint(ks[3], (N,), 0, 64, dtype=jnp.int64))
    # AtomEncoder: one embedding table per atom feature, summed
    atom_tables = jax.random.normal(ks[4], (NUM_ATOM_FEATS, ATOM_VOCAB, D), dtype=jnp.float32) * 0.02
    # Per-layer GraphConv params: lin_rel (W + b), lin_root (W, no bias)
    W_rel = jax.random.normal(ks[5], (L, D, D), dtype=jnp.float32) * (1.0 / np.sqrt(D))
    b_rel = jnp.zeros((L, D), dtype=jnp.float32)
    W_root = jax.random.normal(ks[6], (L, D, D), dtype=jnp.float32) * (1.0 / np.sqrt(D))
    return {
        "x": x,
        "edge_index": edge_index,
        "edge_attr": edge_attr,
        "batch": batch,
        "atom_tables": atom_tables,
        "W_rel": W_rel,
        "b_rel": b_rel,
        "W_root": W_root,
    }


def reference(x, edge_index, edge_attr, batch, atom_tables, W_rel, b_rel, W_root):
    n = x.shape[0]
    # AtomEncoder: sum of per-feature embedding lookups
    h = jnp.zeros((n, atom_tables.shape[-1]), dtype=atom_tables.dtype)
    for i in range(atom_tables.shape[0]):
        h = h + jnp.take(atom_tables[i], x[:, i], axis=0)
    src = edge_index[0]
    dst = edge_index[1]
    num_layers = W_rel.shape[0]
    for l in range(num_layers):
        # message: x_j (source node features); aggregate: add at dst
        msg = jnp.take(h, src, axis=0)
        agg = jax.ops.segment_sum(msg, dst, num_segments=n)
        # out = lin_rel(agg) + lin_root(h)
        h = agg @ W_rel[l] + b_rel[l] + h @ W_root[l]
    return h

if __name__ == "__main__":
    import jax
    _d = setup_inputs()
    print(jax.jit(kernel)(*tuple(_d.values())))

</pallas_src>

<mosaic_0001>
#map = affine_map<(d0, d1) -> (0, 0, 0)>
module attributes {stable_mosaic.version = 14 : i64} {
  func.func @_sc_body(%arg0: i32, %arg1: i32, %arg2: memref<2x10240x64xf32, #tpu.memory_space<hbm>>, %arg3: memref<16x160x128xi32, #tpu.memory_space<hbm>>, %arg4: memref<16x160x128xi32, #tpu.memory_space<hbm>>, %arg5: memref<2x10240x64xf32, #tpu.memory_space<hbm>>, %arg6: memref<160x128xi32, #tpu.memory_space<vmem>>, %arg7: memref<160x128xi32, #tpu.memory_space<vmem>>, %arg8: memref<4x128x64xf32, #tpu.memory_space<vmem>>, %arg9: memref<64x64xf32, #tpu.memory_space<vmem>>, %arg10: memref<10240x64xf32, #tpu.memory_space<vmem_shared>>, %arg11: memref<!tpu.dma_semaphore, #tpu.memory_space<semaphore_mem>>, %arg12: memref<!tpu.dma_semaphore, #tpu.memory_space<semaphore_mem>>, %arg13: memref<!tpu.dma_semaphore, #tpu.memory_space<semaphore_mem>>, %arg14: memref<!tpu.dma_semaphore, #tpu.memory_space<semaphore_mem>>) attributes {dimension_semantics = [#tpu.dimension_semantics<core_parallel>, #tpu.dimension_semantics<subcore_parallel>], iteration_bounds = array<i64: 2, 16>, scalar_prefetch = 0 : i64, scratch_operands = 9 : i64, tpu.core_type = #tpu.core_type<sc_vector_subcore>, window_params = [{transform_indices = #map}, {transform_indices = #map}, {transform_indices = #map}, {transform_indices = #map}]} {
    %broadcast_in_dim3A = arith.constant 0.000000e+00 : f32
    %broadcast_in_dim3A_0 = vector.broadcast %broadcast_in_dim3A : f32 to vector<16xf32>
    %scan3A = arith.constant 0 : i32
    %scan3A_1 = arith.constant 0 : i32
    %scan3A_2 = arith.constant 256 : i32
    %scan3A_3 = arith.addi %scan3A_1, %scan3A_2 : i32
    %scan3A_4 = arith.constant 1 : i32
    scf.for %scan3A_83 = %scan3A_1 to %scan3A_3 step %scan3A_4  : i32 {
      %jit3A = arith.constant 4 : i32
      %div3A = arith.divsi %scan3A_83, %jit3A : i32
      %sign3A = arith.constant 0 : i32
      %sign3A_84 = arith.cmpi sgt, %scan3A_83, %sign3A : i32
      %sign3A_85 = arith.extui %sign3A_84 : i1 to i32
      %sign3A_86 = arith.constant 0 : i32
      %sign3A_87 = arith.cmpi slt, %scan3A_83, %sign3A_86 : i32
      %sign3A_88 = arith.extui %sign3A_87 : i1 to i32
      %sign3A_89 = arith.subi %sign3A_85, %sign3A_88 : i32
      %sign3A_90 = arith.constant 0 : i32
      %sign3A_91 = arith.cmpi sgt, %jit3A, %sign3A_90 : i32
      %sign3A_92 = arith.extui %sign3A_91 : i1 to i32
      %sign3A_93 = arith.constant 0 : i32
      %sign3A_94 = arith.cmpi slt, %jit3A, %sign3A_93 : i32
      %sign3A_95 = arith.extui %sign3A_94 : i1 to i32
      %sign3A_96 = arith.subi %sign3A_92, %sign3A_95 : i32
      %ne3A = arith.cmpi ne, %sign3A_89, %sign3A_96 : i32
      %rem3A = arith.remsi %scan3A_83, %jit3A : i32
      %ne3A_97 = arith.constant 0 : i32
      %ne3A_98 = arith.cmpi ne, %rem3A, %ne3A_97 : i32
      %and3A = arith.andi %ne3A, %ne3A_98 : i1
      %sub3A = arith.constant 1 : i32
      %sub3A_99 = arith.subi %div3A, %sub3A : i32
      %select_n3A = arith.select %and3A, %sub3A_99, %div3A : i32
      %jit3A_100 = arith.constant 4 : i32
      %eq3A = arith.constant 0 : i32
      %eq3A_101 = arith.cmpi eq, %jit3A_100, %eq3A : i32
      %jit3A_102 = arith.constant 1 : i32
      %select_n3A_103 = arith.select %eq3A_101, %jit3A_102, %jit3A_100 : i32
      %rem3A_104 = arith.remsi %scan3A_83, %select_n3A_103 : i32
      %ne3A_105 = arith.constant 0 : i32
      %ne3A_106 = arith.cmpi ne, %rem3A_104, %ne3A_105 : i32
      %lt3A = arith.constant 0 : i32
      %lt3A_107 = arith.cmpi slt, %rem3A_104, %lt3A : i32
      %lt3A_108 = arith.constant 0 : i32
      %lt3A_109 = arith.cmpi slt, %select_n3A_103, %lt3A_108 : i32
      %ne3A_110 = arith.xori %lt3A_107, %lt3A_109 : i1
      %and3A_111 = arith.andi %ne3A_110, %ne3A_106 : i1
      %add3A = arith.addi %rem3A_104, %select_n3A_103 : i32
      %select_n3A_112 = arith.select %and3A_111, %add3A, %rem3A_104 : i32
      %mul3A_113 = arith.constant 16 : i32
      %mul3A_114 = arith.muli %select_n3A_112, %mul3A_113 : i32
      %swap3A = arith.index_cast %select_n3A : i32 to index
      %swap3A_115 = arith.index_cast %mul3A_114 : i32 to index
      %swap3A_116 = tpu.vector_load %arg9[%swap3A, %swap3A_115] {strides = array<i32>} : memref<64x64xf32, #tpu.memory_space<vmem>>, vector<1x16xf32>,
      %swap3A_117 = vector.shape_cast %swap3A_116 : vector<1x16xf32> to vector<16xf32>
      %swap3A_118 = vector.shape_cast %broadcast_in_dim3A_0 : vector<16xf32> to vector<1x16xf32>
      tpu.vector_store %arg9[%swap3A, %swap3A_115], %swap3A_118 {strides = array<i32>} : memref<64x64xf32, #tpu.memory_space<vmem>>, vector<1x16xf32>,
    }
    %scan3A_5 = arith.constant 256 : i32
    %mul3A = arith.constant 640 : i32
    %mul3A_6 = arith.muli %arg1, %mul3A : i32
    %scan3A_7 = arith.constant 0 : i32
    %scan3A_8 = arith.constant 0 : i32
    %scan3A_9 = arith.constant 10 : i32
    %scan3A_10 = arith.addi %scan3A_8, %scan3A_9 : i32
    %scan3A_11 = arith.constant 1 : i32
    scf.for %scan3A_83 = %scan3A_8 to %scan3A_10 step %scan3A_11  : i32 {
      %mul3A_84 = arith.constant 64 : i32
      %mul3A_85 = arith.muli %scan3A_83, %mul3A_84 : i32
      %add3A = arith.addi %mul3A_6, %mul3A_85 : i32
      "tpu.region"() ({
        %run_scoped3A = tpu.sem_alloc : memref<!tpu.dma_semaphore, #tpu.memory_space<semaphore_mem>>
        %dma_start3A_86 = arith.constant 0 : i32
        %dma_start3A_87 = tpu.memref_slice %arg10[%add3A, %dma_start3A_86] : memref<10240x64xf32, #tpu.memory_space<vmem_shared>> -> memref<64x64xf32, #tpu.memory_space<vmem_shared>>
        %dma_start3A_88 = arith.constant 0 : i32
        %dma_start3A_89 = tpu.memref_slice %arg10[%add3A, %dma_start3A_88] : memref<10240x64xf32, #tpu.memory_space<vmem_shared>> -> memref<64x64xf32, #tpu.memory_space<vmem_shared>>
        tpu.enqueue_dma source(%arg9 : memref<64x64xf32, #tpu.memory_space<vmem>>) target(%dma_start3A_89 : memref<64x64xf32, #tpu.memory_space<vmem_shared>>) target_semaphore(%run_scoped3A : memref<!tpu.dma_semaphore, #tpu.memory_space<semaphore_mem>>)
        %dma_wait3A = arith.constant 0 : i32
        %dma_wait3A_90 = tpu.memref_slice %arg10[%add3A, %dma_wait3A] : memref<10240x64xf32, #tpu.memory_space<vmem_shared>> -> memref<64x64xf32, #tpu.memory_space<vmem_shared>>
        %dma_wait3A_91 = arith.constant 0 : i32
        %dma_wait3A_92 = tpu.memref_slice %arg10[%add3A, %dma_wait3A_91] : memref<10240x64xf32, #tpu.memory_space<vmem_shared>> -> memref<64x64xf32, #tpu.memory_space<vmem_shared>>
        tpu.wait_dma2 semaphore(%run_scoped3A : memref<!tpu.dma_semaphore, #tpu.memory_space<semaphore_mem>>) src(%arg9 : memref<64x64xf32, #tpu.memory_space<vmem>>) dst(%dma_wait3A_92 : memref<64x64xf32, #tpu.memory_space<vmem_shared>>)
        tpu.yield
      }) : () -> ()
    }
    %scan3A_12 = arith.constant 10 : i32
    "tpu.region"() ({
      %run_scoped3A = tpu.sem_alloc : memref<!tpu.dma_semaphore, #tpu.memory_space<semaphore_mem>>
      %dma_start3A_83 = arith.constant 0 : i32
      %dma_start3A_84 = arith.constant 0 : i32
      %dma_start3A_85 = tpu.memref_slice %arg3[%arg1, %dma_start3A_83, %dma_start3A_84] : memref<16x160x128xi32, #tpu.memory_space<hbm>> -> memref<1x160x128xi32, #tpu.memory_space<hbm>>
      %dma_start3A_86 = tpu.memref_squeeze %dma_start3A_85 : memref<1x160x128xi32, #tpu.memory_space<hbm>> -> memref<160x128xi32, #tpu.memory_space<hbm>>
      %dma_start3A_87 = arith.constant 0 : i32
      %dma_start3A_88 = arith.constant 0 : i32
      %dma_start3A_89 = tpu.memref_slice %arg3[%arg1, %dma_start3A_87, %dma_start3A_88] : memref<16x160x128xi32, #tpu.memory_space<hbm>> -> memref<1x160x128xi32, #tpu.memory_space<hbm>>
      %dma_start3A_90 = tpu.memref_squeeze %dma_start3A_89 : memref<1x160x128xi32, #tpu.memory_space<hbm>> -> memref<160x128xi32, #tpu.memory_space<hbm>>
      tpu.enqueue_dma source(%dma_start3A_90 : memref<160x128xi32, #tpu.memory_space<hbm>>) target(%arg6 : memref<160x128xi32, #tpu.memory_space<vmem>>) target_semaphore(%run_scoped3A : memref<!tpu.dma_semaphore, #tpu.memory_space<semaphore_mem>>)
      %dma_wait3A = arith.constant 0 : i32
      %dma_wait3A_91 = arith.constant 0 : i32
      %dma_wait3A_92 = tpu.memref_slice %arg3[%arg1, %dma_wait3A, %dma_wait3A_91] : memref<16x160x128xi32, #tpu.memory_space<hbm>> -> memref<1x160x128xi32, #tpu.memory_space<hbm>>
      %dma_wait3A_93 = tpu.memref_squeeze %dma_wait3A_92 : memref<1x160x128xi32, #tpu.memory_space<hbm>> -> memref<160x128xi32, #tpu.memory_space<hbm>>
      %dma_wait3A_94 = arith.constant 0 : i32
      %dma_wait3A_95 = arith.constant 0 : i32
      %dma_wait3A_96 = tpu.memref_slice %arg3[%arg1, %dma_wait3A_94, %dma_wait3A_95] : memref<16x160x128xi32, #tpu.memory_space<hbm>> -> memref<1x160x128xi32, #tpu.memory_space<hbm>>
      %dma_wait3A_97 = tpu.memref_squeeze %dma_wait3A_96 : memref<1x160x128xi32, #tpu.memory_space<hbm>> -> memref<160x128xi32, #tpu.memory_space<hbm>>
      tpu.wait_dma2 semaphore(%run_scoped3A : memref<!tpu.dma_semaphore, #tpu.memory_space<semaphore_mem>>) src(%dma_wait3A_97 : memref<160x128xi32, #tpu.memory_space<hbm>>) dst(%arg6 : memref<160x128xi32, #tpu.memory_space<vmem>>)
      tpu.yield
    }) : () -> ()
    "tpu.region"() ({
      %run_scoped3A = tpu.sem_alloc : memref<!tpu.dma_semaphore, #tpu.memory_space<semaphore_mem>>
      %dma_start3A_83 = arith.constant 0 : i32
      %dma_start3A_84 = arith.constant 0 : i32
      %dma_start3A_85 = tpu.memref_slice %arg4[%arg1, %dma_start3A_83, %dma_start3A_84] : memref<16x160x128xi32, #tpu.memory_space<hbm>> -> memref<1x160x128xi32, #tpu.memory_space<hbm>>
      %dma_start3A_86 = tpu.memref_squeeze %dma_start3A_85 : memref<1x160x128xi32, #tpu.memory_space<hbm>> -> memref<160x128xi32, #tpu.memory_space<hbm>>
      %dma_start3A_87 = arith.constant 0 : i32
      %dma_start3A_88 = arith.constant 0 : i32
      %dma_start3A_89 = tpu.memref_slice %arg4[%arg1, %dma_start3A_87, %dma_start3A_88] : memref<16x160x128xi32, #tpu.memory_space<hbm>> -> memref<1x160x128xi32, #tpu.memory_space<hbm>>
      %dma_start3A_90 = tpu.memref_squeeze %dma_start3A_89 : memref<1x160x128xi32, #tpu.memory_space<hbm>> -> memref<160x128xi32, #tpu.memory_space<hbm>>
      tpu.enqueue_dma source(%dma_start3A_90 : memref<160x128xi32, #tpu.memory_space<hbm>>) target(%arg7 : memref<160x128xi32, #tpu.memory_space<vmem>>) target_semaphore(%run_scoped3A : memref<!tpu.dma_semaphore, #tpu.memory_space<semaphore_mem>>)
      %dma_wait3A = arith.constant 0 : i32
      %dma_wait3A_91 = arith.constant 0 : i32
      %dma_wait3A_92 = tpu.memref_slice %arg4[%arg1, %dma_wait3A, %dma_wait3A_91] : memref<16x160x128xi32, #tpu.memory_space<hbm>> -> memref<1x160x128xi32, #tpu.memory_space<hbm>>
      %dma_wait3A_93 = tpu.memref_squeeze %dma_wait3A_92 : memref<1x160x128xi32, #tpu.memory_space<hbm>> -> memref<160x128xi32, #tpu.memory_space<hbm>>
      %dma_wait3A_94 = arith.constant 0 : i32
      %dma_wait3A_95 = arith.constant 0 : i32
      %dma_wait3A_96 = tpu.memref_slice %arg4[%arg1, %dma_wait3A_94, %dma_wait3A_95] : memref<16x160x128xi32, #tpu.memory_space<hbm>> -> memref<1x160x128xi32, #tpu.memory_space<hbm>>
      %dma_wait3A_97 = tpu.memref_squeeze %dma_wait3A_96 : memref<1x160x128xi32, #tpu.memory_space<hbm>> -> memref<160x128xi32, #tpu.memory_space<hbm>>
      tpu.wait_dma2 semaphore(%run_scoped3A : memref<!tpu.dma_semaphore, #tpu.memory_space<semaphore_mem>>) src(%dma_wait3A_97 : memref<160x128xi32, #tpu.memory_space<hbm>>) dst(%arg7 : memref<160x128xi32, #tpu.memory_space<vmem>>)
      tpu.yield
    }) : () -> ()
    %barrier3A = arith.constant 0 : index
    tpu.barrier barrier_id(%barrier3A)
    %dma_start3A = arith.constant 0 : i32
    %dma_start3A_13 = arith.constant 0 : i32
    %dma_start3A_14 = arith.constant 0 : i32
    %dma_start3A_15 = arith.constant 0 : i32
    %dma_start3A_16 = tpu.memref_slice %arg8[%dma_start3A_13, %dma_start3A_14, %dma_start3A_15] : memref<4x128x64xf32, #tpu.memory_space<vmem>> -> memref<1x128x64xf32, #tpu.memory_space<vmem>>
    %dma_start3A_17 = tpu.memref_squeeze %dma_start3A_16 : memref<1x128x64xf32, #tpu.memory_space<vmem>> -> memref<128x64xf32, #tpu.memory_space<vmem>>
    %dma_start3A_18 = arith.constant 0 : i32
    %dma_start3A_19 = tpu.memref_slice %arg6[%dma_start3A, %dma_start3A_18] : memref<160x128xi32, #tpu.memory_space<vmem>> -> memref<1x128xi32, #tpu.memory_space<vmem>>
    %dma_start3A_20 = tpu.memref_squeeze %dma_start3A_19 : memref<1x128xi32, #tpu.memory_space<vmem>> -> memref<128xi32, #tpu.memory_space<vmem>>
    %dma_start3A_21 = arith.constant 0 : i32
    %dma_start3A_22 = arith.constant 0 : i32
    %dma_start3A_23 = tpu.memref_slice %arg2[%arg0, %dma_start3A_21, %dma_start3A_22] : memref<2x10240x64xf32, #tpu.memory_space<hbm>> -> memref<1x10240x64xf32, #tpu.memory_space<hbm>>
    %dma_start3A_24 = tpu.memref_squeeze %dma_start3A_23 : memref<1x10240x64xf32, #tpu.memory_space<hbm>> -> memref<10240x64xf32, #tpu.memory_space<hbm>>
    %dma_start3A_25 = arith.constant 0 : i32
    %dma_start3A_26 = arith.constant 0 : i32
    %dma_start3A_27 = tpu.memref_slice %dma_start3A_24[%dma_start3A_25, %dma_start3A_26] : memref<10240x64xf32, #tpu.memory_space<hbm>> -> memref<10240x64xf32, #tpu.memory_space<hbm>>
    tpu.enqueue_indirect_dma source(%dma_start3A_27 : memref<10240x64xf32, #tpu.memory_space<hbm>>) target(%dma_start3A_17 : memref<128x64xf32, #tpu.memory_space<vmem>>) offsets(%dma_start3A_20 : memref<128xi32, #tpu.memory_space<vmem>>) semaphore(%arg11 : memref<!tpu.dma_semaphore, #tpu.memory_space<semaphore_mem>>)
    %dma_start3A_28 = arith.constant 1 : i32
    %dma_start3A_29 = arith.constant 1 : i32
    %dma_start3A_30 = arith.constant 0 : i32
    %dma_start3A_31 = arith.constant 0 : i32
    %dma_start3A_32 = tpu.memref_slice %arg8[%dma_start3A_29, %dma_start3A_30, %dma_start3A_31] : memref<4x128x64xf32, #tpu.memory_space<vmem>> -> memref<1x128x64xf32, #tpu.memory_space<vmem>>
    %dma_start3A_33 = tpu.memref_squeeze %dma_start3A_32 : memref<1x128x64xf32, #tpu.memory_space<vmem>> -> memref<128x64xf32, #tpu.memory_space<vmem>>
    %dma_start3A_34 = arith.constant 0 : i32
    %dma_start3A_35 = tpu.memref_slice %arg6[%dma_start3A_28, %dma_start3A_34] : memref<160x128xi32, #tpu.memory_space<vmem>> -> memref<1x128xi32, #tpu.memory_space<vmem>>
    %dma_start3A_36 = tpu.memref_squeeze %dma_start3A_35 : memref<1x128xi32, #tpu.memory_space<vmem>> -> memref<128xi32, #tpu.memory_space<vmem>>
    %dma_start3A_37 = arith.constant 0 : i32
    %dma_start3A_38 = arith.constant 0 : i32
    %dma_start3A_39 = tpu.memref_slice %arg2[%arg0, %dma_start3A_37, %dma_start3A_38] : memref<2x10240x64xf32, #tpu.memory_space<hbm>> -> memref<1x10240x64xf32, #tpu.memory_space<hbm>>
    %dma_start3A_40 = tpu.memref_squeeze %dma_start3A_39 : memref<1x10240x64xf32, #tpu.memory_space<hbm>> -> memref<10240x64xf32, #tpu.memory_space<hbm>>
    %dma_start3A_41 = arith.constant 0 : i32
    %dma_start3A_42 = arith.constant 0 : i32
    %dma_start3A_43 = tpu.memref_slice %dma_start3A_40[%dma_start3A_41, %dma_start3A_42] : memref<10240x64xf32, #tpu.memory_space<hbm>> -> memref<10240x64xf32, #tpu.memory_space<hbm>>
    tpu.enqueue_indirect_dma source(%dma_start3A_43 : memref<10240x64xf32, #tpu.memory_space<hbm>>) target(%dma_start3A_33 : memref<128x64xf32, #tpu.memory_space<vmem>>) offsets(%dma_start3A_36 : memref<128xi32, #tpu.memory_space<vmem>>) semaphore(%arg11 : memref<!tpu.dma_semaphore, #tpu.memory_space<semaphore_mem>>)
    %dma_start3A_44 = arith.constant 2 : i32
    %dma_start3A_45 = arith.constant 2 : i32
    %dma_start3A_46 = arith.constant 0 : i32
    %dma_start3A_47 = arith.constant 0 : i32
    %dma_start3A_48 = tpu.memref_slice %arg8[%dma_start3A_45, %dma_start3A_46, %dma_start3A_47] : memref<4x128x64xf32, #tpu.memory_space<vmem>> -> memref<1x128x64xf32, #tpu.memory_space<vmem>>
    %dma_start3A_49 = tpu.memref_squeeze %dma_start3A_48 : memref<1x128x64xf32, #tpu.memory_space<vmem>> -> memref<128x64xf32, #tpu.memory_space<vmem>>
    %dma_start3A_50 = arith.constant 0 : i32
    %dma_start3A_51 = tpu.memref_slice %arg6[%dma_start3A_44, %dma_start3A_50] : memref<160x128xi32, #tpu.memory_space<vmem>> -> memref<1x128xi32, #tpu.memory_space<vmem>>
    %dma_start3A_52 = tpu.memref_squeeze %dma_start3A_51 : memref<1x128xi32, #tpu.memory_space<vmem>> -> memref<128xi32, #tpu.memory_space<vmem>>
    %dma_start3A_53 = arith.constant 0 : i32
    %dma_start3A_54 = arith.constant 0 : i32
    %dma_start3A_55 = tpu.memref_slice %arg2[%arg0, %dma_start3A_53, %dma_start3A_54] : memref<2x10240x64xf32, #tpu.memory_space<hbm>> -> memref<1x10240x64xf32, #tpu.memory_space<hbm>>
    %dma_start3A_56 = tpu.memref_squeeze %dma_start3A_55 : memref<1x10240x64xf32, #tpu.memory_space<hbm>> -> memref<10240x64xf32, #tpu.memory_space<hbm>>
    %dma_start3A_57 = arith.constant 0 : i32
    %dma_start3A_58 = arith.constant 0 : i32
    %dma_start3A_59 = tpu.memref_slice %dma_start3A_56[%dma_start3A_57, %dma_start3A_58] : memref<10240x64xf32, #tpu.memory_space<hbm>> -> memref<10240x64xf32, #tpu.memory_space<hbm>>
    tpu.enqueue_indirect_dma source(%dma_start3A_59 : memref<10240x64xf32, #tpu.memory_space<hbm>>) target(%dma_start3A_49 : memref<128x64xf32, #tpu.memory_space<vmem>>) offsets(%dma_start3A_52 : memref<128xi32, #tpu.memory_space<vmem>>) semaphore(%arg12 : memref<!tpu.dma_semaphore, #tpu.memory_space<semaphore_mem>>)
    %dma_start3A_60 = arith.constant 3 : i32
    %dma_start3A_61 = arith.constant 3 : i32
    %dma_start3A_62 = arith.constant 0 : i32
    %dma_start3A_63 = arith.constant 0 : i32
    %dma_start3A_64 = tpu.memref_slice %arg8[%dma_start3A_61, %dma_start3A_62, %dma_start3A_63] : memref<4x128x64xf32, #tpu.memory_space<vmem>> -> memref<1x128x64xf32, #tpu.memory_space<vmem>>
    %dma_start3A_65 = tpu.memref_squeeze %dma_start3A_64 : memref<1x128x64xf32, #tpu.memory_space<vmem>> -> memref<128x64xf32, #tpu.memory_space<vmem>>
    %dma_start3A_66 = arith.constant 0 : i32
    %dma_start3A_67 = tpu.memref_slice %arg6[%dma_start3A_60, %dma_start3A_66] : memref<160x128xi32, #tpu.memory_space<vmem>> -> memref<1x128xi32, #tpu.memory_space<vmem>>
    %dma_start3A_68 = tpu.memref_squeeze %dma_start3A_67 : memref<1x128xi32, #tpu.memory_space<vmem>> -> memref<128xi32, #tpu.memory_space<vmem>>
    %dma_start3A_69 = arith.constant 0 : i32
    %dma_start3A_70 = arith.constant 0 : i32
    %dma_start3A_71 = tpu.memref_slice %arg2[%arg0, %dma_start3A_69, %dma_start3A_70] : memref<2x10240x64xf32, #tpu.memory_space<hbm>> -> memref<1x10240x64xf32, #tpu.memory_space<hbm>>
    %dma_start3A_72 = tpu.memref_squeeze %dma_start3A_71 : memref<1x10240x64xf32, #tpu.memory_space<hbm>> -> memref<10240x64xf32, #tpu.memory_space<hbm>>
    %dma_start3A_73 = arith.constant 0 : i32
    %dma_start3A_74 = arith.constant 0 : i32
    %dma_start3A_75 = tpu.memref_slice %dma_start3A_72[%dma_start3A_73, %dma_start3A_74] : memref<10240x64xf32, #tpu.memory_space<hbm>> -> memref<10240x64xf32, #tpu.memory_space<hbm>>
    tpu.enqueue_indirect_dma source(%dma_start3A_75 : memref<10240x64xf32, #tpu.memory_space<hbm>>) target(%dma_start3A_65 : memref<128x64xf32, #tpu.memory_space<vmem>>) offsets(%dma_start3A_68 : memref<128xi32, #tpu.memory_space<vmem>>) semaphore(%arg12 : memref<!tpu.dma_semaphore, #tpu.memory_space<semaphore_mem>>)
    %scan3A_76 = arith.constant 0 : i32
    %scan3A_77 = arith.constant 0 : i32
    %scan3A_78 = arith.constant 40 : i32
    %scan3A_79 = arith.addi %scan3A_77, %scan3A_78 : i32
    %scan3A_80 = arith.constant 1 : i32
    scf.for %scan3A_83 = %scan3A_77 to %scan3A_79 step %scan3A_80  : i32 {
      %mul3A_84 = arith.constant 4 : i32
      %mul3A_85 = arith.muli %scan3A_83, %mul3A_84 : i32
      %dma_wait3A = arith.constant 0 : i32
      %dma_wait3A_86 = arith.constant 0 : i32
      %dma_wait3A_87 = arith.constant 0 : i32
      %dma_wait3A_88 = arith.constant 0 : i32
      %dma_wait3A_89 = tpu.memref_slice %arg8[%dma_wait3A_86, %dma_wait3A_87, %dma_wait3A_88] : memref<4x128x64xf32, #tpu.memory_space<vmem>> -> memref<1x128x64xf32, #tpu.memory_space<vmem>>
      %dma_wait3A_90 = tpu.memref_squeeze %dma_wait3A_89 : memref<1x128x64xf32, #tpu.memory_space<vmem>> -> memref<128x64xf32, #tpu.memory_space<vmem>>
      %dma_wait3A_91 = arith.constant 0 : i32
      %dma_wait3A_92 = tpu.memref_slice %arg6[%dma_wait3A, %dma_wait3A_91] : memref<160x128xi32, #tpu.memory_space<vmem>> -> memref<1x128xi32, #tpu.memory_space<vmem>>
      %dma_wait3A_93 = tpu.memref_squeeze %dma_wait3A_92 : memref<1x128xi32, #tpu.memory_space<vmem>> -> memref<128xi32, #tpu.memory_space<vmem>>
      %dma_wait3A_94 = arith.constant 0 : i32
      %dma_wait3A_95 = arith.constant 0 : i32
      %dma_wait3A_96 = tpu.memref_slice %arg2[%arg0, %dma_wait3A_94, %dma_wait3A_95] : memref<2x10240x64xf32, #tpu.memory_space<hbm>> -> memref<1x10240x64xf32, #tpu.memory_space<hbm>>
      %dma_wait3A_97 = tpu.memref_squeeze %dma_wait3A_96 : memref<1x10240x64xf32, #tpu.memory_space<hbm>> -> memref<10240x64xf32, #tpu.memory_space<hbm>>
      %dma_wait3A_98 = arith.constant 0 : i32
      %dma_wait3A_99 = arith.constant 0 : i32
      %dma_wait3A_100 = tpu.memref_slice %dma_wait3A_97[%dma_wait3A_98, %dma_wait3A_99] : memref<10240x64xf32, #tpu.memory_space<hbm>> -> memref<10240x64xf32, #tpu.memory_space<hbm>>
      tpu.wait_indirect_dma semaphore(%arg11 : memref<!tpu.dma_semaphore, #tpu.memory_space<semaphore_mem>>) src(%dma_wait3A_100 : memref<10240x64xf32, #tpu.memory_space<hbm>>) dst(%dma_wait3A_90 : memref<128x64xf32, #tpu.memory_space<vmem>>)
      %add3A = arith.constant 0 : i32
      %add3A_101 = arith.addi %mul3A_85, %add3A : i32
      %dma_start3A_102 = arith.constant 0 : i32
      %dma_start3A_103 = arith.constant 0 : i32
      %dma_start3A_104 = arith.constant 0 : i32
      %dma_start3A_105 = tpu.memref_slice %arg8[%dma_start3A_102, %dma_start3A_103, %dma_start3A_104] : memref<4x128x64xf32, #tpu.memory_space<vmem>> -> memref<1x128x64xf32, #tpu.memory_space<vmem>>
      %dma_start3A_106 = tpu.memref_squeeze %dma_start3A_105 : memref<1x128x64xf32, #tpu.memory_space<vmem>> -> memref<128x64xf32, #tpu.memory_space<vmem>>
      %dma_start3A_107 = arith.constant 0 : i32
      %dma_start3A_108 = tpu.memref_slice %arg7[%add3A_101, %dma_start3A_107] : memref<160x128xi32, #tpu.memory_space<vmem>> -> memref<1x128xi32, #tpu.memory_space<vmem>>
      %dma_start3A_109 = tpu.memref_squeeze %dma_start3A_108 : memref<1x128xi32, #tpu.memory_space<vmem>> -> memref<128xi32, #tpu.memory_space<vmem>>
      %dma_start3A_110 = arith.constant 0 : i32
      %dma_start3A_111 = arith.constant 0 : i32
      %dma_start3A_112 = tpu.memref_slice %arg10[%dma_start3A_110, %dma_start3A_111] : memref<10240x64xf32, #tpu.memory_space<vmem_shared>> -> memref<10240x64xf32, #tpu.memory_space<vmem_shared>>
      tpu.enqueue_indirect_dma source(%dma_start3A_106 : memref<128x64xf32, #tpu.memory_space<vmem>>) target(%dma_start3A_112 : memref<10240x64xf32, #tpu.memory_space<vmem_shared>>) offsets(%dma_start3A_109 : memref<128xi32, #tpu.memory_space<vmem>>) semaphore(%arg13 : memref<!tpu.dma_semaphore, #tpu.memory_space<semaphore_mem>>) {add = true}
      %dma_wait3A_113 = arith.constant 0 : i32
      %dma_wait3A_114 = arith.constant 1 : i32
      %dma_wait3A_115 = arith.constant 0 : i32
      %dma_wait3A_116 = arith.constant 0 : i32
      %dma_wait3A_117 = tpu.memref_slice %arg8[%dma_wait3A_114, %dma_wait3A_115, %dma_wait3A_116] : memref<4x128x64xf32, #tpu.memory_space<vmem>> -> memref<1x128x64xf32, #tpu.memory_space<vmem>>
      %dma_wait3A_118 = tpu.memref_squeeze %dma_wait3A_117 : memref<1x128x64xf32, #tpu.memory_space<vmem>> -> memref<128x64xf32, #tpu.memory_space<vmem>>
      %dma_wait3A_119 = arith.constant 0 : i32
      %dma_wait3A_120 = tpu.memref_slice %arg6[%dma_wait3A_113, %dma_wait3A_119] : memref<160x128xi32, #tpu.memory_space<vmem>> -> memref<1x128xi32, #tpu.memory_space<vmem>>
      %dma_wait3A_121 = tpu.memref_squeeze %dma_wait3A_120 : memref<1x128xi32, #tpu.memory_space<vmem>> -> memref<128xi32, #tpu.memory_space<vmem>>
      %dma_wait3A_122 = arith.constant 0 : i32
      %dma_wait3A_123 = arith.constant 0 : i32
      %dma_wait3A_124 = tpu.memref_slice %arg2[%arg0, %dma_wait3A_122, %dma_wait3A_123] : memref<2x10240x64xf32, #tpu.memory_space<hbm>> -> memref<1x10240x64xf32, #tpu.memory_space<hbm>>
      %dma_wait3A_125 = tpu.memref_squeeze %dma_wait3A_124 : memref<1x10240x64xf32, #tpu.memory_space<hbm>> -> memref<10240x64xf32, #tpu.memory_space<hbm>>
      %dma_wait3A_126 = arith.constant 0 : i32
      %dma_wait3A_127 = arith.constant 0 : i32
      %dma_wait3A_128 = tpu.memref_slice %dma_wait3A_125[%dma_wait3A_126, %dma_wait3A_127] : memref<10240x64xf32, #tpu.memory_space<hbm>> -> memref<10240x64xf32, #tpu.memory_space<hbm>>
      tpu.wait_indirect_dma semaphore(%arg11 : memref<!tpu.dma_semaphore, #tpu.memory_space<semaphore_mem>>) src(%dma_wait3A_128 : memref<10240x64xf32, #tpu.memory_space<hbm>>) dst(%dma_wait3A_118 : memref<128x64xf32, #tpu.memory_space<vmem>>)
      %add3A_129 = arith.constant 1 : i32
      %add3A_130 = arith.addi %mul3A_85, %add3A_129 : i32
      %dma_start3A_131 = arith.constant 1 : i32
      %dma_start3A_132 = arith.constant 0 : i32
      %dma_start3A_133 = arith.constant 0 : i32
      %dma_start3A_134 = tpu.memref_slice %arg8[%dma_start3A_131, %dma_start3A_132, %dma_start3A_133] : memref<4x128x64xf32, #tpu.memory_space<vmem>> -> memref<1x128x64xf32, #tpu.memory_space<vmem>>
      %dma_start3A_135 = tpu.memref_squeeze %dma_start3A_134 : memref<1x128x64xf32, #tpu.memory_space<vmem>> -> memref<128x64xf32, #tpu.memory_space<vmem>>
      %dma_start3A_136 = arith.constant 0 : i32
      %dma_start3A_137 = tpu.memref_slice %arg7[%add3A_130, %dma_start3A_136] : memref<160x128xi32, #tpu.memory_space<vmem>> -> memref<1x128xi32, #tpu.memory_space<vmem>>
      %dma_start3A_138 = tpu.memref_squeeze %dma_start3A_137 : memref<1x128xi32, #tpu.memory_space<vmem>> -> memref<128xi32, #tpu.memory_space<vmem>>
      %dma_start3A_139 = arith.constant 0 : i32
      %dma_start3A_140 = arith.constant 0 : i32
      %dma_start3A_141 = tpu.memref_slice %arg10[%dma_start3A_139, %dma_start3A_140] : memref<10240x64xf32, #tpu.memory_space<vmem_shared>> -> memref<10240x64xf32, #tpu.memory_space<vmem_shared>>
      tpu.enqueue_indirect_dma source(%dma_start3A_135 : memref<128x64xf32, #tpu.memory_space<vmem>>) target(%dma_start3A_141 : memref<10240x64xf32, #tpu.memory_space<vmem_shared>>) offsets(%dma_start3A_138 : memref<128xi32, #tpu.memory_space<vmem>>) semaphore(%arg13 : memref<!tpu.dma_semaphore, #tpu.memory_space<semaphore_mem>>) {add = true}
      %dma_wait3A_142 = arith.constant 0 : i32
      %dma_wait3A_143 = arith.constant 2 : i32
      %dma_wait3A_144 = arith.constant 0 : i32
      %dma_wait3A_145 = arith.constant 0 : i32
      %dma_wait3A_146 = tpu.memref_slice %arg8[%dma_wait3A_143, %dma_wait3A_144, %dma_wait3A_145] : memref<4x128x64xf32, #tpu.memory_space<vmem>> -> memref<1x128x64xf32, #tpu.memory_space<vmem>>
      %dma_wait3A_147 = tpu.memref_squeeze %dma_wait3A_146 : memref<1x128x64xf32, #tpu.memory_space<vmem>> -> memref<128x64xf32, #tpu.memory_space<vmem>>
      %dma_wait3A_148 = arith.constant 0 : i32
      %dma_wait3A_149 = tpu.memref_slice %arg6[%dma_wait3A_142, %dma_wait3A_148] : memref<160x128xi32, #tpu.memory_space<vmem>> -> memref<1x128xi32, #tpu.memory_space<vmem>>
      %dma_wait3A_150 = tpu.memref_squeeze %dma_wait3A_149 : memref<1x128xi32, #tpu.memory_space<vmem>> -> memref<128xi32, #tpu.memory_space<vmem>>
      %dma_wait3A_151 = arith.constant 0 : i32
      %dma_wait3A_152 = arith.constant 0 : i32
      %dma_wait3A_153 = tpu.memref_slice %arg2[%arg0, %dma_wait3A_151, %dma_wait3A_152] : memref<2x10240x64xf32, #tpu.memory_space<hbm>> -> memref<1x10240x64xf32, #tpu.memory_space<hbm>>
      %dma_wait3A_154 = tpu.memref_squeeze %dma_wait3A_153 : memref<1x10240x64xf32, #tpu.memory_space<hbm>> -> memref<10240x64xf32, #tpu.memory_space<hbm>>
      %dma_wait3A_155 = arith.constant 0 : i32
      %dma_wait3A_156 = arith.constant 0 : i32
      %dma_wait3A_157 = tpu.memref_slice %dma_wait3A_154[%dma_wait3A_155, %dma_wait3A_156] : memref<10240x64xf32, #tpu.memory_space<hbm>> -> memref<10240x64xf32, #tpu.memory_space<hbm>>
      tpu.wait_indirect_dma semaphore(%arg12 : memref<!tpu.dma_semaphore, #tpu.memory_space<semaphore_mem>>) src(%dma_wait3A_157 : memref<10240x64xf32, #tpu.memory_space<hbm>>) dst(%dma_wait3A_147 : memref<128x64xf32, #tpu.memory_space<vmem>>)
      %add3A_158 = arith.constant 2 : i32
      %add3A_159 = arith.addi %mul3A_85, %add3A_158 : i32
      %dma_start3A_160 = arith.constant 2 : i32
      %dma_start3A_161 = arith.constant 0 : i32
      %dma_start3A_162 = arith.constant 0 : i32
      %dma_start3A_163 = tpu.memref_slice %arg8[%dma_start3A_160, %dma_start3A_161, %dma_start3A_162] : memref<4x128x64xf32, #tpu.memory_space<vmem>> -> memref<1x128x64xf32, #tpu.memory_space<vmem>>
      %dma_start3A_164 = tpu.memref_squeeze %dma_start3A_163 : memref<1x128x64xf32, #tpu.memory_space<vmem>> -> memref<128x64xf32, #tpu.memory_space<vmem>>
      %dma_start3A_165 = arith.constant 0 : i32
      %dma_start3A_166 = tpu.memref_slice %arg7[%add3A_159, %dma_start3A_165] : memref<160x128xi32, #tpu.memory_space<vmem>> -> memref<1x128xi32, #tpu.memory_space<vmem>>
      %dma_start3A_167 = tpu.memref_squeeze %dma_start3A_166 : memref<1x128xi32, #tpu.memory_space<vmem>> -> memref<128xi32, #tpu.memory_space<vmem>>
      %dma_start3A_168 = arith.constant 0 : i32
      %dma_start3A_169 = arith.constant 0 : i32
      %dma_start3A_170 = tpu.memref_slice %arg10[%dma_start3A_168, %dma_start3A_169] : memref<10240x64xf32, #tpu.memory_space<vmem_shared>> -> memref<10240x64xf32, #tpu.memory_space<vmem_shared>>
      tpu.enqueue_indirect_dma source(%dma_start3A_164 : memref<128x64xf32, #tpu.memory_space<vmem>>) target(%dma_start3A_170 : memref<10240x64xf32, #tpu.memory_space<vmem_shared>>) offsets(%dma_start3A_167 : memref<128xi32, #tpu.memory_space<vmem>>) semaphore(%arg14 : memref<!tpu.dma_semaphore, #tpu.memory_space<semaphore_mem>>) {add = true}
      %dma_wait3A_171 = arith.constant 0 : i32
      %dma_wait3A_172 = arith.constant 3 : i32
      %dma_wait3A_173 = arith.constant 0 : i32
      %dma_wait3A_174 = arith.constant 0 : i32
      %dma_wait3A_175 = tpu.memref_slice %arg8[%dma_wait3A_172, %dma_wait3A_173, %dma_wait3A_174] : memref<4x128x64xf32, #tpu.memory_space<vmem>> -> memref<1x128x64xf32, #tpu.memory_space<vmem>>
      %dma_wait3A_176 = tpu.memref_squeeze %dma_wait3A_175 : memref<1x128x64xf32, #tpu.memory_space<vmem>> -> memref<128x64xf32, #tpu.memory_space<vmem>>
      %dma_wait3A_177 = arith.constant 0 : i32
      %dma_wait3A_178 = tpu.memref_slice %arg6[%dma_wait3A_171, %dma_wait3A_177] : memref<160x128xi32, #tpu.memory_space<vmem>> -> memref<1x128xi32, #tpu.memory_space<vmem>>
      %dma_wait3A_179 = tpu.memref_squeeze %dma_wait3A_178 : memref<1x128xi32, #tpu.memory_space<vmem>> -> memref<128xi32, #tpu.memory_space<vmem>>
      %dma_wait3A_180 = arith.constant 0 : i32
      %dma_wait3A_181 = arith.constant 0 : i32
      %dma_wait3A_182 = tpu.memref_slice %arg2[%arg0, %dma_wait3A_180, %dma_wait3A_181] : memref<2x10240x64xf32, #tpu.memory_space<hbm>> -> memref<1x10240x64xf32, #tpu.memory_space<hbm>>
      %dma_wait3A_183 = tpu.memref_squeeze %dma_wait3A_182 : memref<1x10240x64xf32, #tpu.memory_space<hbm>> -> memref<10240x64xf32, #tpu.memory_space<hbm>>
      %dma_wait3A_184 = arith.constant 0 : i32
      %dma_wait3A_185 = arith.constant 0 : i32
      %dma_wait3A_186 = tpu.memref_slice %dma_wait3A_183[%dma_wait3A_184, %dma_wait3A_185] : memref<10240x64xf32, #tpu.memory_space<hbm>> -> memref<10240x64xf32, #tpu.memory_space<hbm>>
      tpu.wait_indirect_dma semaphore(%arg12 : memref<!tpu.dma_semaphore, #tpu.memory_space<semaphore_mem>>) src(%dma_wait3A_186 : memref<10240x64xf32, #tpu.memory_space<hbm>>) dst(%dma_wait3A_176 : memref<128x64xf32, #tpu.memory_space<vmem>>)
      %add3A_187 = arith.constant 3 : i32
      %add3A_188 = arith.addi %mul3A_85, %add3A_187 : i32
      %dma_start3A_189 = arith.constant 3 : i32
      %dma_start3A_190 = arith.constant 0 : i32
      %dma_start3A_191 = arith.constant 0 : i32
      %dma_start3A_192 = tpu.memref_slice %arg8[%dma_start3A_189, %dma_start3A_190, %dma_start3A_191] : memref<4x128x64xf32, #tpu.memory_space<vmem>> -> memref<1x128x64xf32, #tpu.memory_space<vmem>>
      %dma_start3A_193 = tpu.memref_squeeze %dma_start3A_192 : memref<1x128x64xf32, #tpu.memory_space<vmem>> -> memref<128x64xf32, #tpu.memory_space<vmem>>
      %dma_start3A_194 = arith.constant 0 : i32
      %dma_start3A_195 = tpu.memref_slice %arg7[%add3A_188, %dma_start3A_194] : memref<160x128xi32, #tpu.memory_space<vmem>> -> memref<1x128xi32, #tpu.memory_space<vmem>>
      %dma_start3A_196 = tpu.memref_squeeze %dma_start3A_195 : memref<1x128xi32, #tpu.memory_space<vmem>> -> memref<128xi32, #tpu.memory_space<vmem>>
      %dma_start3A_197 = arith.constant 0 : i32
      %dma_start3A_198 = arith.constant 0 : i32
      %dma_start3A_199 = tpu.memref_slice %arg10[%dma_start3A_197, %dma_start3A_198] : memref<10240x64xf32, #tpu.memory_space<vmem_shared>> -> memref<10240x64xf32, #tpu.memory_space<vmem_shared>>
      tpu.enqueue_indirect_dma source(%dma_start3A_193 : memref<128x64xf32, #tpu.memory_space<vmem>>) target(%dma_start3A_199 : memref<10240x64xf32, #tpu.memory_space<vmem_shared>>) offsets(%dma_start3A_196 : memref<128xi32, #tpu.memory_space<vmem>>) semaphore(%arg14 : memref<!tpu.dma_semaphore, #tpu.memory_space<semaphore_mem>>) {add = true}
      %dma_wait3A_200 = arith.constant 0 : i32
      %dma_wait3A_201 = arith.constant 0 : i32
      %dma_wait3A_202 = arith.constant 0 : i32
      %dma_wait3A_203 = arith.constant 0 : i32
      %dma_wait3A_204 = tpu.memref_slice %arg8[%dma_wait3A_200, %dma_wait3A_202, %dma_wait3A_203] : memref<4x128x64xf32, #tpu.memory_space<vmem>> -> memref<1x128x64xf32, #tpu.memory_space<vmem>>
      %dma_wait3A_205 = tpu.memref_squeeze %dma_wait3A_204 : memref<1x128x64xf32, #tpu.memory_space<vmem>> -> memref<128x64xf32, #tpu.memory_space<vmem>>
      %dma_wait3A_206 = arith.constant 0 : i32
      %dma_wait3A_207 = tpu.memref_slice %arg7[%dma_wait3A_201, %dma_wait3A_206] : memref<160x128xi32, #tpu.memory_space<vmem>> -> memref<1x128xi32, #tpu.memory_space<vmem>>
      %dma_wait3A_208 = tpu.memref_squeeze %dma_wait3A_207 : memref<1x128xi32, #tpu.memory_space<vmem>> -> memref<128xi32, #tpu.memory_space<vmem>>
      %dma_wait3A_209 = arith.constant 0 : i32
      %dma_wait3A_210 = arith.constant 0 : i32
      %dma_wait3A_211 = tpu.memref_slice %arg10[%dma_wait3A_209, %dma_wait3A_210] : memref<10240x64xf32, #tpu.memory_space<vmem_shared>> -> memref<10240x64xf32, #tpu.memory_space<vmem_shared>>
      tpu.wait_indirect_dma semaphore(%arg13 : memref<!tpu.dma_semaphore, #tpu.memory_space<semaphore_mem>>) src(%dma_wait3A_205 : memref<128x64xf32, #tpu.memory_space<vmem>>) dst(%dma_wait3A_211 : memref<10240x64xf32, #tpu.memory_space<vmem_shared>>)
      %dma_wait3A_212 = arith.constant 1 : i32
      %dma_wait3A_213 = arith.constant 0 : i32
      %dma_wait3A_214 = arith.constant 0 : i32
      %dma_wait3A_215 = arith.constant 0 : i32
      %dma_wait3A_216 = tpu.memref_slice %arg8[%dma_wait3A_212, %dma_wait3A_214, %dma_wait3A_215] : memref<4x128x64xf32, #tpu.memory_space<vmem>> -> memref<1x128x64xf32, #tpu.memory_space<vmem>>
      %dma_wait3A_217 = tpu.memref_squeeze %dma_wait3A_216 : memref<1x128x64xf32, #tpu.memory_space<vmem>> -> memref<128x64xf32, #tpu.memory_space<vmem>>
      %dma_wait3A_218 = arith.constant 0 : i32
      %dma_wait3A_219 = tpu.memref_slice %arg7[%dma_wait3A_213, %dma_wait3A_218] : memref<160x128xi32, #tpu.memory_space<vmem>> -> memref<1x128xi32, #tpu.memory_space<vmem>>
      %dma_wait3A_220 = tpu.memref_squeeze %dma_wait3A_219 : memref<1x128xi32, #tpu.memory_space<vmem>> -> memref<128xi32, #tpu.memory_space<vmem>>
      %dma_wait3A_221 = arith.constant 0 : i32
      %dma_wait3A_222 = arith.constant 0 : i32
      %dma_wait3A_223 = tpu.memref_slice %arg10[%dma_wait3A_221, %dma_wait3A_222] : memref<10240x64xf32, #tpu.memory_space<vmem_shared>> -> memref<10240x64xf32, #tpu.memory_space<vmem_shared>>
      tpu.wait_indirect_dma semaphore(%arg13 : memref<!tpu.dma_semaphore, #tpu.memory_space<semaphore_mem>>) src(%dma_wait3A_217 : memref<128x64xf32, #tpu.memory_space<vmem>>) dst(%dma_wait3A_223 : memref<10240x64xf32, #tpu.memory_space<vmem_shared>>)
      %add3A_224 = arith.constant 1 : i32
      %add3A_225 = arith.addi %scan3A_83, %add3A_224 : i32
      %lt3A = arith.constant 40 : i32
      %lt3A_226 = arith.cmpi slt, %add3A_225, %lt3A : i32
      %convert_element_type3A = arith.extui %lt3A_226 : i1 to i32
      %cond3A = arith.constant 0 : i32
      %cond3A_227 = arith.cmpi ne, %convert_element_type3A, %cond3A : i32
      scf.if %cond3A_227 {
        %add3A_259 = arith.constant 4 : i32
        %add3A_260 = arith.addi %mul3A_85, %add3A_259 : i32
        %add3A_261 = arith.constant 0 : i32
        %add3A_262 = arith.addi %add3A_260, %add3A_261 : i32
        %dma_start3A_263 = arith.constant 0 : i32
        %dma_start3A_264 = arith.constant 0 : i32
        %dma_start3A_265 = arith.constant 0 : i32
        %dma_start3A_266 = tpu.memref_slice %arg8[%dma_start3A_263, %dma_start3A_264, %dma_start3A_265] : memref<4x128x64xf32, #tpu.memory_space<vmem>> -> memref<1x128x64xf32, #tpu.memory_space<vmem>>
        %dma_start3A_267 = tpu.memref_squeeze %dma_start3A_266 : memref<1x128x64xf32, #tpu.memory_space<vmem>> -> memref<128x64xf32, #tpu.memory_space<vmem>>
        %dma_start3A_268 = arith.constant 0 : i32
        %dma_start3A_269 = tpu.memref_slice %arg6[%add3A_262, %dma_start3A_268] : memref<160x128xi32, #tpu.memory_space<vmem>> -> memref<1x128xi32, #tpu.memory_space<vmem>>
        %dma_start3A_270 = tpu.memref_squeeze %dma_start3A_269 : memref<1x128xi32, #tpu.memory_space<vmem>> -> memref<128xi32, #tpu.memory_space<vmem>>
        %dma_start3A_271 = arith.constant 0 : i32
        %dma_start3A_272 = arith.constant 0 : i32
        %dma_start3A_273 = tpu.memref_slice %arg2[%arg0, %dma_start3A_271, %dma_start3A_272] : memref<2x10240x64xf32, #tpu.memory_space<hbm>> -> memref<1x10240x64xf32, #tpu.memory_space<hbm>>
        %dma_start3A_274 = tpu.memref_squeeze %dma_start3A_273 : memref<1x10240x64xf32, #tpu.memory_space<hbm>> -> memref<10240x64xf32, #tpu.memory_space<hbm>>
        %dma_start3A_275 = arith.constant 0 : i32
        %dma_start3A_276 = arith.constant 0 : i32
        %dma_start3A_277 = tpu.memref_slice %dma_start3A_274[%dma_start3A_275, %dma_start3A_276] : memref<10240x64xf32, #tpu.memory_space<hbm>> -> memref<10240x64xf32, #tpu.memory_space<hbm>>
        tpu.enqueue_indirect_dma source(%dma_start3A_277 : memref<10240x64xf32, #tpu.memory_space<hbm>>) target(%dma_start3A_267 : memref<128x64xf32, #tpu.memory_space<vmem>>) offsets(%dma_start3A_270 : memref<128xi32, #tpu.memory_space<vmem>>) semaphore(%arg11 : memref<!tpu.dma_semaphore, #tpu.memory_space<semaphore_mem>>)
        %add3A_278 = arith.constant 4 : i32
        %add3A_279 = arith.addi %mul3A_85, %add3A_278 : i32
        %add3A_280 = arith.constant 1 : i32
        %add3A_281 = arith.addi %add3A_279, %add3A_280 : i32
        %dma_start3A_282 = arith.constant 1 : i32
        %dma_start3A_283 = arith.constant 0 : i32
        %dma_start3A_284 = arith.constant 0 : i32
        %dma_start3A_285 = tpu.memref_slice %arg8[%dma_start3A_282, %dma_start3A_283, %dma_start3A_284] : memref<4x128x64xf32, #tpu.memory_space<vmem>> -> memref<1x128x64xf32, #tpu.memory_space<vmem>>
        %dma_start3A_286 = tpu.memref_squeeze %dma_start3A_285 : memref<1x128x64xf32, #tpu.memory_space<vmem>> -> memref<128x64xf32, #tpu.memory_space<vmem>>
        %dma_start3A_287 = arith.constant 0 : i32
        %dma_start3A_288 = tpu.memref_slice %arg6[%add3A_281, %dma_start3A_287] : memref<160x128xi32, #tpu.memory_space<vmem>> -> memref<1x128xi32, #tpu.memory_space<vmem>>
        %dma_start3A_289 = tpu.memref_squeeze %dma_start3A_288 : memref<1x128xi32, #tpu.memory_space<vmem>> -> memref<128xi32, #tpu.memory_space<vmem>>
        %dma_start3A_290 = arith.constant 0 : i32
        %dma_start3A_291 = arith.constant 0 : i32
        %dma_start3A_292 = tpu.memref_slice %arg2[%arg0, %dma_start3A_290, %dma_start3A_291] : memref<2x10240x64xf32, #tpu.memory_space<hbm>> -> memref<1x10240x64xf32, #tpu.memory_space<hbm>>
        %dma_start3A_293 = tpu.memref_squeeze %dma_start3A_292 : memref<1x10240x64xf32, #tpu.memory_space<hbm>> -> memref<10240x64xf32, #tpu.memory_space<hbm>>
        %dma_start3A_294 = arith.constant 0 : i32
        %dma_start3A_295 = arith.constant 0 : i32
        %dma_start3A_296 = tpu.memref_slice %dma_start3A_293[%dma_start3A_294, %dma_start3A_295] : memref<10240x64xf32, #tpu.memory_space<hbm>> -> memref<10240x64xf32, #tpu.memory_space<hbm>>
        tpu.enqueue_indirect_dma source(%dma_start3A_296 : memref<10240x64xf32, #tpu.memory_space<hbm>>) target(%dma_start3A_286 : memref<128x64xf32, #tpu.memory_space<vmem>>) offsets(%dma_start3A_289 : memref<128xi32, #tpu.memory_space<vmem>>) semaphore(%arg11 : memref<!tpu.dma_semaphore, #tpu.memory_space<semaphore_mem>>)
      } else {
      }
      %dma_wait3A_228 = arith.constant 2 : i32
      %dma_wait3A_229 = arith.constant 0 : i32
      %dma_wait3A_230 = arith.constant 0 : i32
      %dma_wait3A_231 = arith.constant 0 : i32
      %dma_wait3A_232 = tpu.memref_slice %arg8[%dma_wait3A_228, %dma_wait3A_230, %dma_wait3A_231] : memref<4x128x64xf32, #tpu.memory_space<vmem>> -> memref<1x128x64xf32, #tpu.memory_space<vmem>>
      %dma_wait3A_233 = tpu.memref_squeeze %dma_wait3A_232 : memref<1x128x64xf32, #tpu.memory_space<vmem>> -> memref<128x64xf32, #tpu.memory_space<vmem>>
      %dma_wait3A_234 = arith.constant 0 : i32
      %dma_wait3A_235 = tpu.memref_slice %arg7[%dma_wait3A_229, %dma_wait3A_234] : memref<160x128xi32, #tpu.memory_space<vmem>> -> memref<1x128xi32, #tpu.memory_space<vmem>>
      %dma_wait3A_236 = tpu.memref_squeeze %dma_wait3A_235 : memref<1x128xi32, #tpu.memory_space<vmem>> -> memref<128xi32, #tpu.memory_space<vmem>>
      %dma_wait3A_237 = arith.constant 0 : i32
      %dma_wait3A_238 = arith.constant 0 : i32
      %dma_wait3A_239 = tpu.memref_slice %arg10[%dma_wait3A_237, %dma_wait3A_238] : memref<10240x64xf32, #tpu.memory_space<vmem_shared>> -> memref<10240x64xf32, #tpu.memory_space<vmem_shared>>
      tpu.wait_indirect_dma semaphore(%arg14 : memref<!tpu.dma_semaphore, #tpu.memory_space<semaphore_mem>>) src(%dma_wait3A_233 : memref<128x64xf32, #tpu.memory_space<vmem>>) dst(%dma_wait3A_239 : memref<10240x64xf32, #tpu.memory_space<vmem_shared>>)
      %dma_wait3A_240 = arith.constant 3 : i32
      %dma_wait3A_241 = arith.constant 0 : i32
      %dma_wait3A_242 = arith.constant 0 : i32
      %dma_wait3A_243 = arith.constant 0 : i32
      %dma_wait3A_244 = tpu.memref_slice %arg8[%dma_wait3A_240, %dma_wait3A_242, %dma_wait3A_243] : memref<4x128x64xf32, #tpu.memory_space<vmem>> -> memref<1x128x64xf32, #tpu.memory_space<vmem>>
      %dma_wait3A_245 = tpu.memref_squeeze %dma_wait3A_244 : memref<1x128x64xf32, #tpu.memory_space<vmem>> -> memref<128x64xf32, #tpu.memory_space<vmem>>
      %dma_wait3A_246 = arith.constant 0 : i32
      %dma_wait3A_247 = tpu.memref_slice %arg7[%dma_wait3A_241, %dma_wait3A_246] : memref<160x128xi32, #tpu.memory_space<vmem>> -> memref<1x128xi32, #tpu.memory_space<vmem>>
      %dma_wait3A_248 = tpu.memref_squeeze %dma_wait3A_247 : memref<1x128xi32, #tpu.memory_space<vmem>> -> memref<128xi32, #tpu.memory_space<vmem>>
      %dma_wait3A_249 = arith.constant 0 : i32
      %dma_wait3A_250 = arith.constant 0 : i32
      %dma_wait3A_251 = tpu.memref_slice %arg10[%dma_wait3A_249, %dma_wait3A_250] : memref<10240x64xf32, #tpu.memory_space<vmem_shared>> -> memref<10240x64xf32, #tpu.memory_space<vmem_shared>>
      tpu.wait_indirect_dma semaphore(%arg14 : memref<!tpu.dma_semaphore, #tpu.memory_space<semaphore_mem>>) src(%dma_wait3A_245 : memref<128x64xf32, #tpu.memory_space<vmem>>) dst(%dma_wait3A_251 : memref<10240x64xf32, #tpu.memory_space<vmem_shared>>)
      %add3A_252 = arith.constant 1 : i32
      %add3A_253 = arith.addi %scan3A_83, %add3A_252 : i32
      %lt3A_254 = arith.constant 40 : i32
      %lt3A_255 = arith.cmpi slt, %add3A_253, %lt3A_254 : i32
      %convert_element_type3A_256 = arith.extui %lt3A_255 : i1 to i32
      %cond3A_257 = arith.constant 0 : i32
      %cond3A_258 = arith.cmpi ne, %convert_element_type3A_256, %cond3A_257 : i32
      scf.if %cond3A_258 {
        %add3A_259 = arith.constant 4 : i32
        %add3A_260 = arith.addi %mul3A_85, %add3A_259 : i32
        %add3A_261 = arith.constant 2 : i32
        %add3A_262 = arith.addi %add3A_260, %add3A_261 : i32
        %dma_start3A_263 = arith.constant 2 : i32
        %dma_start3A_264 = arith.constant 0 : i32
        %dma_start3A_265 = arith.constant 0 : i32
        %dma_start3A_266 = tpu.memref_slice %arg8[%dma_start3A_263, %dma_start3A_264, %dma_start3A_265] : memref<4x128x64xf32, #tpu.memory_space<vmem>> -> memref<1x128x64xf32, #tpu.memory_space<vmem>>
        %dma_start3A_267 = tpu.memref_squeeze %dma_start3A_266 : memref<1x128x64xf32, #tpu.memory_space<vmem>> -> memref<128x64xf32, #tpu.memory_space<vmem>>
        %dma_start3A_268 = arith.constant 0 : i32
        %dma_start3A_269 = tpu.memref_slice %arg6[%add3A_262, %dma_start3A_268] : memref<160x128xi32, #tpu.memory_space<vmem>> -> memref<1x128xi32, #tpu.memory_space<vmem>>
        %dma_start3A_270 = tpu.memref_squeeze %dma_start3A_269 : memref<1x128xi32, #tpu.memory_space<vmem>> -> memref<128xi32, #tpu.memory_space<vmem>>
        %dma_start3A_271 = arith.constant 0 : i32
        %dma_start3A_272 = arith.constant 0 : i32
        %dma_start3A_273 = tpu.memref_slice %arg2[%arg0, %dma_start3A_271, %dma_start3A_272] : memref<2x10240x64xf32, #tpu.memory_space<hbm>> -> memref<1x10240x64xf32, #tpu.memory_space<hbm>>
        %dma_start3A_274 = tpu.memref_squeeze %dma_start3A_273 : memref<1x10240x64xf32, #tpu.memory_space<hbm>> -> memref<10240x64xf32, #tpu.memory_space<hbm>>
        %dma_start3A_275 = arith.constant 0 : i32
        %dma_start3A_276 = arith.constant 0 : i32
        %dma_start3A_277 = tpu.memref_slice %dma_start3A_274[%dma_start3A_275, %dma_start3A_276] : memref<10240x64xf32, #tpu.memory_space<hbm>> -> memref<10240x64xf32, #tpu.memory_space<hbm>>
        tpu.enqueue_indirect_dma source(%dma_start3A_277 : memref<10240x64xf32, #tpu.memory_space<hbm>>) target(%dma_start3A_267 : memref<128x64xf32, #tpu.memory_space<vmem>>) offsets(%dma_start3A_270 : memref<128xi32, #tpu.memory_space<vmem>>) semaphore(%arg12 : memref<!tpu.dma_semaphore, #tpu.memory_space<semaphore_mem>>)
        %add3A_278 = arith.constant 4 : i32
        %add3A_279 = arith.addi %mul3A_85, %add3A_278 : i32
        %add3A_280 = arith.constant 3 : i32
        %add3A_281 = arith.addi %add3A_279, %add3A_280 : i32
        %dma_start3A_282 = arith.constant 3 : i32
        %dma_start3A_283 = arith.constant 0 : i32
        %dma_start3A_284 = arith.constant 0 : i32
        %dma_start3A_285 = tpu.memref_slice %arg8[%dma_start3A_282, %dma_start3A_283, %dma_start3A_284] : memref<4x128x64xf32, #tpu.memory_space<vmem>> -> memref<1x128x64xf32, #tpu.memory_space<vmem>>
        %dma_start3A_286 = tpu.memref_squeeze %dma_start3A_285 : memref<1x128x64xf32, #tpu.memory_space<vmem>> -> memref<128x64xf32, #tpu.memory_space<vmem>>
        %dma_start3A_287 = arith.constant 0 : i32
        %dma_start3A_288 = tpu.memref_slice %arg6[%add3A_281, %dma_start3A_287] : memref<160x128xi32, #tpu.memory_space<vmem>> -> memref<1x128xi32, #tpu.memory_space<vmem>>
        %dma_start3A_289 = tpu.memref_squeeze %dma_start3A_288 : memref<1x128xi32, #tpu.memory_space<vmem>> -> memref<128xi32, #tpu.memory_space<vmem>>
        %dma_start3A_290 = arith.constant 0 : i32
        %dma_start3A_291 = arith.constant 0 : i32
        %dma_start3A_292 = tpu.memref_slice %arg2[%arg0, %dma_start3A_290, %dma_start3A_291] : memref<2x10240x64xf32, #tpu.memory_space<hbm>> -> memref<1x10240x64xf32, #tpu.memory_space<hbm>>
        %dma_start3A_293 = tpu.memref_squeeze %dma_start3A_292 : memref<1x10240x64xf32, #tpu.memory_space<hbm>> -> memref<10240x64xf32, #tpu.memory_space<hbm>>
        %dma_start3A_294 = arith.constant 0 : i32
        %dma_start3A_295 = arith.constant 0 : i32
        %dma_start3A_296 = tpu.memref_slice %dma_start3A_293[%dma_start3A_294, %dma_start3A_295] : memref<10240x64xf32, #tpu.memory_space<hbm>> -> memref<10240x64xf32, #tpu.memory_space<hbm>>
        tpu.enqueue_indirect_dma source(%dma_start3A_296 : memref<10240x64xf32, #tpu.memory_space<hbm>>) target(%dma_start3A_286 : memref<128x64xf32, #tpu.memory_space<vmem>>) offsets(%dma_start3A_289 : memref<128xi32, #tpu.memory_space<vmem>>) semaphore(%arg12 : memref<!tpu.dma_semaphore, #tpu.memory_space<semaphore_mem>>)
      } else {
      }
    }
    %scan3A_81 = arith.constant 40 : i32
    %barrier3A_82 = arith.constant 0 : index
    tpu.barrier barrier_id(%barrier3A_82)
    "tpu.region"() ({
      %run_scoped3A = tpu.sem_alloc : memref<!tpu.dma_semaphore, #tpu.memory_space<semaphore_mem>>
      %dma_start3A_83 = arith.constant 0 : i32
      %dma_start3A_84 = tpu.memref_slice %arg5[%arg0, %mul3A_6, %dma_start3A_83] : memref<2x10240x64xf32, #tpu.memory_space<hbm>> -> memref<1x640x64xf32, #tpu.memory_space<hbm>>
      %dma_start3A_85 = tpu.memref_squeeze %dma_start3A_84 : memref<1x640x64xf32, #tpu.memory_space<hbm>> -> memref<640x64xf32, #tpu.memory_space<hbm>>
      %dma_start3A_86 = arith.constant 0 : i32
      %dma_start3A_87 = tpu.memref_slice %arg10[%mul3A_6, %dma_start3A_86] : memref<10240x64xf32, #tpu.memory_space<vmem_shared>> -> memref<640x64xf32, #tpu.memory_space<vmem_shared>>
      tpu.enqueue_dma source(%dma_start3A_87 : memref<640x64xf32, #tpu.memory_space<vmem_shared>>) target(%dma_start3A_85 : memref<640x64xf32, #tpu.memory_space<hbm>>) target_semaphore(%run_scoped3A : memref<!tpu.dma_semaphore, #tpu.memory_space<semaphore_mem>>)
      %dma_wait3A = arith.constant 0 : i32
      %dma_wait3A_88 = tpu.memref_slice %arg5[%arg0, %mul3A_6, %dma_wait3A] : memref<2x10240x64xf32, #tpu.memory_space<hbm>> -> memref<1x640x64xf32, #tpu.memory_space<hbm>>
      %dma_wait3A_89 = tpu.memref_squeeze %dma_wait3A_88 : memref<1x640x64xf32, #tpu.memory_space<hbm>> -> memref<640x64xf32, #tpu.memory_space<hbm>>
      %dma_wait3A_90 = arith.constant 0 : i32
      %dma_wait3A_91 = tpu.memref_slice %arg10[%mul3A_6, %dma_wait3A_90] : memref<10240x64xf32, #tpu.memory_space<vmem_shared>> -> memref<640x64xf32, #tpu.memory_space<vmem_shared>>
      tpu.wait_dma2 semaphore(%run_scoped3A : memref<!tpu.dma_semaphore, #tpu.memory_space<semaphore_mem>>) src(%dma_wait3A_91 : memref<640x64xf32, #tpu.memory_space<vmem_shared>>) dst(%dma_wait3A_89 : memref<640x64xf32, #tpu.memory_space<hbm>>)
      tpu.yield
    }) : () -> ()
    return
  }
}

#map = affine_map<(d0, d1) -> (0, 0, 0)>
module attributes {stable_mosaic.version = 14 : i64} {
  func.func @_sc_body(%arg0: i32, %arg1: i32, %arg2: memref<2x10240x64xf32, #tpu.memory_space<hbm>>, %arg3: memref<16x160x128xi32, #tpu.memory_space<hbm>>, %arg4: memref<16x160x128xi32, #tpu.memory_space<hbm>>, %arg5: memref<2x10240x64xf32, #tpu.memory_space<hbm>>, %arg6: memref<160x128xi32, #tpu.memory_space<vmem>>, %arg7: memref<160x128xi32, #tpu.memory_space<vmem>>, %arg8: memref<4x128x64xf32, #tpu.memory_space<vmem>>, %arg9: memref<64x64xf32, #tpu.memory_space<vmem>>, %arg10: memref<10240x64xf32, #tpu.memory_space<vmem_shared>>, %arg11: memref<!tpu.dma_semaphore, #tpu.memory_space<semaphore_mem>>, %arg12: memref<!tpu.dma_semaphore, #tpu.memory_space<semaphore_mem>>, %arg13: memref<!tpu.dma_semaphore, #tpu.memory_space<semaphore_mem>>, %arg14: memref<!tpu.dma_semaphore, #tpu.memory_space<semaphore_mem>>) attributes {dimension_semantics = [#tpu.dimension_semantics<core_parallel>, #tpu.dimension_semantics<subcore_parallel>], iteration_bounds = array<i64: 2, 16>, scalar_prefetch = 0 : i64, scratch_operands = 9 : i64, tpu.core_type = #tpu.core_type<sc_vector_subcore>, window_params = [{transform_indices = #map}, {transform_indices = #map}, {transform_indices = #map}, {transform_indices = #map}]} {
    %broadcast_in_dim3A = arith.constant 0.000000e+00 : f32
    %broadcast_in_dim3A_0 = vector.broadcast %broadcast_in_dim3A : f32 to vector<16xf32>
    %scan3A = arith.constant 0 : i32
    %scan3A_1 = arith.constant 0 : i32
    %scan3A_2 = arith.constant 256 : i32
    %scan3A_3 = arith.addi %scan3A_1, %scan3A_2 : i32
    %scan3A_4 = arith.constant 1 : i32
    scf.for %scan3A_83 = %scan3A_1 to %scan3A_3 step %scan3A_4  : i32 {
      %jit3A = arith.constant 4 : i32
      %div3A = arith.divsi %scan3A_83, %jit3A : i32
      %sign3A = arith.constant 0 : i32
      %sign3A_84 = arith.cmpi sgt, %scan3A_83, %sign3A : i32
      %sign3A_85 = arith.extui %sign3A_84 : i1 to i32
      %sign3A_86 = arith.constant 0 : i32
      %sign3A_87 = arith.cmpi slt, %scan3A_83, %sign3A_86 : i32
      %sign3A_88 = arith.extui %sign3A_87 : i1 to i32
      %sign3A_89 = arith.subi %sign3A_85, %sign3A_88 : i32
      %sign3A_90 = arith.constant 0 : i32
      %sign3A_91 = arith.cmpi sgt, %jit3A, %sign3A_90 : i32
      %sign3A_92 = arith.extui %sign3A_91 : i1 to i32
      %sign3A_93 = arith.constant 0 : i32
      %sign3A_94 = arith.cmpi slt, %jit3A, %sign3A_93 : i32
      %sign3A_95 = arith.extui %sign3A_94 : i1 to i32
      %sign3A_96 = arith.subi %sign3A_92, %sign3A_95 : i32
      %ne3A = arith.cmpi ne, %sign3A_89, %sign3A_96 : i32
      %rem3A = arith.remsi %scan3A_83, %jit3A : i32
      %ne3A_97 = arith.constant 0 : i32
      %ne3A_98 = arith.cmpi ne, %rem3A, %ne3A_97 : i32
      %and3A = arith.andi %ne3A, %ne3A_98 : i1
      %sub3A = arith.constant 1 : i32
      %sub3A_99 = arith.subi %div3A, %sub3A : i32
      %select_n3A = arith.select %and3A, %sub3A_99, %div3A : i32
      %jit3A_100 = arith.constant 4 : i32
      %eq3A = arith.constant 0 : i32
      %eq3A_101 = arith.cmpi eq, %jit3A_100, %eq3A : i32
      %jit3A_102 = arith.constant 1 : i32
      %select_n3A_103 = arith.select %eq3A_101, %jit3A_102, %jit3A_100 : i32
      %rem3A_104 = arith.remsi %scan3A_83, %select_n3A_103 : i32
      %ne3A_105 = arith.constant 0 : i32
      %ne3A_106 = arith.cmpi ne, %rem3A_104, %ne3A_105 : i32
      %lt3A = arith.constant 0 : i32
      %lt3A_107 = arith.cmpi slt, %rem3A_104, %lt3A : i32
      %lt3A_108 = arith.constant 0 : i32
      %lt3A_109 = arith.cmpi slt, %select_n3A_103, %lt3A_108 : i32
      %ne3A_110 = arith.xori %lt3A_107, %lt3A_109 : i1
      %and3A_111 = arith.andi %ne3A_110, %ne3A_106 : i1
      %add3A = arith.addi %rem3A_104, %select_n3A_103 : i32
      %select_n3A_112 = arith.select %and3A_111, %add3A, %rem3A_104 : i32
      %mul3A_113 = arith.constant 16 : i32
      %mul3A_114 = arith.muli %select_n3A_112, %mul3A_113 : i32
      %swap3A = arith.index_cast %select_n3A : i32 to index
      %swap3A_115 = arith.index_cast %mul3A_114 : i32 to index
      %swap3A_116 = tpu.vector_load %arg9[%swap3A, %swap3A_115] {strides = array<i32>} : memref<64x64xf32, #tpu.memory_space<vmem>>, vector<1x16xf32>,
      %swap3A_117 = vector.shape_cast %swap3A_116 : vector<1x16xf32> to vector<16xf32>
      %swap3A_118 = vector.shape_cast %broadcast_in_dim3A_0 : vector<16xf32> to vector<1x16xf32>
      tpu.vector_store %arg9[%swap3A, %swap3A_115], %swap3A_118 {strides = array<i32>} : memref<64x64xf32, #tpu.memory_space<vmem>>, vector<1x16xf32>,
    }
    %scan3A_5 = arith.constant 256 : i32
    %mul3A = arith.constant 640 : i32
    %mul3A_6 = arith.muli %arg1, %mul3A : i32
    %scan3A_7 = arith.constant 0 : i32
    %scan3A_8 = arith.constant 0 : i32
    %scan3A_9 = arith.constant 10 : i32
    %scan3A_10 = arith.addi %scan3A_8, %scan3A_9 : i32
    %scan3A_11 = arith.constant 1 : i32
    scf.for %scan3A_83 = %scan3A_8 to %scan3A_10 step %scan3A_11  : i32 {
      %mul3A_84 = arith.constant 64 : i32
      %mul3A_85 = arith.muli %scan3A_83, %mul3A_84 : i32
      %add3A = arith.addi %mul3A_6, %mul3A_85 : i32
      "tpu.region"() ({
        %run_scoped3A = tpu.sem_alloc : memref<!tpu.dma_semaphore, #tpu.memory_space<semaphore_mem>>
        %dma_start3A_86 = arith.constant 0 : i32
        %dma_start3A_87 = tpu.memref_slice %arg10[%add3A, %dma_start3A_86] : memref<10240x64xf32, #tpu.memory_space<vmem_shared>> -> memref<64x64xf32, #tpu.memory_space<vmem_shared>>
        %dma_start3A_88 = arith.constant 0 : i32
        %dma_start3A_89 = tpu.memref_slice %arg10[%add3A, %dma_start3A_88] : memref<10240x64xf32, #tpu.memory_space<vmem_shared>> -> memref<64x64xf32, #tpu.memory_space<vmem_shared>>
        tpu.enqueue_dma source(%arg9 : memref<64x64xf32, #tpu.memory_space<vmem>>) target(%dma_start3A_89 : memref<64x64xf32, #tpu.memory_space<vmem_shared>>) target_semaphore(%run_scoped3A : memref<!tpu.dma_semaphore, #tpu.memory_space<semaphore_mem>>)
        %dma_wait3A = arith.constant 0 : i32
        %dma_wait3A_90 = tpu.memref_slice %arg10[%add3A, %dma_wait3A] : memref<10240x64xf32, #tpu.memory_space<vmem_shared>> -> memref<64x64xf32, #tpu.memory_space<vmem_shared>>
        %dma_wait3A_91 = arith.constant 0 : i32
        %dma_wait3A_92 = tpu.memref_slice %arg10[%add3A, %dma_wait3A_91] : memref<10240x64xf32, #tpu.memory_space<vmem_shared>> -> memref<64x64xf32, #tpu.memory_space<vmem_shared>>
        tpu.wait_dma2 semaphore(%run_scoped3A : memref<!tpu.dma_semaphore, #tpu.memory_space<semaphore_mem>>) src(%arg9 : memref<64x64xf32, #tpu.memory_space<vmem>>) dst(%dma_wait3A_92 : memref<64x64xf32, #tpu.memory_space<vmem_shared>>)
        tpu.yield
      }) : () -> ()
    }
    %scan3A_12 = arith.constant 10 : i32
    "tpu.region"() ({
      %run_scoped3A = tpu.sem_alloc : memref<!tpu.dma_semaphore, #tpu.memory_space<semaphore_mem>>
      %dma_start3A_83 = arith.constant 0 : i32
      %dma_start3A_84 = arith.constant 0 : i32
      %dma_start3A_85 = tpu.memref_slice %arg3[%arg1, %dma_start3A_83, %dma_start3A_84] : memref<16x160x128xi32, #tpu.memory_space<hbm>> -> memref<1x160x128xi32, #tpu.memory_space<hbm>>
      %dma_start3A_86 = tpu.memref_squeeze %dma_start3A_85 : memref<1x160x128xi32, #tpu.memory_space<hbm>> -> memref<160x128xi32, #tpu.memory_space<hbm>>
      %dma_start3A_87 = arith.constant 0 : i32
      %dma_start3A_88 = arith.constant 0 : i32
      %dma_start3A_89 = tpu.memref_slice %arg3[%arg1, %dma_start3A_87, %dma_start3A_88] : memref<16x160x128xi32, #tpu.memory_space<hbm>> -> memref<1x160x128xi32, #tpu.memory_space<hbm>>
      %dma_start3A_90 = tpu.memref_squeeze %dma_start3A_89 : memref<1x160x128xi32, #tpu.memory_space<hbm>> -> memref<160x128xi32, #tpu.memory_space<hbm>>
      tpu.enqueue_dma source(%dma_start3A_90 : memref<160x128xi32, #tpu.memory_space<hbm>>) target(%arg6 : memref<160x128xi32, #tpu.memory_space<vmem>>) target_semaphore(%run_scoped3A : memref<!tpu.dma_semaphore, #tpu.memory_space<semaphore_mem>>)
      %dma_wait3A = arith.constant 0 : i32
      %dma_wait3A_91 = arith.constant 0 : i32
      %dma_wait3A_92 = tpu.memref_slice %arg3[%arg1, %dma_wait3A, %dma_wait3A_91] : memref<16x160x128xi32, #tpu.memory_space<hbm>> -> memref<1x160x128xi32, #tpu.memory_space<hbm>>
      %dma_wait3A_93 = tpu.memref_squeeze %dma_wait3A_92 : memref<1x160x128xi32, #tpu.memory_space<hbm>> -> memref<160x128xi32, #tpu.memory_space<hbm>>
      %dma_wait3A_94 = arith.constant 0 : i32
      %dma_wait3A_95 = arith.constant 0 : i32
      %dma_wait3A_96 = tpu.memref_slice %arg3[%arg1, %dma_wait3A_94, %dma_wait3A_95] : memref<16x160x128xi32, #tpu.memory_space<hbm>> -> memref<1x160x128xi32, #tpu.memory_space<hbm>>
      %dma_wait3A_97 = tpu.memref_squeeze %dma_wait3A_96 : memref<1x160x128xi32, #tpu.memory_space<hbm>> -> memref<160x128xi32, #tpu.memory_space<hbm>>
      tpu.wait_dma2 semaphore(%run_scoped3A : memref<!tpu.dma_semaphore, #tpu.memory_space<semaphore_mem>>) src(%dma_wait3A_97 : memref<160x128xi32, #tpu.memory_space<hbm>>) dst(%arg6 : memref<160x128xi32, #tpu.memory_space<vmem>>)
      tpu.yield
    }) : () -> ()
    "tpu.region"() ({
      %run_scoped3A = tpu.sem_alloc : memref<!tpu.dma_semaphore, #tpu.memory_space<semaphore_mem>>
      %dma_start3A_83 = arith.constant 0 : i32
      %dma_start3A_84 = arith.constant 0 : i32
      %dma_start3A_85 = tpu.memref_slice %arg4[%arg1, %dma_start3A_83, %dma_start3A_84] : memref<16x160x128xi32, #tpu.memory_space<hbm>> -> memref<1x160x128xi32, #tpu.memory_space<hbm>>
      %dma_start3A_86 = tpu.memref_squeeze %dma_start3A_85 : memref<1x160x128xi32, #tpu.memory_space<hbm>> -> memref<160x128xi32, #tpu.memory_space<hbm>>
      %dma_start3A_87 = arith.constant 0 : i32
      %dma_start3A_88 = arith.constant 0 : i32
      %dma_start3A_89 = tpu.memref_slice %arg4[%arg1, %dma_start3A_87, %dma_start3A_88] : memref<16x160x128xi32, #tpu.memory_space<hbm>> -> memref<1x160x128xi32, #tpu.memory_space<hbm>>
      %dma_start3A_90 = tpu.memref_squeeze %dma_start3A_89 : memref<1x160x128xi32, #tpu.memory_space<hbm>> -> memref<160x128xi32, #tpu.memory_space<hbm>>
      tpu.enqueue_dma source(%dma_start3A_90 : memref<160x128xi32, #tpu.memory_space<hbm>>) target(%arg7 : memref<160x128xi32, #tpu.memory_space<vmem>>) target_semaphore(%run_scoped3A : memref<!tpu.dma_semaphore, #tpu.memory_space<semaphore_mem>>)
      %dma_wait3A = arith.constant 0 : i32
      %dma_wait3A_91 = arith.constant 0 : i32
      %dma_wait3A_92 = tpu.memref_slice %arg4[%arg1, %dma_wait3A, %dma_wait3A_91] : memref<16x160x128xi32, #tpu.memory_space<hbm>> -> memref<1x160x128xi32, #tpu.memory_space<hbm>>
      %dma_wait3A_93 = tpu.memref_squeeze %dma_wait3A_92 : memref<1x160x128xi32, #tpu.memory_space<hbm>> -> memref<160x128xi32, #tpu.memory_space<hbm>>
      %dma_wait3A_94 = arith.constant 0 : i32
      %dma_wait3A_95 = arith.constant 0 : i32
      %dma_wait3A_96 = tpu.memref_slice %arg4[%arg1, %dma_wait3A_94, %dma_wait3A_95] : memref<16x160x128xi32, #tpu.memory_space<hbm>> -> memref<1x160x128xi32, #tpu.memory_space<hbm>>
      %dma_wait3A_97 = tpu.memref_squeeze %dma_wait3A_96 : memref<1x160x128xi32, #tpu.memory_space<hbm>> -> memref<160x128xi32, #tpu.memory_space<hbm>>
      tpu.wait_dma2 semaphore(%run_scoped3A : memref<!tpu.dma_semaphore, #tpu.memory_space<semaphore_mem>>) src(%dma_wait3A_97 : memref<160x128xi32, #tpu.memory_space<hbm>>) dst(%arg7 : memref<160x128xi32, #tpu.memory_space<vmem>>)
      tpu.yield
    }) : () -> ()
    %barrier3A = arith.constant 0 : index
    tpu.barrier barrier_id(%barrier3A)
    %dma_start3A = arith.constant 0 : i32
    %dma_start3A_13 = arith.constant 0 : i32
    %dma_start3A_14 = arith.constant 0 : i32
    %dma_start3A_15 = arith.constant 0 : i32
    %dma_start3A_16 = tpu.memref_slice %arg8[%dma_start3A_13, %dma_start3A_14, %dma_start3A_15] : memref<4x128x64xf32, #tpu.memory_space<vmem>> -> memref<1x128x64xf32, #tpu.memory_space<vmem>>
    %dma_start3A_17 = tpu.memref_squeeze %dma_start3A_16 : memref<1x128x64xf32, #tpu.memory_space<vmem>> -> memref<128x64xf32, #tpu.memory_space<vmem>>
    %dma_start3A_18 = arith.constant 0 : i32
    %dma_start3A_19 = tpu.memref_slice %arg6[%dma_start3A, %dma_start3A_18] : memref<160x128xi32, #tpu.memory_space<vmem>> -> memref<1x128xi32, #tpu.memory_space<vmem>>
    %dma_start3A_20 = tpu.memref_squeeze %dma_start3A_19 : memref<1x128xi32, #tpu.memory_space<vmem>> -> memref<128xi32, #tpu.memory_space<vmem>>
    %dma_start3A_21 = arith.constant 0 : i32
    %dma_start3A_22 = arith.constant 0 : i32
    %dma_start3A_23 = tpu.memref_slice %arg2[%arg0, %dma_start3A_21, %dma_start3A_22] : memref<2x10240x64xf32, #tpu.memory_space<hbm>> -> memref<1x10240x64xf32, #tpu.memory_space<hbm>>
    %dma_start3A_24 = tpu.memref_squeeze %dma_start3A_23 : memref<1x10240x64xf32, #tpu.memory_space<hbm>> -> memref<10240x64xf32, #tpu.memory_space<hbm>>
    %dma_start3A_25 = arith.constant 0 : i32
    %dma_start3A_26 = arith.constant 0 : i32
    %dma_start3A_27 = tpu.memref_slice %dma_start3A_24[%dma_start3A_25, %dma_start3A_26] : memref<10240x64xf32, #tpu.memory_space<hbm>> -> memref<10240x64xf32, #tpu.memory_space<hbm>>
    tpu.enqueue_indirect_dma source(%dma_start3A_27 : memref<10240x64xf32, #tpu.memory_space<hbm>>) target(%dma_start3A_17 : memref<128x64xf32, #tpu.memory_space<vmem>>) offsets(%dma_start3A_20 : memref<128xi32, #tpu.memory_space<vmem>>) semaphore(%arg11 : memref<!tpu.dma_semaphore, #tpu.memory_space<semaphore_mem>>)
    %dma_start3A_28 = arith.constant 1 : i32
    %dma_start3A_29 = arith.constant 1 : i32
    %dma_start3A_30 = arith.constant 0 : i32
    %dma_start3A_31 = arith.constant 0 : i32
    %dma_start3A_32 = tpu.memref_slice %arg8[%dma_start3A_29, %dma_start3A_30, %dma_start3A_31] : memref<4x128x64xf32, #tpu.memory_space<vmem>> -> memref<1x128x64xf32, #tpu.memory_space<vmem>>
    %dma_start3A_33 = tpu.memref_squeeze %dma_start3A_32 : memref<1x128x64xf32, #tpu.memory_space<vmem>> -> memref<128x64xf32, #tpu.memory_space<vmem>>
    %dma_start3A_34 = arith.constant 0 : i32
    %dma_start3A_35 = tpu.memref_slice %arg6[%dma_start3A_28, %dma_start3A_34] : memref<160x128xi32, #tpu.memory_space<vmem>> -> memref<1x128xi32, #tpu.memory_space<vmem>>
    %dma_start3A_36 = tpu.memref_squeeze %dma_start3A_35 : memref<1x128xi32, #tpu.memory_space<vmem>> -> memref<128xi32, #tpu.memory_space<vmem>>
    %dma_start3A_37 = arith.constant 0 : i32
    %dma_start3A_38 = arith.constant 0 : i32
    %dma_start3A_39 = tpu.memref_slice %arg2[%arg0, %dma_start3A_37, %dma_start3A_38] : memref<2x10240x64xf32, #tpu.memory_space<hbm>> -> memref<1x10240x64xf32, #tpu.memory_space<hbm>>
    %dma_start3A_40 = tpu.memref_squeeze %dma_start3A_39 : memref<1x10240x64xf32, #tpu.memory_space<hbm>> -> memref<10240x64xf32, #tpu.memory_space<hbm>>
    %dma_start3A_41 = arith.constant 0 : i32
    %dma_start3A_42 = arith.constant 0 : i32
    %dma_start3A_43 = tpu.memref_slice %dma_start3A_40[%dma_start3A_41, %dma_start3A_42] : memref<10240x64xf32, #tpu.memory_space<hbm>> -> memref<10240x64xf32, #tpu.memory_space<hbm>>
    tpu.enqueue_indirect_dma source(%dma_start3A_43 : memref<10240x64xf32, #tpu.memory_space<hbm>>) target(%dma_start3A_33 : memref<128x64xf32, #tpu.memory_space<vmem>>) offsets(%dma_start3A_36 : memref<128xi32, #tpu.memory_space<vmem>>) semaphore(%arg11 : memref<!tpu.dma_semaphore, #tpu.memory_space<semaphore_mem>>)
    %dma_start3A_44 = arith.constant 2 : i32
    %dma_start3A_45 = arith.constant 2 : i32
    %dma_start3A_46 = arith.constant 0 : i32
    %dma_start3A_47 = arith.constant 0 : i32
    %dma_start3A_48 = tpu.memref_slice %arg8[%dma_start3A_45, %dma_start3A_46, %dma_start3A_47] : memref<4x128x64xf32, #tpu.memory_space<vmem>> -> memref<1x128x64xf32, #tpu.memory_space<vmem>>
    %dma_start3A_49 = tpu.memref_squeeze %dma_start3A_48 : memref<1x128x64xf32, #tpu.memory_space<vmem>> -> memref<128x64xf32, #tpu.memory_space<vmem>>
    %dma_start3A_50 = arith.constant 0 : i32
    %dma_start3A_51 = tpu.memref_slice %arg6[%dma_start3A_44, %dma_start3A_50] : memref<160x128xi32, #tpu.memory_space<vmem>> -> memref<1x128xi32, #tpu.memory_space<vmem>>
    %dma_start3A_52 = tpu.memref_squeeze %dma_start3A_51 : memref<1x128xi32, #tpu.memory_space<vmem>> -> memref<128xi32, #tpu.memory_space<vmem>>
    %dma_start3A_53 = arith.constant 0 : i32
    %dma_start3A_54 = arith.constant 0 : i32
    %dma_start3A_55 = tpu.memref_slice %arg2[%arg0, %dma_start3A_53, %dma_start3A_54] : memref<2x10240x64xf32, #tpu.memory_space<hbm>> -> memref<1x10240x64xf32, #tpu.memory_space<hbm>>
    %dma_start3A_56 = tpu.memref_squeeze %dma_start3A_55 : memref<1x10240x64xf32, #tpu.memory_space<hbm>> -> memref<10240x64xf32, #tpu.memory_space<hbm>>
    %dma_start3A_57 = arith.constant 0 : i32
    %dma_start3A_58 = arith.constant 0 : i32
    %dma_start3A_59 = tpu.memref_slice %dma_start3A_56[%dma_start3A_57, %dma_start3A_58] : memref<10240x64xf32, #tpu.memory_space<hbm>> -> memref<10240x64xf32, #tpu.memory_space<hbm>>
    tpu.enqueue_indirect_dma source(%dma_start3A_59 : memref<10240x64xf32, #tpu.memory_space<hbm>>) target(%dma_start3A_49 : memref<128x64xf32, #tpu.memory_space<vmem>>) offsets(%dma_start3A_52 : memref<128xi32, #tpu.memory_space<vmem>>) semaphore(%arg12 : memref<!tpu.dma_semaphore, #tpu.memory_space<semaphore_mem>>)
    %dma_start3A_60 = arith.constant 3 : i32
    %dma_start3A_61 = arith.constant 3 : i32
    %dma_start3A_62 = arith.constant 0 : i32
    %dma_start3A_63 = arith.constant 0 : i32
    %dma_start3A_64 = tpu.memref_slice %arg8[%dma_start3A_61, %dma_start3A_62, %dma_start3A_63] : memref<4x128x64xf32, #tpu.memory_space<vmem>> -> memref<1x128x64xf32, #tpu.memory_space<vmem>>
    %dma_start3A_65 = tpu.memref_squeeze %dma_start3A_64 : memref<1x128x64xf32, #tpu.memory_space<vmem>> -> memref<128x64xf32, #tpu.memory_space<vmem>>
    %dma_start3A_66 = arith.constant 0 : i32
    %dma_start3A_67 = tpu.memref_slice %arg6[%dma_start3A_60, %dma_start3A_66] : memref<160x128xi32, #tpu.memory_space<vmem>> -> memref<1x128xi32, #tpu.memory_space<vmem>>
    %dma_start3A_68 = tpu.memref_squeeze %dma_start3A_67 : memref<1x128xi32, #tpu.memory_space<vmem>> -> memref<128xi32, #tpu.memory_space<vmem>>
    %dma_start3A_69 = arith.constant 0 : i32
    %dma_start3A_70 = arith.constant 0 : i32
    %dma_start3A_71 = tpu.memref_slice %arg2[%arg0, %dma_start3A_69, %dma_start3A_70] : memref<2x10240x64xf32, #tpu.memory_space<hbm>> -> memref<1x10240x64xf32, #tpu.memory_space<hbm>>
    %dma_start3A_72 = tpu.memref_squeeze %dma_start3A_71 : memref<1x10240x64xf32, #tpu.memory_space<hbm>> -> memref<10240x64xf32, #tpu.memory_space<hbm>>
    %dma_start3A_73 = arith.constant 0 : i32
    %dma_start3A_74 = arith.constant 0 : i32
    %dma_start3A_75 = tpu.memref_slice %dma_start3A_72[%dma_start3A_73, %dma_start3A_74] : memref<10240x64xf32, #tpu.memory_space<hbm>> -> memref<10240x64xf32, #tpu.memory_space<hbm>>
    tpu.enqueue_indirect_dma source(%dma_start3A_75 : memref<10240x64xf32, #tpu.memory_space<hbm>>) target(%dma_start3A_65 : memref<128x64xf32, #tpu.memory_space<vmem>>) offsets(%dma_start3A_68 : memref<128xi32, #tpu.memory_space<vmem>>) semaphore(%arg12 : memref<!tpu.dma_semaphore, #tpu.memory_space<semaphore_mem>>)
    %scan3A_76 = arith.constant 0 : i32
    %scan3A_77 = arith.constant 0 : i32
    %scan3A_78 = arith.constant 40 : i32
    %scan3A_79 = arith.addi %scan3A_77, %scan3A_78 : i32
    %scan3A_80 = arith.constant 1 : i32
    scf.for %scan3A_83 = %scan3A_77 to %scan3A_79 step %scan3A_80  : i32 {
      %mul3A_84 = arith.constant 4 : i32
      %mul3A_85 = arith.muli %scan3A_83, %mul3A_84 : i32
      %dma_wait3A = arith.constant 0 : i32
      %dma_wait3A_86 = arith.constant 0 : i32
      %dma_wait3A_87 = arith.constant 0 : i32
      %dma_wait3A_88 = arith.constant 0 : i32
      %dma_wait3A_89 = tpu.memref_slice %arg8[%dma_wait3A_86, %dma_wait3A_87, %dma_wait3A_88] : memref<4x128x64xf32, #tpu.memory_space<vmem>> -> memref<1x128x64xf32, #tpu.memory_space<vmem>>
      %dma_wait3A_90 = tpu.memref_squeeze %dma_wait3A_89 : memref<1x128x64xf32, #tpu.memory_space<vmem>> -> memref<128x64xf32, #tpu.memory_space<vmem>>
      %dma_wait3A_91 = arith.constant 0 : i32
      %dma_wait3A_92 = tpu.memref_slice %arg6[%dma_wait3A, %dma_wait3A_91] : memref<160x128xi32, #tpu.memory_space<vmem>> -> memref<1x128xi32, #tpu.memory_space<vmem>>
      %dma_wait3A_93 = tpu.memref_squeeze %dma_wait3A_92 : memref<1x128xi32, #tpu.memory_space<vmem>> -> memref<128xi32, #tpu.memory_space<vmem>>
      %dma_wait3A_94 = arith.constant 0 : i32
      %dma_wait3A_95 = arith.constant 0 : i32
      %dma_wait3A_96 = tpu.memref_slice %arg2[%arg0, %dma_wait3A_94, %dma_wait3A_95] : memref<2x10240x64xf32, #tpu.memory_space<hbm>> -> memref<1x10240x64xf32, #tpu.memory_space<hbm>>
      %dma_wait3A_97 = tpu.memref_squeeze %dma_wait3A_96 : memref<1x10240x64xf32, #tpu.memory_space<hbm>> -> memref<10240x64xf32, #tpu.memory_space<hbm>>
      %dma_wait3A_98 = arith.constant 0 : i32
      %dma_wait3A_99 = arith.constant 0 : i32
      %dma_wait3A_100 = tpu.memref_slice %dma_wait3A_97[%dma_wait3A_98, %dma_wait3A_99] : memref<10240x64xf32, #tpu.memory_space<hbm>> -> memref<10240x64xf32, #tpu.memory_space<hbm>>
      tpu.wait_indirect_dma semaphore(%arg11 : memref<!tpu.dma_semaphore, #tpu.memory_space<semaphore_mem>>) src(%dma_wait3A_100 : memref<10240x64xf32, #tpu.memory_space<hbm>>) dst(%dma_wait3A_90 : memref<128x64xf32, #tpu.memory_space<vmem>>)
      %add3A = arith.constant 0 : i32
      %add3A_101 = arith.addi %mul3A_85, %add3A : i32
      %dma_start3A_102 = arith.constant 0 : i32
      %dma_start3A_103 = arith.constant 0 : i32
      %dma_start3A_104 = arith.constant 0 : i32
      %dma_start3A_105 = tpu.memref_slice %arg8[%dma_start3A_102, %dma_start3A_103, %dma_start3A_104] : memref<4x128x64xf32, #tpu.memory_space<vmem>> -> memref<1x128x64xf32, #tpu.memory_space<vmem>>
      %dma_start3A_106 = tpu.memref_squeeze %dma_start3A_105 : memref<1x128x64xf32, #tpu.memory_space<vmem>> -> memref<128x64xf32, #tpu.memory_space<vmem>>
      %dma_start3A_107 = arith.constant 0 : i32
      %dma_start3A_108 = tpu.memref_slice %arg7[%add3A_101, %dma_start3A_107] : memref<160x128xi32, #tpu.memory_space<vmem>> -> memref<1x128xi32, #tpu.memory_space<vmem>>
      %dma_start3A_109 = tpu.memref_squeeze %dma_start3A_108 : memref<1x128xi32, #tpu.memory_space<vmem>> -> memref<128xi32, #tpu.memory_space<vmem>>
      %dma_start3A_110 = arith.constant 0 : i32
      %dma_start3A_111 = arith.constant 0 : i32
      %dma_start3A_112 = tpu.memref_slice %arg10[%dma_start3A_110, %dma_start3A_111] : memref<10240x64xf32, #tpu.memory_space<vmem_shared>> -> memref<10240x64xf32, #tpu.memory_space<vmem_shared>>
      tpu.enqueue_indirect_dma source(%dma_start3A_106 : memref<128x64xf32, #tpu.memory_space<vmem>>) target(%dma_start3A_112 : memref<10240x64xf32, #tpu.memory_space<vmem_shared>>) offsets(%dma_start3A_109 : memref<128xi32, #tpu.memory_space<vmem>>) semaphore(%arg13 : memref<!tpu.dma_semaphore, #tpu.memory_space<semaphore_mem>>) {add = true}
      %dma_wait3A_113 = arith.constant 0 : i32
      %dma_wait3A_114 = arith.constant 1 : i32
      %dma_wait3A_115 = arith.constant 0 : i32
      %dma_wait3A_116 = arith.constant 0 : i32
      %dma_wait3A_117 = tpu.memref_slice %arg8[%dma_wait3A_114, %dma_wait3A_115, %dma_wait3A_116] : memref<4x128x64xf32, #tpu.memory_space<vmem>> -> memref<1x128x64xf32, #tpu.memory_space<vmem>>
      %dma_wait3A_118 = tpu.memref_squeeze %dma_wait3A_117 : memref<1x128x64xf32, #tpu.memory_space<vmem>> -> memref<128x64xf32, #tpu.memory_space<vmem>>
      %dma_wait3A_119 = arith.constant 0 : i32
      %dma_wait3A_120 = tpu.memref_slice %arg6[%dma_wait3A_113, %dma_wait3A_119] : memref<160x128xi32, #tpu.memory_space<vmem>> -> memref<1x128xi32, #tpu.memory_space<vmem>>
      %dma_wait3A_121 = tpu.memref_squeeze %dma_wait3A_120 : memref<1x128xi32, #tpu.memory_space<vmem>> -> memref<128xi32, #tpu.memory_space<vmem>>
      %dma_wait3A_122 = arith.constant 0 : i32
      %dma_wait3A_123 = arith.constant 0 : i32
      %dma_wait3A_124 = tpu.memref_slice %arg2[%arg0, %dma_wait3A_122, %dma_wait3A_123] : memref<2x10240x64xf32, #tpu.memory_space<hbm>> -> memref<1x10240x64xf32, #tpu.memory_space<hbm>>
      %dma_wait3A_125 = tpu.memref_squeeze %dma_wait3A_124 : memref<1x10240x64xf32, #tpu.memory_space<hbm>> -> memref<10240x64xf32, #tpu.memory_space<hbm>>
      %dma_wait3A_126 = arith.constant 0 : i32
      %dma_wait3A_127 = arith.constant 0 : i32
      %dma_wait3A_128 = tpu.memref_slice %dma_wait3A_125[%dma_wait3A_126, %dma_wait3A_127] : memref<10240x64xf32, #tpu.memory_space<hbm>> -> memref<10240x64xf32, #tpu.memory_space<hbm>>
      tpu.wait_indirect_dma semaphore(%arg11 : memref<!tpu.dma_semaphore, #tpu.memory_space<semaphore_mem>>) src(%dma_wait3A_128 : memref<10240x64xf32, #tpu.memory_space<hbm>>) dst(%dma_wait3A_118 : memref<128x64xf32, #tpu.memory_space<vmem>>)
      %add3A_129 = arith.constant 1 : i32
      %add3A_130 = arith.addi %mul3A_85, %add3A_129 : i32
      %dma_start3A_131 = arith.constant 1 : i32
      %dma_start3A_132 = arith.constant 0 : i32
      %dma_start3A_133 = arith.constant 0 : i32
      %dma_start3A_134 = tpu.memref_slice %arg8[%dma_start3A_131, %dma_start3A_132, %dma_start3A_133] : memref<4x128x64xf32, #tpu.memory_space<vmem>> -> memref<1x128x64xf32, #tpu.memory_space<vmem>>
      %dma_start3A_135 = tpu.memref_squeeze %dma_start3A_134 : memref<1x128x64xf32, #tpu.memory_space<vmem>> -> memref<128x64xf32, #tpu.memory_space<vmem>>
      %dma_start3A_136 = arith.constant 0 : i32
      %dma_start3A_137 = tpu.memref_slice %arg7[%add3A_130, %dma_start3A_136] : memref<160x128xi32, #tpu.memory_space<vmem>> -> memref<1x128xi32, #tpu.memory_space<vmem>>
      %dma_start3A_138 = tpu.memref_squeeze %dma_start3A_137 : memref<1x128xi32, #tpu.memory_space<vmem>> -> memref<128xi32, #tpu.memory_space<vmem>>
      %dma_start3A_139 = arith.constant 0 : i32
      %dma_start3A_140 = arith.constant 0 : i32
      %dma_start3A_141 = tpu.memref_slice %arg10[%dma_start3A_139, %dma_start3A_140] : memref<10240x64xf32, #tpu.memory_space<vmem_shared>> -> memref<10240x64xf32, #tpu.memory_space<vmem_shared>>
      tpu.enqueue_indirect_dma source(%dma_start3A_135 : memref<128x64xf32, #tpu.memory_space<vmem>>) target(%dma_start3A_141 : memref<10240x64xf32, #tpu.memory_space<vmem_shared>>) offsets(%dma_start3A_138 : memref<128xi32, #tpu.memory_space<vmem>>) semaphore(%arg13 : memref<!tpu.dma_semaphore, #tpu.memory_space<semaphore_mem>>) {add = true}
      %dma_wait3A_142 = arith.constant 0 : i32
      %dma_wait3A_143 = arith.constant 2 : i32
      %dma_wait3A_144 = arith.constant 0 : i32
      %dma_wait3A_145 = arith.constant 0 : i32
      %dma_wait3A_146 = tpu.memref_slice %arg8[%dma_wait3A_143, %dma_wait3A_144, %dma_wait3A_145] : memref<4x128x64xf32, #tpu.memory_space<vmem>> -> memref<1x128x64xf32, #tpu.memory_space<vmem>>
      %dma_wait3A_147 = tpu.memref_squeeze %dma_wait3A_146 : memref<1x128x64xf32, #tpu.memory_space<vmem>> -> memref<128x64xf32, #tpu.memory_space<vmem>>
      %dma_wait3A_148 = arith.constant 0 : i32
      %dma_wait3A_149 = tpu.memref_slice %arg6[%dma_wait3A_142, %dma_wait3A_148] : memref<160x128xi32, #tpu.memory_space<vmem>> -> memref<1x128xi32, #tpu.memory_space<vmem>>
      %dma_wait3A_150 = tpu.memref_squeeze %dma_wait3A_149 : memref<1x128xi32, #tpu.memory_space<vmem>> -> memref<128xi32, #tpu.memory_space<vmem>>
      %dma_wait3A_151 = arith.constant 0 : i32
      %dma_wait3A_152 = arith.constant 0 : i32
      %dma_wait3A_153 = tpu.memref_slice %arg2[%arg0, %dma_wait3A_151, %dma_wait3A_152] : memref<2x10240x64xf32, #tpu.memory_space<hbm>> -> memref<1x10240x64xf32, #tpu.memory_space<hbm>>
      %dma_wait3A_154 = tpu.memref_squeeze %dma_wait3A_153 : memref<1x10240x64xf32, #tpu.memory_space<hbm>> -> memref<10240x64xf32, #tpu.memory_space<hbm>>
      %dma_wait3A_155 = arith.constant 0 : i32
      %dma_wait3A_156 = arith.constant 0 : i32
      %dma_wait3A_157 = tpu.memref_slice %dma_wait3A_154[%dma_wait3A_155, %dma_wait3A_156] : memref<10240x64xf32, #tpu.memory_space<hbm>> -> memref<10240x64xf32, #tpu.memory_space<hbm>>
      tpu.wait_indirect_dma semaphore(%arg12 : memref<!tpu.dma_semaphore, #tpu.memory_space<semaphore_mem>>) src(%dma_wait3A_157 : memref<10240x64xf32, #tpu.memory_space<hbm>>) dst(%dma_wait3A_147 : memref<128x64xf32, #tpu.memory_space<vmem>>)
      %add3A_158 = arith.constant 2 : i32
      %add3A_159 = arith.addi %mul3A_85, %add3A_158 : i32
      %dma_start3A_160 = arith.constant 2 : i32
      %dma_start3A_161 = arith.constant 0 : i32
      %dma_start3A_162 = arith.constant 0 : i32
      %dma_start3A_163 = tpu.memref_slice %arg8[%dma_start3A_160, %dma_start3A_161, %dma_start3A_162] : memref<4x128x64xf32, #tpu.memory_space<vmem>> -> memref<1x128x64xf32, #tpu.memory_space<vmem>>
      %dma_start3A_164 = tpu.memref_squeeze %dma_start3A_163 : memref<1x128x64xf32, #tpu.memory_space<vmem>> -> memref<128x64xf32, #tpu.memory_space<vmem>>
      %dma_start3A_165 = arith.constant 0 : i32
      %dma_start3A_166 = tpu.memref_slice %arg7[%add3A_159, %dma_start3A_165] : memref<160x128xi32, #tpu.memory_space<vmem>> -> memref<1x128xi32, #tpu.memory_space<vmem>>
      %dma_start3A_167 = tpu.memref_squeeze %dma_start3A_166 : memref<1x128xi32, #tpu.memory_space<vmem>> -> memref<128xi32, #tpu.memory_space<vmem>>
      %dma_start3A_168 = arith.constant 0 : i32
      %dma_start3A_169 = arith.constant 0 : i32
      %dma_start3A_170 = tpu.memref_slice %arg10[%dma_start3A_168, %dma_start3A_169] : memref<10240x64xf32, #tpu.memory_space<vmem_shared>> -> memref<10240x64xf32, #tpu.memory_space<vmem_shared>>
      tpu.enqueue_indirect_dma source(%dma_start3A_164 : memref<128x64xf32, #tpu.memory_space<vmem>>) target(%dma_start3A_170 : memref<10240x64xf32, #tpu.memory_space<vmem_shared>>) offsets(%dma_start3A_167 : memref<128xi32, #tpu.memory_space<vmem>>) semaphore(%arg14 : memref<!tpu.dma_semaphore, #tpu.memory_space<semaphore_mem>>) {add = true}
      %dma_wait3A_171 = arith.constant 0 : i32
      %dma_wait3A_172 = arith.constant 3 : i32
      %dma_wait3A_173 = arith.constant 0 : i32
      %dma_wait3A_174 = arith.constant 0 : i32
      %dma_wait3A_175 = tpu.memref_slice %arg8[%dma_wait3A_172, %dma_wait3A_173, %dma_wait3A_174] : memref<4x128x64xf32, #tpu.memory_space<vmem>> -> memref<1x128x64xf32, #tpu.memory_space<vmem>>
      %dma_wait3A_176 = tpu.memref_squeeze %dma_wait3A_175 : memref<1x128x64xf32, #tpu.memory_space<vmem>> -> memref<128x64xf32, #tpu.memory_space<vmem>>
      %dma_wait3A_177 = arith.constant 0 : i32
      %dma_wait3A_178 = tpu.memref_slice %arg6[%dma_wait3A_171, %dma_wait3A_177] : memref<160x128xi32, #tpu.memory_space<vmem>> -> memref<1x128xi32, #tpu.memory_space<vmem>>
      %dma_wait3A_179 = tpu.memref_squeeze %dma_wait3A_178 : memref<1x128xi32, #tpu.memory_space<vmem>> -> memref<128xi32, #tpu.memory_space<vmem>>
      %dma_wait3A_180 = arith.constant 0 : i32
      %dma_wait3A_181 = arith.constant 0 : i32
      %dma_wait3A_182 = tpu.memref_slice %arg2[%arg0, %dma_wait3A_180, %dma_wait3A_181] : memref<2x10240x64xf32, #tpu.memory_space<hbm>> -> memref<1x10240x64xf32, #tpu.memory_space<hbm>>
      %dma_wait3A_183 = tpu.memref_squeeze %dma_wait3A_182 : memref<1x10240x64xf32, #tpu.memory_space<hbm>> -> memref<10240x64xf32, #tpu.memory_space<hbm>>
      %dma_wait3A_184 = arith.constant 0 : i32
      %dma_wait3A_185 = arith.constant 0 : i32
      %dma_wait3A_186 = tpu.memref_slice %dma_wait3A_183[%dma_wait3A_184, %dma_wait3A_185] : memref<10240x64xf32, #tpu.memory_space<hbm>> -> memref<10240x64xf32, #tpu.memory_space<hbm>>
      tpu.wait_indirect_dma semaphore(%arg12 : memref<!tpu.dma_semaphore, #tpu.memory_space<semaphore_mem>>) src(%dma_wait3A_186 : memref<10240x64xf32, #tpu.memory_space<hbm>>) dst(%dma_wait3A_176 : memref<128x64xf32, #tpu.memory_space<vmem>>)
      %add3A_187 = arith.constant 3 : i32
      %add3A_188 = arith.addi %mul3A_85, %add3A_187 : i32
      %dma_start3A_189 = arith.constant 3 : i32
      %dma_start3A_190 = arith.constant 0 : i32
      %dma_start3A_191 = arith.constant 0 : i32
      %dma_start3A_192 = tpu.memref_slice %arg8[%dma_start3A_189, %dma_start3A_190, %dma_start3A_191] : memref<4x128x64xf32, #tpu.memory_space<vmem>> -> memref<1x128x64xf32, #tpu.memory_space<vmem>>
      %dma_start3A_193 = tpu.memref_squeeze %dma_start3A_192 : memref<1x128x64xf32, #tpu.memory_space<vmem>> -> memref<128x64xf32, #tpu.memory_space<vmem>>
      %dma_start3A_194 = arith.constant 0 : i32
      %dma_start3A_195 = tpu.memref_slice %arg7[%add3A_188, %dma_start3A_194] : memref<160x128xi32, #tpu.memory_space<vmem>> -> memref<1x128xi32, #tpu.memory_space<vmem>>
      %dma_start3A_196 = tpu.memref_squeeze %dma_start3A_195 : memref<1x128xi32, #tpu.memory_space<vmem>> -> memref<128xi32, #tpu.memory_space<vmem>>
      %dma_start3A_197 = arith.constant 0 : i32
      %dma_start3A_198 = arith.constant 0 : i32
      %dma_start3A_199 = tpu.memref_slice %arg10[%dma_start3A_197, %dma_start3A_198] : memref<10240x64xf32, #tpu.memory_space<vmem_shared>> -> memref<10240x64xf32, #tpu.memory_space<vmem_shared>>
      tpu.enqueue_indirect_dma source(%dma_start3A_193 : memref<128x64xf32, #tpu.memory_space<vmem>>) target(%dma_start3A_199 : memref<10240x64xf32, #tpu.memory_space<vmem_shared>>) offsets(%dma_start3A_196 : memref<128xi32, #tpu.memory_space<vmem>>) semaphore(%arg14 : memref<!tpu.dma_semaphore, #tpu.memory_space<semaphore_mem>>) {add = true}
      %dma_wait3A_200 = arith.constant 0 : i32
      %dma_wait3A_201 = arith.constant 0 : i32
      %dma_wait3A_202 = arith.constant 0 : i32
      %dma_wait3A_203 = arith.constant 0 : i32
      %dma_wait3A_204 = tpu.memref_slice %arg8[%dma_wait3A_200, %dma_wait3A_202, %dma_wait3A_203] : memref<4x128x64xf32, #tpu.memory_space<vmem>> -> memref<1x128x64xf32, #tpu.memory_space<vmem>>
      %dma_wait3A_205 = tpu.memref_squeeze %dma_wait3A_204 : memref<1x128x64xf32, #tpu.memory_space<vmem>> -> memref<128x64xf32, #tpu.memory_space<vmem>>
      %dma_wait3A_206 = arith.constant 0 : i32
      %dma_wait3A_207 = tpu.memref_slice %arg7[%dma_wait3A_201, %dma_wait3A_206] : memref<160x128xi32, #tpu.memory_space<vmem>> -> memref<1x128xi32, #tpu.memory_space<vmem>>
      %dma_wait3A_208 = tpu.memref_squeeze %dma_wait3A_207 : memref<1x128xi32, #tpu.memory_space<vmem>> -> memref<128xi32, #tpu.memory_space<vmem>>
      %dma_wait3A_209 = arith.constant 0 : i32
      %dma_wait3A_210 = arith.constant 0 : i32
      %dma_wait3A_211 = tpu.memref_slice %arg10[%dma_wait3A_209, %dma_wait3A_210] : memref<10240x64xf32, #tpu.memory_space<vmem_shared>> -> memref<10240x64xf32, #tpu.memory_space<vmem_shared>>
      tpu.wait_indirect_dma semaphore(%arg13 : memref<!tpu.dma_semaphore, #tpu.memory_space<semaphore_mem>>) src(%dma_wait3A_205 : memref<128x64xf32, #tpu.memory_space<vmem>>) dst(%dma_wait3A_211 : memref<10240x64xf32, #tpu.memory_space<vmem_shared>>)
      %dma_wait3A_212 = arith.constant 1 : i32
      %dma_wait3A_213 = arith.constant 0 : i32
      %dma_wait3A_214 = arith.constant 0 : i32
      %dma_wait3A_215 = arith.constant 0 : i32
      %dma_wait3A_216 = tpu.memref_slice %arg8[%dma_wait3A_212, %dma_wait3A_214, %dma_wait3A_215] : memref<4x128x64xf32, #tpu.memory_space<vmem>> -> memref<1x128x64xf32, #tpu.memory_space<vmem>>
      %dma_wait3A_217 = tpu.memref_squeeze %dma_wait3A_216 : memref<1x128x64xf32, #tpu.memory_space<vmem>> -> memref<128x64xf32, #tpu.memory_space<vmem>>
      %dma_wait3A_218 = arith.constant 0 : i32
      %dma_wait3A_219 = tpu.memref_slice %arg7[%dma_wait3A_213, %dma_wait3A_218] : memref<160x128xi32, #tpu.memory_space<vmem>> -> memref<1x128xi32, #tpu.memory_space<vmem>>
      %dma_wait3A_220 = tpu.memref_squeeze %dma_wait3A_219 : memref<1x128xi32, #tpu.memory_space<vmem>> -> memref<128xi32, #tpu.memory_space<vmem>>
      %dma_wait3A_221 = arith.constant 0 : i32
      %dma_wait3A_222 = arith.constant 0 : i32
      %dma_wait3A_223 = tpu.memref_slice %arg10[%dma_wait3A_221, %dma_wait3A_222] : memref<10240x64xf32, #tpu.memory_space<vmem_shared>> -> memref<10240x64xf32, #tpu.memory_space<vmem_shared>>
      tpu.wait_indirect_dma semaphore(%arg13 : memref<!tpu.dma_semaphore, #tpu.memory_space<semaphore_mem>>) src(%dma_wait3A_217 : memref<128x64xf32, #tpu.memory_space<vmem>>) dst(%dma_wait3A_223 : memref<10240x64xf32, #tpu.memory_space<vmem_shared>>)
      %add3A_224 = arith.constant 1 : i32
      %add3A_225 = arith.addi %scan3A_83, %add3A_224 : i32
      %lt3A = arith.constant 40 : i32
      %lt3A_226 = arith.cmpi slt, %add3A_225, %lt3A : i32
      %convert_element_type3A = arith.extui %lt3A_226 : i1 to i32
      %cond3A = arith.constant 0 : i32
      %cond3A_227 = arith.cmpi ne, %convert_element_type3A, %cond3A : i32
      scf.if %cond3A_227 {
        %add3A_259 = arith.constant 4 : i32
        %add3A_260 = arith.addi %mul3A_85, %add3A_259 : i32
        %add3A_261 = arith.constant 0 : i32
        %add3A_262 = arith.addi %add3A_260, %add3A_261 : i32
        %dma_start3A_263 = arith.constant 0 : i32
        %dma_start3A_264 = arith.constant 0 : i32
        %dma_start3A_265 = arith.constant 0 : i32
        %dma_start3A_266 = tpu.memref_slice %arg8[%dma_start3A_263, %dma_start3A_264, %dma_start3A_265] : memref<4x128x64xf32, #tpu.memory_space<vmem>> -> memref<1x128x64xf32, #tpu.memory_space<vmem>>
        %dma_start3A_267 = tpu.memref_squeeze %dma_start3A_266 : memref<1x128x64xf32, #tpu.memory_space<vmem>> -> memref<128x64xf32, #tpu.memory_space<vmem>>
        %dma_start3A_268 = arith.constant 0 : i32
        %dma_start3A_269 = tpu.memref_slice %arg6[%add3A_262, %dma_start3A_268] : memref<160x128xi32, #tpu.memory_space<vmem>> -> memref<1x128xi32, #tpu.memory_space<vmem>>
        %dma_start3A_270 = tpu.memref_squeeze %dma_start3A_269 : memref<1x128xi32, #tpu.memory_space<vmem>> -> memref<128xi32, #tpu.memory_space<vmem>>
        %dma_start3A_271 = arith.constant 0 : i32
        %dma_start3A_272 = arith.constant 0 : i32
        %dma_start3A_273 = tpu.memref_slice %arg2[%arg0, %dma_start3A_271, %dma_start3A_272] : memref<2x10240x64xf32, #tpu.memory_space<hbm>> -> memref<1x10240x64xf32, #tpu.memory_space<hbm>>
        %dma_start3A_274 = tpu.memref_squeeze %dma_start3A_273 : memref<1x10240x64xf32, #tpu.memory_space<hbm>> -> memref<10240x64xf32, #tpu.memory_space<hbm>>
        %dma_start3A_275 = arith.constant 0 : i32
        %dma_start3A_276 = arith.constant 0 : i32
        %dma_start3A_277 = tpu.memref_slice %dma_start3A_274[%dma_start3A_275, %dma_start3A_276] : memref<10240x64xf32, #tpu.memory_space<hbm>> -> memref<10240x64xf32, #tpu.memory_space<hbm>>
        tpu.enqueue_indirect_dma source(%dma_start3A_277 : memref<10240x64xf32, #tpu.memory_space<hbm>>) target(%dma_start3A_267 : memref<128x64xf32, #tpu.memory_space<vmem>>) offsets(%dma_start3A_270 : memref<128xi32, #tpu.memory_space<vmem>>) semaphore(%arg11 : memref<!tpu.dma_semaphore, #tpu.memory_space<semaphore_mem>>)
        %add3A_278 = arith.constant 4 : i32
        %add3A_279 = arith.addi %mul3A_85, %add3A_278 : i32
        %add3A_280 = arith.constant 1 : i32
        %add3A_281 = arith.addi %add3A_279, %add3A_280 : i32
        %dma_start3A_282 = arith.constant 1 : i32
        %dma_start3A_283 = arith.constant 0 : i32
        %dma_start3A_284 = arith.constant 0 : i32
        %dma_start3A_285 = tpu.memref_slice %arg8[%dma_start3A_282, %dma_start3A_283, %dma_start3A_284] : memref<4x128x64xf32, #tpu.memory_space<vmem>> -> memref<1x128x64xf32, #tpu.memory_space<vmem>>
        %dma_start3A_286 = tpu.memref_squeeze %dma_start3A_285 : memref<1x128x64xf32, #tpu.memory_space<vmem>> -> memref<128x64xf32, #tpu.memory_space<vmem>>
        %dma_start3A_287 = arith.constant 0 : i32
        %dma_start3A_288 = tpu.memref_slice %arg6[%add3A_281, %dma_start3A_287] : memref<160x128xi32, #tpu.memory_space<vmem>> -> memref<1x128xi32, #tpu.memory_space<vmem>>
        %dma_start3A_289 = tpu.memref_squeeze %dma_start3A_288 : memref<1x128xi32, #tpu.memory_space<vmem>> -> memref<128xi32, #tpu.memory_space<vmem>>
        %dma_start3A_290 = arith.constant 0 : i32
        %dma_start3A_291 = arith.constant 0 : i32
        %dma_start3A_292 = tpu.memref_slice %arg2[%arg0, %dma_start3A_290, %dma_start3A_291] : memref<2x10240x64xf32, #tpu.memory_space<hbm>> -> memref<1x10240x64xf32, #tpu.memory_space<hbm>>
        %dma_start3A_293 = tpu.memref_squeeze %dma_start3A_292 : memref<1x10240x64xf32, #tpu.memory_space<hbm>> -> memref<10240x64xf32, #tpu.memory_space<hbm>>
        %dma_start3A_294 = arith.constant 0 : i32
        %dma_start3A_295 = arith.constant 0 : i32
        %dma_start3A_296 = tpu.memref_slice %dma_start3A_293[%dma_start3A_294, %dma_start3A_295] : memref<10240x64xf32, #tpu.memory_space<hbm>> -> memref<10240x64xf32, #tpu.memory_space<hbm>>
        tpu.enqueue_indirect_dma source(%dma_start3A_296 : memref<10240x64xf32, #tpu.memory_space<hbm>>) target(%dma_start3A_286 : memref<128x64xf32, #tpu.memory_space<vmem>>) offsets(%dma_start3A_289 : memref<128xi32, #tpu.memory_space<vmem>>) semaphore(%arg11 : memref<!tpu.dma_semaphore, #tpu.memory_space<semaphore_mem>>)
      } else {
      }
      %dma_wait3A_228 = arith.constant 2 : i32
      %dma_wait3A_229 = arith.constant 0 : i32
      %dma_wait3A_230 = arith.constant 0 : i32
      %dma_wait3A_231 = arith.constant 0 : i32
      %dma_wait3A_232 = tpu.memref_slice %arg8[%dma_wait3A_228, %dma_wait3A_230, %dma_wait3A_231] : memref<4x128x64xf32, #tpu.memory_space<vmem>> -> memref<1x128x64xf32, #tpu.memory_space<vmem>>
      %dma_wait3A_233 = tpu.memref_squeeze %dma_wait3A_232 : memref<1x128x64xf32, #tpu.memory_space<vmem>> -> memref<128x64xf32, #tpu.memory_space<vmem>>
      %dma_wait3A_234 = arith.constant 0 : i32
      %dma_wait3A_235 = tpu.memref_slice %arg7[%dma_wait3A_229, %dma_wait3A_234] : memref<160x128xi32, #tpu.memory_space<vmem>> -> memref<1x128xi32, #tpu.memory_space<vmem>>
      %dma_wait3A_236 = tpu.memref_squeeze %dma_wait3A_235 : memref<1x128xi32, #tpu.memory_space<vmem>> -> memref<128xi32, #tpu.memory_space<vmem>>
      %dma_wait3A_237 = arith.constant 0 : i32
      %dma_wait3A_238 = arith.constant 0 : i32
      %dma_wait3A_239 = tpu.memref_slice %arg10[%dma_wait3A_237, %dma_wait3A_238] : memref<10240x64xf32, #tpu.memory_space<vmem_shared>> -> memref<10240x64xf32, #tpu.memory_space<vmem_shared>>
      tpu.wait_indirect_dma semaphore(%arg14 : memref<!tpu.dma_semaphore, #tpu.memory_space<semaphore_mem>>) src(%dma_wait3A_233 : memref<128x64xf32, #tpu.memory_space<vmem>>) dst(%dma_wait3A_239 : memref<10240x64xf32, #tpu.memory_space<vmem_shared>>)
      %dma_wait3A_240 = arith.constant 3 : i32
      %dma_wait3A_241 = arith.constant 0 : i32
      %dma_wait3A_242 = arith.constant 0 : i32
      %dma_wait3A_243 = arith.constant 0 : i32
      %dma_wait3A_244 = tpu.memref_slice %arg8[%dma_wait3A_240, %dma_wait3A_242, %dma_wait3A_243] : memref<4x128x64xf32, #tpu.memory_space<vmem>> -> memref<1x128x64xf32, #tpu.memory_space<vmem>>
      %dma_wait3A_245 = tpu.memref_squeeze %dma_wait3A_244 : memref<1x128x64xf32, #tpu.memory_space<vmem>> -> memref<128x64xf32, #tpu.memory_space<vmem>>
      %dma_wait3A_246 = arith.constant 0 : i32
      %dma_wait3A_247 = tpu.memref_slice %arg7[%dma_wait3A_241, %dma_wait3A_246] : memref<160x128xi32, #tpu.memory_space<vmem>> -> memref<1x128xi32, #tpu.memory_space<vmem>>
      %dma_wait3A_248 = tpu.memref_squeeze %dma_wait3A_247 : memref<1x128xi32, #tpu.memory_space<vmem>> -> memref<128xi32, #tpu.memory_space<vmem>>
      %dma_wait3A_249 = arith.constant 0 : i32
      %dma_wait3A_250 = arith.constant 0 : i32
      %dma_wait3A_251 = tpu.memref_slice %arg10[%dma_wait3A_249, %dma_wait3A_250] : memref<10240x64xf32, #tpu.memory_space<vmem_shared>> -> memref<10240x64xf32, #tpu.memory_space<vmem_shared>>
      tpu.wait_indirect_dma semaphore(%arg14 : memref<!tpu.dma_semaphore, #tpu.memory_space<semaphore_mem>>) src(%dma_wait3A_245 : memref<128x64xf32, #tpu.memory_space<vmem>>) dst(%dma_wait3A_251 : memref<10240x64xf32, #tpu.memory_space<vmem_shared>>)
      %add3A_252 = arith.constant 1 : i32
      %add3A_253 = arith.addi %scan3A_83, %add3A_252 : i32
      %lt3A_254 = arith.constant 40 : i32
      %lt3A_255 = arith.cmpi slt, %add3A_253, %lt3A_254 : i32
      %convert_element_type3A_256 = arith.extui %lt3A_255 : i1 to i32
      %cond3A_257 = arith.constant 0 : i32
      %cond3A_258 = arith.cmpi ne, %convert_element_type3A_256, %cond3A_257 : i32
      scf.if %cond3A_258 {
        %add3A_259 = arith.constant 4 : i32
        %add3A_260 = arith.addi %mul3A_85, %add3A_259 : i32
        %add3A_261 = arith.constant 2 : i32
        %add3A_262 = arith.addi %add3A_260, %add3A_261 : i32
        %dma_start3A_263 = arith.constant 2 : i32
        %dma_start3A_264 = arith.constant 0 : i32
        %dma_start3A_265 = arith.constant 0 : i32
        %dma_start3A_266 = tpu.memref_slice %arg8[%dma_start3A_263, %dma_start3A_264, %dma_start3A_265] : memref<4x128x64xf32, #tpu.memory_space<vmem>> -> memref<1x128x64xf32, #tpu.memory_space<vmem>>
        %dma_start3A_267 = tpu.memref_squeeze %dma_start3A_266 : memref<1x128x64xf32, #tpu.memory_space<vmem>> -> memref<128x64xf32, #tpu.memory_space<vmem>>
        %dma_start3A_268 = arith.constant 0 : i32
        %dma_start3A_269 = tpu.memref_slice %arg6[%add3A_262, %dma_start3A_268] : memref<160x128xi32, #tpu.memory_space<vmem>> -> memref<1x128xi32, #tpu.memory_space<vmem>>
        %dma_start3A_270 = tpu.memref_squeeze %dma_start3A_269 : memref<1x128xi32, #tpu.memory_space<vmem>> -> memref<128xi32, #tpu.memory_space<vmem>>
        %dma_start3A_271 = arith.constant 0 : i32
        %dma_start3A_272 = arith.constant 0 : i32
        %dma_start3A_273 = tpu.memref_slice %arg2[%arg0, %dma_start3A_271, %dma_start3A_272] : memref<2x10240x64xf32, #tpu.memory_space<hbm>> -> memref<1x10240x64xf32, #tpu.memory_space<hbm>>
        %dma_start3A_274 = tpu.memref_squeeze %dma_start3A_273 : memref<1x10240x64xf32, #tpu.memory_space<hbm>> -> memref<10240x64xf32, #tpu.memory_space<hbm>>
        %dma_start3A_275 = arith.constant 0 : i32
        %dma_start3A_276 = arith.constant 0 : i32
        %dma_start3A_277 = tpu.memref_slice %dma_start3A_274[%dma_start3A_275, %dma_start3A_276] : memref<10240x64xf32, #tpu.memory_space<hbm>> -> memref<10240x64xf32, #tpu.memory_space<hbm>>
        tpu.enqueue_indirect_dma source(%dma_start3A_277 : memref<10240x64xf32, #tpu.memory_space<hbm>>) target(%dma_start3A_267 : memref<128x64xf32, #tpu.memory_space<vmem>>) offsets(%dma_start3A_270 : memref<128xi32, #tpu.memory_space<vmem>>) semaphore(%arg12 : memref<!tpu.dma_semaphore, #tpu.memory_space<semaphore_mem>>)
        %add3A_278 = arith.constant 4 : i32
        %add3A_279 = arith.addi %mul3A_85, %add3A_278 : i32
        %add3A_280 = arith.constant 3 : i32
        %add3A_281 = arith.addi %add3A_279, %add3A_280 : i32
        %dma_start3A_282 = arith.constant 3 : i32
        %dma_start3A_283 = arith.constant 0 : i32
        %dma_start3A_284 = arith.constant 0 : i32
        %dma_start3A_285 = tpu.memref_slice %arg8[%dma_start3A_282, %dma_start3A_283, %dma_start3A_284] : memref<4x128x64xf32, #tpu.memory_space<vmem>> -> memref<1x128x64xf32, #tpu.memory_space<vmem>>
        %dma_start3A_286 = tpu.memref_squeeze %dma_start3A_285 : memref<1x128x64xf32, #tpu.memory_space<vmem>> -> memref<128x64xf32, #tpu.memory_space<vmem>>
        %dma_start3A_287 = arith.constant 0 : i32
        %dma_start3A_288 = tpu.memref_slice %arg6[%add3A_281, %dma_start3A_287] : memref<160x128xi32, #tpu.memory_space<vmem>> -> memref<1x128xi32, #tpu.memory_space<vmem>>
        %dma_start3A_289 = tpu.memref_squeeze %dma_start3A_288 : memref<1x128xi32, #tpu.memory_space<vmem>> -> memref<128xi32, #tpu.memory_space<vmem>>
        %dma_start3A_290 = arith.constant 0 : i32
        %dma_start3A_291 = arith.constant 0 : i32
        %dma_start3A_292 = tpu.memref_slice %arg2[%arg0, %dma_start3A_290, %dma_start3A_291] : memref<2x10240x64xf32, #tpu.memory_space<hbm>> -> memref<1x10240x64xf32, #tpu.memory_space<hbm>>
        %dma_start3A_293 = tpu.memref_squeeze %dma_start3A_292 : memref<1x10240x64xf32, #tpu.memory_space<hbm>> -> memref<10240x64xf32, #tpu.memory_space<hbm>>
        %dma_start3A_294 = arith.constant 0 : i32
        %dma_start3A_295 = arith.constant 0 : i32
        %dma_start3A_296 = tpu.memref_slice %dma_start3A_293[%dma_start3A_294, %dma_start3A_295] : memref<10240x64xf32, #tpu.memory_space<hbm>> -> memref<10240x64xf32, #tpu.memory_space<hbm>>
        tpu.enqueue_indirect_dma source(%dma_start3A_296 : memref<10240x64xf32, #tpu.memory_space<hbm>>) target(%dma_start3A_286 : memref<128x64xf32, #tpu.memory_space<vmem>>) offsets(%dma_start3A_289 : memref<128xi32, #tpu.memory_space<vmem>>) semaphore(%arg12 : memref<!tpu.dma_semaphore, #tpu.memory_space<semaphore_mem>>)
      } else {
      }
    }
    %scan3A_81 = arith.constant 40 : i32
    %barrier3A_82 = arith.constant 0 : index
    tpu.barrier barrier_id(%barrier3A_82)
    "tpu.region"() ({
      %run_scoped3A = tpu.sem_alloc : memref<!tpu.dma_semaphore, #tpu.memory_space<semaphore_mem>>
      %dma_start3A_83 = arith.constant 0 : i32
      %dma_start3A_84 = tpu.memref_slice %arg5[%arg0, %mul3A_6, %dma_start3A_83] : memref<2x10240x64xf32, #tpu.memory_space<hbm>> -> memref<1x640x64xf32, #tpu.memory_space<hbm>>
      %dma_start3A_85 = tpu.memref_squeeze %dma_start3A_84 : memref<1x640x64xf32, #tpu.memory_space<hbm>> -> memref<640x64xf32, #tpu.memory_space<hbm>>
      %dma_start3A_86 = arith.constant 0 : i32
      %dma_start3A_87 = tpu.memref_slice %arg10[%mul3A_6, %dma_start3A_86] : memref<10240x64xf32, #tpu.memory_space<vmem_shared>> -> memref<640x64xf32, #tpu.memory_space<vmem_shared>>
      tpu.enqueue_dma source(%dma_start3A_87 : memref<640x64xf32, #tpu.memory_space<vmem_shared>>) target(%dma_start3A_85 : memref<640x64xf32, #tpu.memory_space<hbm>>) target_semaphore(%run_scoped3A : memref<!tpu.dma_semaphore, #tpu.memory_space<semaphore_mem>>)
      %dma_wait3A = arith.constant 0 : i32
      %dma_wait3A_88 = tpu.memref_slice %arg5[%arg0, %mul3A_6, %dma_wait3A] : memref<2x10240x64xf32, #tpu.memory_space<hbm>> -> memref<1x640x64xf32, #tpu.memory_space<hbm>>
      %dma_wait3A_89 = tpu.memref_squeeze %dma_wait3A_88 : memref<1x640x64xf32, #tpu.memory_space<hbm>> -> memref<640x64xf32, #tpu.memory_space<hbm>>
      %dma_wait3A_90 = arith.constant 0 : i32
      %dma_wait3A_91 = tpu.memref_slice %arg10[%mul3A_6, %dma_wait3A_90] : memref<10240x64xf32, #tpu.memory_space<vmem_shared>> -> memref<640x64xf32, #tpu.memory_space<vmem_shared>>
      tpu.wait_dma2 semaphore(%run_scoped3A : memref<!tpu.dma_semaphore, #tpu.memory_space<semaphore_mem>>) src(%dma_wait3A_91 : memref<640x64xf32, #tpu.memory_space<vmem_shared>>) dst(%dma_wait3A_89 : memref<640x64xf32, #tpu.memory_space<hbm>>)
      tpu.yield
    }) : () -> ()
    return
  }
}

#map = affine_map<(d0, d1) -> (0, 0, 0)>
module attributes {stable_mosaic.version = 14 : i64} {
  func.func @_sc_body(%arg0: i32, %arg1: i32, %arg2: memref<2x10240x64xf32, #tpu.memory_space<hbm>>, %arg3: memref<16x160x128xi32, #tpu.memory_space<hbm>>, %arg4: memref<16x160x128xi32, #tpu.memory_space<hbm>>, %arg5: memref<2x10240x64xf32, #tpu.memory_space<hbm>>, %arg6: memref<160x128xi32, #tpu.memory_space<vmem>>, %arg7: memref<160x128xi32, #tpu.memory_space<vmem>>, %arg8: memref<4x128x64xf32, #tpu.memory_space<vmem>>, %arg9: memref<64x64xf32, #tpu.memory_space<vmem>>, %arg10: memref<10240x64xf32, #tpu.memory_space<vmem_shared>>, %arg11: memref<!tpu.dma_semaphore, #tpu.memory_space<semaphore_mem>>, %arg12: memref<!tpu.dma_semaphore, #tpu.memory_space<semaphore_mem>>, %arg13: memref<!tpu.dma_semaphore, #tpu.memory_space<semaphore_mem>>, %arg14: memref<!tpu.dma_semaphore, #tpu.memory_space<semaphore_mem>>) attributes {dimension_semantics = [#tpu.dimension_semantics<core_parallel>, #tpu.dimension_semantics<subcore_parallel>], iteration_bounds = array<i64: 2, 16>, scalar_prefetch = 0 : i64, scratch_operands = 9 : i64, tpu.core_type = #tpu.core_type<sc_vector_subcore>, window_params = [{transform_indices = #map}, {transform_indices = #map}, {transform_indices = #map}, {transform_indices = #map}]} {
    %broadcast_in_dim3A = arith.constant 0.000000e+00 : f32
    %broadcast_in_dim3A_0 = vector.broadcast %broadcast_in_dim3A : f32 to vector<16xf32>
    %scan3A = arith.constant 0 : i32
    %scan3A_1 = arith.constant 0 : i32
    %scan3A_2 = arith.constant 256 : i32
    %scan3A_3 = arith.addi %scan3A_1, %scan3A_2 : i32
    %scan3A_4 = arith.constant 1 : i32
    scf.for %scan3A_83 = %scan3A_1 to %scan3A_3 step %scan3A_4  : i32 {
      %jit3A = arith.constant 4 : i32
      %div3A = arith.divsi %scan3A_83, %jit3A : i32
      %sign3A = arith.constant 0 : i32
      %sign3A_84 = arith.cmpi sgt, %scan3A_83, %sign3A : i32
      %sign3A_85 = arith.extui %sign3A_84 : i1 to i32
      %sign3A_86 = arith.constant 0 : i32
      %sign3A_87 = arith.cmpi slt, %scan3A_83, %sign3A_86 : i32
      %sign3A_88 = arith.extui %sign3A_87 : i1 to i32
      %sign3A_89 = arith.subi %sign3A_85, %sign3A_88 : i32
      %sign3A_90 = arith.constant 0 : i32
      %sign3A_91 = arith.cmpi sgt, %jit3A, %sign3A_90 : i32
      %sign3A_92 = arith.extui %sign3A_91 : i1 to i32
      %sign3A_93 = arith.constant 0 : i32
      %sign3A_94 = arith.cmpi slt, %jit3A, %sign3A_93 : i32
      %sign3A_95 = arith.extui %sign3A_94 : i1 to i32
      %sign3A_96 = arith.subi %sign3A_92, %sign3A_95 : i32
      %ne3A = arith.cmpi ne, %sign3A_89, %sign3A_96 : i32
      %rem3A = arith.remsi %scan3A_83, %jit3A : i32
      %ne3A_97 = arith.constant 0 : i32
      %ne3A_98 = arith.cmpi ne, %rem3A, %ne3A_97 : i32
      %and3A = arith.andi %ne3A, %ne3A_98 : i1
      %sub3A = arith.constant 1 : i32
      %sub3A_99 = arith.subi %div3A, %sub3A : i32
      %select_n3A = arith.select %and3A, %sub3A_99, %div3A : i32
      %jit3A_100 = arith.constant 4 : i32
      %eq3A = arith.constant 0 : i32
      %eq3A_101 = arith.cmpi eq, %jit3A_100, %eq3A : i32
      %jit3A_102 = arith.constant 1 : i32
      %select_n3A_103 = arith.select %eq3A_101, %jit3A_102, %jit3A_100 : i32
      %rem3A_104 = arith.remsi %scan3A_83, %select_n3A_103 : i32
      %ne3A_105 = arith.constant 0 : i32
      %ne3A_106 = arith.cmpi ne, %rem3A_104, %ne3A_105 : i32
      %lt3A = arith.constant 0 : i32
      %lt3A_107 = arith.cmpi slt, %rem3A_104, %lt3A : i32
      %lt3A_108 = arith.constant 0 : i32
      %lt3A_109 = arith.cmpi slt, %select_n3A_103, %lt3A_108 : i32
      %ne3A_110 = arith.xori %lt3A_107, %lt3A_109 : i1
      %and3A_111 = arith.andi %ne3A_110, %ne3A_106 : i1
      %add3A = arith.addi %rem3A_104, %select_n3A_103 : i32
      %select_n3A_112 = arith.select %and3A_111, %add3A, %rem3A_104 : i32
      %mul3A_113 = arith.constant 16 : i32
      %mul3A_114 = arith.muli %select_n3A_112, %mul3A_113 : i32
      %swap3A = arith.index_cast %select_n3A : i32 to index
      %swap3A_115 = arith.index_cast %mul3A_114 : i32 to index
      %swap3A_116 = tpu.vector_load %arg9[%swap3A, %swap3A_115] {strides = array<i32>} : memref<64x64xf32, #tpu.memory_space<vmem>>, vector<1x16xf32>,
      %swap3A_117 = vector.shape_cast %swap3A_116 : vector<1x16xf32> to vector<16xf32>
      %swap3A_118 = vector.shape_cast %broadcast_in_dim3A_0 : vector<16xf32> to vector<1x16xf32>
      tpu.vector_store %arg9[%swap3A, %swap3A_115], %swap3A_118 {strides = array<i32>} : memref<64x64xf32, #tpu.memory_space<vmem>>, vector<1x16xf32>,
    }
    %scan3A_5 = arith.constant 256 : i32
    %mul3A = arith.constant 640 : i32
    %mul3A_6 = arith.muli %arg1, %mul3A : i32
    %scan3A_7 = arith.constant 0 : i32
    %scan3A_8 = arith.constant 0 : i32
    %scan3A_9 = arith.constant 10 : i32
    %scan3A_10 = arith.addi %scan3A_8, %scan3A_9 : i32
    %scan3A_11 = arith.constant 1 : i32
    scf.for %scan3A_83 = %scan3A_8 to %scan3A_10 step %scan3A_11  : i32 {
      %mul3A_84 = arith.constant 64 : i32
      %mul3A_85 = arith.muli %scan3A_83, %mul3A_84 : i32
      %add3A = arith.addi %mul3A_6, %mul3A_85 : i32
      "tpu.region"() ({
        %run_scoped3A = tpu.sem_alloc : memref<!tpu.dma_semaphore, #tpu.memory_space<semaphore_mem>>
        %dma_start3A_86 = arith.constant 0 : i32
        %dma_start3A_87 = tpu.memref_slice %arg10[%add3A, %dma_start3A_86] : memref<10240x64xf32, #tpu.memory_space<vmem_shared>> -> memref<64x64xf32, #tpu.memory_space<vmem_shared>>
        %dma_start3A_88 = arith.constant 0 : i32
        %dma_start3A_89 = tpu.memref_slice %arg10[%add3A, %dma_start3A_88] : memref<10240x64xf32, #tpu.memory_space<vmem_shared>> -> memref<64x64xf32, #tpu.memory_space<vmem_shared>>
        tpu.enqueue_dma source(%arg9 : memref<64x64xf32, #tpu.memory_space<vmem>>) target(%dma_start3A_89 : memref<64x64xf32, #tpu.memory_space<vmem_shared>>) target_semaphore(%run_scoped3A : memref<!tpu.dma_semaphore, #tpu.memory_space<semaphore_mem>>)
        %dma_wait3A = arith.constant 0 : i32
        %dma_wait3A_90 = tpu.memref_slice %arg10[%add3A, %dma_wait3A] : memref<10240x64xf32, #tpu.memory_space<vmem_shared>> -> memref<64x64xf32, #tpu.memory_space<vmem_shared>>
        %dma_wait3A_91 = arith.constant 0 : i32
        %dma_wait3A_92 = tpu.memref_slice %arg10[%add3A, %dma_wait3A_91] : memref<10240x64xf32, #tpu.memory_space<vmem_shared>> -> memref<64x64xf32, #tpu.memory_space<vmem_shared>>
        tpu.wait_dma2 semaphore(%run_scoped3A : memref<!tpu.dma_semaphore, #tpu.memory_space<semaphore_mem>>) src(%arg9 : memref<64x64xf32, #tpu.memory_space<vmem>>) dst(%dma_wait3A_92 : memref<64x64xf32, #tpu.memory_space<vmem_shared>>)
        tpu.yield
      }) : () -> ()
    }
    %scan3A_12 = arith.constant 10 : i32
    "tpu.region"() ({
      %run_scoped3A = tpu.sem_alloc : memref<!tpu.dma_semaphore, #tpu.memory_space<semaphore_mem>>
      %dma_start3A_83 = arith.constant 0 : i32
      %dma_start3A_84 = arith.constant 0 : i32
      %dma_start3A_85 = tpu.memref_slice %arg3[%arg1, %dma_start3A_83, %dma_start3A_84] : memref<16x160x128xi32, #tpu.memory_space<hbm>> -> memref<1x160x128xi32, #tpu.memory_space<hbm>>
      %dma_start3A_86 = tpu.memref_squeeze %dma_start3A_85 : memref<1x160x128xi32, #tpu.memory_space<hbm>> -> memref<160x128xi32, #tpu.memory_space<hbm>>
      %dma_start3A_87 = arith.constant 0 : i32
      %dma_start3A_88 = arith.constant 0 : i32
      %dma_start3A_89 = tpu.memref_slice %arg3[%arg1, %dma_start3A_87, %dma_start3A_88] : memref<16x160x128xi32, #tpu.memory_space<hbm>> -> memref<1x160x128xi32, #tpu.memory_space<hbm>>
      %dma_start3A_90 = tpu.memref_squeeze %dma_start3A_89 : memref<1x160x128xi32, #tpu.memory_space<hbm>> -> memref<160x128xi32, #tpu.memory_space<hbm>>
      tpu.enqueue_dma source(%dma_start3A_90 : memref<160x128xi32, #tpu.memory_space<hbm>>) target(%arg6 : memref<160x128xi32, #tpu.memory_space<vmem>>) target_semaphore(%run_scoped3A : memref<!tpu.dma_semaphore, #tpu.memory_space<semaphore_mem>>)
      %dma_wait3A = arith.constant 0 : i32
      %dma_wait3A_91 = arith.constant 0 : i32
      %dma_wait3A_92 = tpu.memref_slice %arg3[%arg1, %dma_wait3A, %dma_wait3A_91] : memref<16x160x128xi32, #tpu.memory_space<hbm>> -> memref<1x160x128xi32, #tpu.memory_space<hbm>>
      %dma_wait3A_93 = tpu.memref_squeeze %dma_wait3A_92 : memref<1x160x128xi32, #tpu.memory_space<hbm>> -> memref<160x128xi32, #tpu.memory_space<hbm>>
      %dma_wait3A_94 = arith.constant 0 : i32
      %dma_wait3A_95 = arith.constant 0 : i32
      %dma_wait3A_96 = tpu.memref_slice %arg3[%arg1, %dma_wait3A_94, %dma_wait3A_95] : memref<16x160x128xi32, #tpu.memory_space<hbm>> -> memref<1x160x128xi32, #tpu.memory_space<hbm>>
      %dma_wait3A_97 = tpu.memref_squeeze %dma_wait3A_96 : memref<1x160x128xi32, #tpu.memory_space<hbm>> -> memref<160x128xi32, #tpu.memory_space<hbm>>
      tpu.wait_dma2 semaphore(%run_scoped3A : memref<!tpu.dma_semaphore, #tpu.memory_space<semaphore_mem>>) src(%dma_wait3A_97 : memref<160x128xi32, #tpu.memory_space<hbm>>) dst(%arg6 : memref<160x128xi32, #tpu.memory_space<vmem>>)
      tpu.yield
    }) : () -> ()
    "tpu.region"() ({
      %run_scoped3A = tpu.sem_alloc : memref<!tpu.dma_semaphore, #tpu.memory_space<semaphore_mem>>
      %dma_start3A_83 = arith.constant 0 : i32
      %dma_start3A_84 = arith.constant 0 : i32
      %dma_start3A_85 = tpu.memref_slice %arg4[%arg1, %dma_start3A_83, %dma_start3A_84] : memref<16x160x128xi32, #tpu.memory_space<hbm>> -> memref<1x160x128xi32, #tpu.memory_space<hbm>>
      %dma_start3A_86 = tpu.memref_squeeze %dma_start3A_85 : memref<1x160x128xi32, #tpu.memory_space<hbm>> -> memref<160x128xi32, #tpu.memory_space<hbm>>
      %dma_start3A_87 = arith.constant 0 : i32
      %dma_start3A_88 = arith.constant 0 : i32
      %dma_start3A_89 = tpu.memref_slice %arg4[%arg1, %dma_start3A_87, %dma_start3A_88] : memref<16x160x128xi32, #tpu.memory_space<hbm>> -> memref<1x160x128xi32, #tpu.memory_space<hbm>>
      %dma_start3A_90 = tpu.memref_squeeze %dma_start3A_89 : memref<1x160x128xi32, #tpu.memory_space<hbm>> -> memref<160x128xi32, #tpu.memory_space<hbm>>
      tpu.enqueue_dma source(%dma_start3A_90 : memref<160x128xi32, #tpu.memory_space<hbm>>) target(%arg7 : memref<160x128xi32, #tpu.memory_space<vmem>>) target_semaphore(%run_scoped3A : memref<!tpu.dma_semaphore, #tpu.memory_space<semaphore_mem>>)
      %dma_wait3A = arith.constant 0 : i32
      %dma_wait3A_91 = arith.constant 0 : i32
      %dma_wait3A_92 = tpu.memref_slice %arg4[%arg1, %dma_wait3A, %dma_wait3A_91] : memref<16x160x128xi32, #tpu.memory_space<hbm>> -> memref<1x160x128xi32, #tpu.memory_space<hbm>>
      %dma_wait3A_93 = tpu.memref_squeeze %dma_wait3A_92 : memref<1x160x128xi32, #tpu.memory_space<hbm>> -> memref<160x128xi32, #tpu.memory_space<hbm>>
      %dma_wait3A_94 = arith.constant 0 : i32
      %dma_wait3A_95 = arith.constant 0 : i32
      %dma_wait3A_96 = tpu.memref_slice %arg4[%arg1, %dma_wait3A_94, %dma_wait3A_95] : memref<16x160x128xi32, #tpu.memory_space<hbm>> -> memref<1x160x128xi32, #tpu.memory_space<hbm>>
      %dma_wait3A_97 = tpu.memref_squeeze %dma_wait3A_96 : memref<1x160x128xi32, #tpu.memory_space<hbm>> -> memref<160x128xi32, #tpu.memory_space<hbm>>
      tpu.wait_dma2 semaphore(%run_scoped3A : memref<!tpu.dma_semaphore, #tpu.memory_space<semaphore_mem>>) src(%dma_wait3A_97 : memref<160x128xi32, #tpu.memory_space<hbm>>) dst(%arg7 : memref<160x128xi32, #tpu.memory_space<vmem>>)
      tpu.yield
    }) : () -> ()
    %barrier3A = arith.constant 0 : index
    tpu.barrier barrier_id(%barrier3A)
    %dma_start3A = arith.constant 0 : i32
    %dma_start3A_13 = arith.constant 0 : i32
    %dma_start3A_14 = arith.constant 0 : i32
    %dma_start3A_15 = arith.constant 0 : i32
    %dma_start3A_16 = tpu.memref_slice %arg8[%dma_start3A_13, %dma_start3A_14, %dma_start3A_15] : memref<4x128x64xf32, #tpu.memory_space<vmem>> -> memref<1x128x64xf32, #tpu.memory_space<vmem>>
    %dma_start3A_17 = tpu.memref_squeeze %dma_start3A_16 : memref<1x128x64xf32, #tpu.memory_space<vmem>> -> memref<128x64xf32, #tpu.memory_space<vmem>>
    %dma_start3A_18 = arith.constant 0 : i32
    %dma_start3A_19 = tpu.memref_slice %arg6[%dma_start3A, %dma_start3A_18] : memref<160x128xi32, #tpu.memory_space<vmem>> -> memref<1x128xi32, #tpu.memory_space<vmem>>
    %dma_start3A_20 = tpu.memref_squeeze %dma_start3A_19 : memref<1x128xi32, #tpu.memory_space<vmem>> -> memref<128xi32, #tpu.memory_space<vmem>>
    %dma_start3A_21 = arith.constant 0 : i32
    %dma_start3A_22 = arith.constant 0 : i32
    %dma_start3A_23 = tpu.memref_slice %arg2[%arg0, %dma_start3A_21, %dma_start3A_22] : memref<2x10240x64xf32, #tpu.memory_space<hbm>> -> memref<1x10240x64xf32, #tpu.memory_space<hbm>>
    %dma_start3A_24 = tpu.memref_squeeze %dma_start3A_23 : memref<1x10240x64xf32, #tpu.memory_space<hbm>> -> memref<10240x64xf32, #tpu.memory_space<hbm>>
    %dma_start3A_25 = arith.constant 0 : i32
    %dma_start3A_26 = arith.constant 0 : i32
    %dma_start3A_27 = tpu.memref_slice %dma_start3A_24[%dma_start3A_25, %dma_start3A_26] : memref<10240x64xf32, #tpu.memory_space<hbm>> -> memref<10240x64xf32, #tpu.memory_space<hbm>>
    tpu.enqueue_indirect_dma source(%dma_start3A_27 : memref<10240x64xf32, #tpu.memory_space<hbm>>) target(%dma_start3A_17 : memref<128x64xf32, #tpu.memory_space<vmem>>) offsets(%dma_start3A_20 : memref<128xi32, #tpu.memory_space<vmem>>) semaphore(%arg11 : memref<!tpu.dma_semaphore, #tpu.memory_space<semaphore_mem>>)
    %dma_start3A_28 = arith.constant 1 : i32
    %dma_start3A_29 = arith.constant 1 : i32
    %dma_start3A_30 = arith.constant 0 : i32
    %dma_start3A_31 = arith.constant 0 : i32
    %dma_start3A_32 = tpu.memref_slice %arg8[%dma_start3A_29, %dma_start3A_30, %dma_start3A_31] : memref<4x128x64xf32, #tpu.memory_space<vmem>> -> memref<1x128x64xf32, #tpu.memory_space<vmem>>
    %dma_start3A_33 = tpu.memref_squeeze %dma_start3A_32 : memref<1x128x64xf32, #tpu.memory_space<vmem>> -> memref<128x64xf32, #tpu.memory_space<vmem>>
    %dma_start3A_34 = arith.constant 0 : i32
    %dma_start3A_35 = tpu.memref_slice %arg6[%dma_start3A_28, %dma_start3A_34] : memref<160x128xi32, #tpu.memory_space<vmem>> -> memref<1x128xi32, #tpu.memory_space<vmem>>
    %dma_start3A_36 = tpu.memref_squeeze %dma_start3A_35 : memref<1x128xi32, #tpu.memory_space<vmem>> -> memref<128xi32, #tpu.memory_space<vmem>>
    %dma_start3A_37 = arith.constant 0 : i32
    %dma_start3A_38 = arith.constant 0 : i32
    %dma_start3A_39 = tpu.memref_slice %arg2[%arg0, %dma_start3A_37, %dma_start3A_38] : memref<2x10240x64xf32, #tpu.memory_space<hbm>> -> memref<1x10240x64xf32, #tpu.memory_space<hbm>>
    %dma_start3A_40 = tpu.memref_squeeze %dma_start3A_39 : memref<1x10240x64xf32, #tpu.memory_space<hbm>> -> memref<10240x64xf32, #tpu.memory_space<hbm>>
    %dma_start3A_41 = arith.constant 0 : i32
    %dma_start3A_42 = arith.constant 0 : i32
    %dma_start3A_43 = tpu.memref_slice %dma_start3A_40[%dma_start3A_41, %dma_start3A_42] : memref<10240x64xf32, #tpu.memory_space<hbm>> -> memref<10240x64xf32, #tpu.memory_space<hbm>>
    tpu.enqueue_indirect_dma source(%dma_start3A_43 : memref<10240x64xf32, #tpu.memory_space<hbm>>) target(%dma_start3A_33 : memref<128x64xf32, #tpu.memory_space<vmem>>) offsets(%dma_start3A_36 : memref<128xi32, #tpu.memory_space<vmem>>) semaphore(%arg11 : memref<!tpu.dma_semaphore, #tpu.memory_space<semaphore_mem>>)
    %dma_start3A_44 = arith.constant 2 : i32
    %dma_start3A_45 = arith.constant 2 : i32
    %dma_start3A_46 = arith.constant 0 : i32
    %dma_start3A_47 = arith.constant 0 : i32
    %dma_start3A_48 = tpu.memref_slice %arg8[%dma_start3A_45, %dma_start3A_46, %dma_start3A_47] : memref<4x128x64xf32, #tpu.memory_space<vmem>> -> memref<1x128x64xf32, #tpu.memory_space<vmem>>
    %dma_start3A_49 = tpu.memref_squeeze %dma_start3A_48 : memref<1x128x64xf32, #tpu.memory_space<vmem>> -> memref<128x64xf32, #tpu.memory_space<vmem>>
    %dma_start3A_50 = arith.constant 0 : i32
    %dma_start3A_51 = tpu.memref_slice %arg6[%dma_start3A_44, %dma_start3A_50] : memref<160x128xi32, #tpu.memory_space<vmem>> -> memref<1x128xi32, #tpu.memory_space<vmem>>
    %dma_start3A_52 = tpu.memref_squeeze %dma_start3A_51 : memref<1x128xi32, #tpu.memory_space<vmem>> -> memref<128xi32, #tpu.memory_space<vmem>>
    %dma_start3A_53 = arith.constant 0 : i32
    %dma_start3A_54 = arith.constant 0 : i32
    %dma_start3A_55 = tpu.memref_slice %arg2[%arg0, %dma_start3A_53, %dma_start3A_54] : memref<2x10240x64xf32, #tpu.memory_space<hbm>> -> memref<1x10240x64xf32, #tpu.memory_space<hbm>>
    %dma_start3A_56 = tpu.memref_squeeze %dma_start3A_55 : memref<1x10240x64xf32, #tpu.memory_space<hbm>> -> memref<10240x64xf32, #tpu.memory_space<hbm>>
    %dma_start3A_57 = arith.constant 0 : i32
    %dma_start3A_58 = arith.constant 0 : i32
    %dma_start3A_59 = tpu.memref_slice %dma_start3A_56[%dma_start3A_57, %dma_start3A_58] : memref<10240x64xf32, #tpu.memory_space<hbm>> -> memref<10240x64xf32, #tpu.memory_space<hbm>>
    tpu.enqueue_indirect_dma source(%dma_start3A_59 : memref<10240x64xf32, #tpu.memory_space<hbm>>) target(%dma_start3A_49 : memref<128x64xf32, #tpu.memory_space<vmem>>) offsets(%dma_start3A_52 : memref<128xi32, #tpu.memory_space<vmem>>) semaphore(%arg12 : memref<!tpu.dma_semaphore, #tpu.memory_space<semaphore_mem>>)
    %dma_start3A_60 = arith.constant 3 : i32
    %dma_start3A_61 = arith.constant 3 : i32
    %dma_start3A_62 = arith.constant 0 : i32
    %dma_start3A_63 = arith.constant 0 : i32
    %dma_start3A_64 = tpu.memref_slice %arg8[%dma_start3A_61, %dma_start3A_62, %dma_start3A_63] : memref<4x128x64xf32, #tpu.memory_space<vmem>> -> memref<1x128x64xf32, #tpu.memory_space<vmem>>
    %dma_start3A_65 = tpu.memref_squeeze %dma_start3A_64 : memref<1x128x64xf32, #tpu.memory_space<vmem>> -> memref<128x64xf32, #tpu.memory_space<vmem>>
    %dma_start3A_66 = arith.constant 0 : i32
    %dma_start3A_67 = tpu.memref_slice %arg6[%dma_start3A_60, %dma_start3A_66] : memref<160x128xi32, #tpu.memory_space<vmem>> -> memref<1x128xi32, #tpu.memory_space<vmem>>
    %dma_start3A_68 = tpu.memref_squeeze %dma_start3A_67 : memref<1x128xi32, #tpu.memory_space<vmem>> -> memref<128xi32, #tpu.memory_space<vmem>>
    %dma_start3A_69 = arith.constant 0 : i32
    %dma_start3A_70 = arith.constant 0 : i32
    %dma_start3A_71 = tpu.memref_slice %arg2[%arg0, %dma_start3A_69, %dma_start3A_70] : memref<2x10240x64xf32, #tpu.memory_space<hbm>> -> memref<1x10240x64xf32, #tpu.memory_space<hbm>>
    %dma_start3A_72 = tpu.memref_squeeze %dma_start3A_71 : memref<1x10240x64xf32, #tpu.memory_space<hbm>> -> memref<10240x64xf32, #tpu.memory_space<hbm>>
    %dma_start3A_73 = arith.constant 0 : i32
    %dma_start3A_74 = arith.constant 0 : i32
    %dma_start3A_75 = tpu.memref_slice %dma_start3A_72[%dma_start3A_73, %dma_start3A_74] : memref<10240x64xf32, #tpu.memory_space<hbm>> -> memref<10240x64xf32, #tpu.memory_space<hbm>>
    tpu.enqueue_indirect_dma source(%dma_start3A_75 : memref<10240x64xf32, #tpu.memory_space<hbm>>) target(%dma_start3A_65 : memref<128x64xf32, #tpu.memory_space<vmem>>) offsets(%dma_start3A_68 : memref<128xi32, #tpu.memory_space<vmem>>) semaphore(%arg12 : memref<!tpu.dma_semaphore, #tpu.memory_space<semaphore_mem>>)
    %scan3A_76 = arith.constant 0 : i32
    %scan3A_77 = arith.constant 0 : i32
    %scan3A_78 = arith.constant 40 : i32
    %scan3A_79 = arith.addi %scan3A_77, %scan3A_78 : i32
    %scan3A_80 = arith.constant 1 : i32
    scf.for %scan3A_83 = %scan3A_77 to %scan3A_79 step %scan3A_80  : i32 {
      %mul3A_84 = arith.constant 4 : i32
      %mul3A_85 = arith.muli %scan3A_83, %mul3A_84 : i32
      %dma_wait3A = arith.constant 0 : i32
      %dma_wait3A_86 = arith.constant 0 : i32
      %dma_wait3A_87 = arith.constant 0 : i32
      %dma_wait3A_88 = arith.constant 0 : i32
      %dma_wait3A_89 = tpu.memref_slice %arg8[%dma_wait3A_86, %dma_wait3A_87, %dma_wait3A_88] : memref<4x128x64xf32, #tpu.memory_space<vmem>> -> memref<1x128x64xf32, #tpu.memory_space<vmem>>
      %dma_wait3A_90 = tpu.memref_squeeze %dma_wait3A_89 : memref<1x128x64xf32, #tpu.memory_space<vmem>> -> memref<128x64xf32, #tpu.memory_space<vmem>>
      %dma_wait3A_91 = arith.constant 0 : i32
      %dma_wait3A_92 = tpu.memref_slice %arg6[%dma_wait3A, %dma_wait3A_91] : memref<160x128xi32, #tpu.memory_space<vmem>> -> memref<1x128xi32, #tpu.memory_space<vmem>>
      %dma_wait3A_93 = tpu.memref_squeeze %dma_wait3A_92 : memref<1x128xi32, #tpu.memory_space<vmem>> -> memref<128xi32, #tpu.memory_space<vmem>>
      %dma_wait3A_94 = arith.constant 0 : i32
      %dma_wait3A_95 = arith.constant 0 : i32
      %dma_wait3A_96 = tpu.memref_slice %arg2[%arg0, %dma_wait3A_94, %dma_wait3A_95] : memref<2x10240x64xf32, #tpu.memory_space<hbm>> -> memref<1x10240x64xf32, #tpu.memory_space<hbm>>
      %dma_wait3A_97 = tpu.memref_squeeze %dma_wait3A_96 : memref<1x10240x64xf32, #tpu.memory_space<hbm>> -> memref<10240x64xf32, #tpu.memory_space<hbm>>
      %dma_wait3A_98 = arith.constant 0 : i32
      %dma_wait3A_99 = arith.constant 0 : i32
      %dma_wait3A_100 = tpu.memref_slice %dma_wait3A_97[%dma_wait3A_98, %dma_wait3A_99] : memref<10240x64xf32, #tpu.memory_space<hbm>> -> memref<10240x64xf32, #tpu.memory_space<hbm>>
      tpu.wait_indirect_dma semaphore(%arg11 : memref<!tpu.dma_semaphore, #tpu.memory_space<semaphore_mem>>) src(%dma_wait3A_100 : memref<10240x64xf32, #tpu.memory_space<hbm>>) dst(%dma_wait3A_90 : memref<128x64xf32, #tpu.memory_space<vmem>>)
      %add3A = arith.constant 0 : i32
      %add3A_101 = arith.addi %mul3A_85, %add3A : i32
      %dma_start3A_102 = arith.constant 0 : i32
      %dma_start3A_103 = arith.constant 0 : i32
      %dma_start3A_104 = arith.constant 0 : i32
      %dma_start3A_105 = tpu.memref_slice %arg8[%dma_start3A_102, %dma_start3A_103, %dma_start3A_104] : memref<4x128x64xf32, #tpu.memory_space<vmem>> -> memref<1x128x64xf32, #tpu.memory_space<vmem>>
      %dma_start3A_106 = tpu.memref_squeeze %dma_start3A_105 : memref<1x128x64xf32, #tpu.memory_space<vmem>> -> memref<128x64xf32, #tpu.memory_space<vmem>>
      %dma_start3A_107 = arith.constant 0 : i32
      %dma_start3A_108 = tpu.memref_slice %arg7[%add3A_101, %dma_start3A_107] : memref<160x128xi32, #tpu.memory_space<vmem>> -> memref<1x128xi32, #tpu.memory_space<vmem>>
      %dma_start3A_109 = tpu.memref_squeeze %dma_start3A_108 : memref<1x128xi32, #tpu.memory_space<vmem>> -> memref<128xi32, #tpu.memory_space<vmem>>
      %dma_start3A_110 = arith.constant 0 : i32
      %dma_start3A_111 = arith.constant 0 : i32
      %dma_start3A_112 = tpu.memref_slice %arg10[%dma_start3A_110, %dma_start3A_111] : memref<10240x64xf32, #tpu.memory_space<vmem_shared>> -> memref<10240x64xf32, #tpu.memory_space<vmem_shared>>
      tpu.enqueue_indirect_dma source(%dma_start3A_106 : memref<128x64xf32, #tpu.memory_space<vmem>>) target(%dma_start3A_112 : memref<10240x64xf32, #tpu.memory_space<vmem_shared>>) offsets(%dma_start3A_109 : memref<128xi32, #tpu.memory_space<vmem>>) semaphore(%arg13 : memref<!tpu.dma_semaphore, #tpu.memory_space<semaphore_mem>>) {add = true}
      %dma_wait3A_113 = arith.constant 0 : i32
      %dma_wait3A_114 = arith.constant 1 : i32
      %dma_wait3A_115 = arith.constant 0 : i32
      %dma_wait3A_116 = arith.constant 0 : i32
      %dma_wait3A_117 = tpu.memref_slice %arg8[%dma_wait3A_114, %dma_wait3A_115, %dma_wait3A_116] : memref<4x128x64xf32, #tpu.memory_space<vmem>> -> memref<1x128x64xf32, #tpu.memory_space<vmem>>
      %dma_wait3A_118 = tpu.memref_squeeze %dma_wait3A_117 : memref<1x128x64xf32, #tpu.memory_space<vmem>> -> memref<128x64xf32, #tpu.memory_space<vmem>>
      %dma_wait3A_119 = arith.constant 0 : i32
      %dma_wait3A_120 = tpu.memref_slice %arg6[%dma_wait3A_113, %dma_wait3A_119] : memref<160x128xi32, #tpu.memory_space<vmem>> -> memref<1x128xi32, #tpu.memory_space<vmem>>
      %dma_wait3A_121 = tpu.memref_squeeze %dma_wait3A_120 : memref<1x128xi32, #tpu.memory_space<vmem>> -> memref<128xi32, #tpu.memory_space<vmem>>
      %dma_wait3A_122 = arith.constant 0 : i32
      %dma_wait3A_123 = arith.constant 0 : i32
      %dma_wait3A_124 = tpu.memref_slice %arg2[%arg0, %dma_wait3A_122, %dma_wait3A_123] : memref<2x10240x64xf32, #tpu.memory_space<hbm>> -> memref<1x10240x64xf32, #tpu.memory_space<hbm>>
      %dma_wait3A_125 = tpu.memref_squeeze %dma_wait3A_124 : memref<1x10240x64xf32, #tpu.memory_space<hbm>> -> memref<10240x64xf32, #tpu.memory_space<hbm>>
      %dma_wait3A_126 = arith.constant 0 : i32
      %dma_wait3A_127 = arith.constant 0 : i32
      %dma_wait3A_128 = tpu.memref_slice %dma_wait3A_125[%dma_wait3A_126, %dma_wait3A_127] : memref<10240x64xf32, #tpu.memory_space<hbm>> -> memref<10240x64xf32, #tpu.memory_space<hbm>>
      tpu.wait_indirect_dma semaphore(%arg11 : memref<!tpu.dma_semaphore, #tpu.memory_space<semaphore_mem>>) src(%dma_wait3A_128 : memref<10240x64xf32, #tpu.memory_space<hbm>>) dst(%dma_wait3A_118 : memref<128x64xf32, #tpu.memory_space<vmem>>)
      %add3A_129 = arith.constant 1 : i32
      %add3A_130 = arith.addi %mul3A_85, %add3A_129 : i32
      %dma_start3A_131 = arith.constant 1 : i32
      %dma_start3A_132 = arith.constant 0 : i32
      %dma_start3A_133 = arith.constant 0 : i32
      %dma_start3A_134 = tpu.memref_slice %arg8[%dma_start3A_131, %dma_start3A_132, %dma_start3A_133] : memref<4x128x64xf32, #tpu.memory_space<vmem>> -> memref<1x128x64xf32, #tpu.memory_space<vmem>>
      %dma_start3A_135 = tpu.memref_squeeze %dma_start3A_134 : memref<1x128x64xf32, #tpu.memory_space<vmem>> -> memref<128x64xf32, #tpu.memory_space<vmem>>
      %dma_start3A_136 = arith.constant 0 : i32
      %dma_start3A_137 = tpu.memref_slice %arg7[%add3A_130, %dma_start3A_136] : memref<160x128xi32, #tpu.memory_space<vmem>> -> memref<1x128xi32, #tpu.memory_space<vmem>>
      %dma_start3A_138 = tpu.memref_squeeze %dma_start3A_137 : memref<1x128xi32, #tpu.memory_space<vmem>> -> memref<128xi32, #tpu.memory_space<vmem>>
      %dma_start3A_139 = arith.constant 0 : i32
      %dma_start3A_140 = arith.constant 0 : i32
      %dma_start3A_141 = tpu.memref_slice %arg10[%dma_start3A_139, %dma_start3A_140] : memref<10240x64xf32, #tpu.memory_space<vmem_shared>> -> memref<10240x64xf32, #tpu.memory_space<vmem_shared>>
      tpu.enqueue_indirect_dma source(%dma_start3A_135 : memref<128x64xf32, #tpu.memory_space<vmem>>) target(%dma_start3A_141 : memref<10240x64xf32, #tpu.memory_space<vmem_shared>>) offsets(%dma_start3A_138 : memref<128xi32, #tpu.memory_space<vmem>>) semaphore(%arg13 : memref<!tpu.dma_semaphore, #tpu.memory_space<semaphore_mem>>) {add = true}
      %dma_wait3A_142 = arith.constant 0 : i32
      %dma_wait3A_143 = arith.constant 2 : i32
      %dma_wait3A_144 = arith.constant 0 : i32
      %dma_wait3A_145 = arith.constant 0 : i32
      %dma_wait3A_146 = tpu.memref_slice %arg8[%dma_wait3A_143, %dma_wait3A_144, %dma_wait3A_145] : memref<4x128x64xf32, #tpu.memory_space<vmem>> -> memref<1x128x64xf32, #tpu.memory_space<vmem>>
      %dma_wait3A_147 = tpu.memref_squeeze %dma_wait3A_146 : memref<1x128x64xf32, #tpu.memory_space<vmem>> -> memref<128x64xf32, #tpu.memory_space<vmem>>
      %dma_wait3A_148 = arith.constant 0 : i32
      %dma_wait3A_149 = tpu.memref_slice %arg6[%dma_wait3A_142, %dma_wait3A_148] : memref<160x128xi32, #tpu.memory_space<vmem>> -> memref<1x128xi32, #tpu.memory_space<vmem>>
      %dma_wait3A_150 = tpu.memref_squeeze %dma_wait3A_149 : memref<1x128xi32, #tpu.memory_space<vmem>> -> memref<128xi32, #tpu.memory_space<vmem>>
      %dma_wait3A_151 = arith.constant 0 : i32
      %dma_wait3A_152 = arith.constant 0 : i32
      %dma_wait3A_153 = tpu.memref_slice %arg2[%arg0, %dma_wait3A_151, %dma_wait3A_152] : memref<2x10240x64xf32, #tpu.memory_space<hbm>> -> memref<1x10240x64xf32, #tpu.memory_space<hbm>>
      %dma_wait3A_154 = tpu.memref_squeeze %dma_wait3A_153 : memref<1x10240x64xf32, #tpu.memory_space<hbm>> -> memref<10240x64xf32, #tpu.memory_space<hbm>>
      %dma_wait3A_155 = arith.constant 0 : i32
      %dma_wait3A_156 = arith.constant 0 : i32
      %dma_wait3A_157 = tpu.memref_slice %dma_wait3A_154[%dma_wait3A_155, %dma_wait3A_156] : memref<10240x64xf32, #tpu.memory_space<hbm>> -> memref<10240x64xf32, #tpu.memory_space<hbm>>
      tpu.wait_indirect_dma semaphore(%arg12 : memref<!tpu.dma_semaphore, #tpu.memory_space<semaphore_mem>>) src(%dma_wait3A_157 : memref<10240x64xf32, #tpu.memory_space<hbm>>) dst(%dma_wait3A_147 : memref<128x64xf32, #tpu.memory_space<vmem>>)
      %add3A_158 = arith.constant 2 : i32
      %add3A_159 = arith.addi %mul3A_85, %add3A_158 : i32
      %dma_start3A_160 = arith.constant 2 : i32
      %dma_start3A_161 = arith.constant 0 : i32
      %dma_start3A_162 = arith.constant 0 : i32
      %dma_start3A_163 = tpu.memref_slice %arg8[%dma_start3A_160, %dma_start3A_161, %dma_start3A_162] : memref<4x128x64xf32, #tpu.memory_space<vmem>> -> memref<1x128x64xf32, #tpu.memory_space<vmem>>
      %dma_start3A_164 = tpu.memref_squeeze %dma_start3A_163 : memref<1x128x64xf32, #tpu.memory_space<vmem>> -> memref<128x64xf32, #tpu.memory_space<vmem>>
      %dma_start3A_165 = arith.constant 0 : i32
      %dma_start3A_166 = tpu.memref_slice %arg7[%add3A_159, %dma_start3A_165] : memref<160x128xi32, #tpu.memory_space<vmem>> -> memref<1x128xi32, #tpu.memory_space<vmem>>
      %dma_start3A_167 = tpu.memref_squeeze %dma_start3A_166 : memref<1x128xi32, #tpu.memory_space<vmem>> -> memref<128xi32, #tpu.memory_space<vmem>>
      %dma_start3A_168 = arith.constant 0 : i32
      %dma_start3A_169 = arith.constant 0 : i32
      %dma_start3A_170 = tpu.memref_slice %arg10[%dma_start3A_168, %dma_start3A_169] : memref<10240x64xf32, #tpu.memory_space<vmem_shared>> -> memref<10240x64xf32, #tpu.memory_space<vmem_shared>>
      tpu.enqueue_indirect_dma source(%dma_start3A_164 : memref<128x64xf32, #tpu.memory_space<vmem>>) target(%dma_start3A_170 : memref<10240x64xf32, #tpu.memory_space<vmem_shared>>) offsets(%dma_start3A_167 : memref<128xi32, #tpu.memory_space<vmem>>) semaphore(%arg14 : memref<!tpu.dma_semaphore, #tpu.memory_space<semaphore_mem>>) {add = true}
      %dma_wait3A_171 = arith.constant 0 : i32
      %dma_wait3A_172 = arith.constant 3 : i32
      %dma_wait3A_173 = arith.constant 0 : i32
      %dma_wait3A_174 = arith.constant 0 : i32
      %dma_wait3A_175 = tpu.memref_slice %arg8[%dma_wait3A_172, %dma_wait3A_173, %dma_wait3A_174] : memref<4x128x64xf32, #tpu.memory_space<vmem>> -> memref<1x128x64xf32, #tpu.memory_space<vmem>>
      %dma_wait3A_176 = tpu.memref_squeeze %dma_wait3A_175 : memref<1x128x64xf32, #tpu.memory_space<vmem>> -> memref<128x64xf32, #tpu.memory_space<vmem>>
      %dma_wait3A_177 = arith.constant 0 : i32
      %dma_wait3A_178 = tpu.memref_slice %arg6[%dma_wait3A_171, %dma_wait3A_177] : memref<160x128xi32, #tpu.memory_space<vmem>> -> memref<1x128xi32, #tpu.memory_space<vmem>>
      %dma_wait3A_179 = tpu.memref_squeeze %dma_wait3A_178 : memref<1x128xi32, #tpu.memory_space<vmem>> -> memref<128xi32, #tpu.memory_space<vmem>>
      %dma_wait3A_180 = arith.constant 0 : i32
      %dma_wait3A_181 = arith.constant 0 : i32
      %dma_wait3A_182 = tpu.memref_slice %arg2[%arg0, %dma_wait3A_180, %dma_wait3A_181] : memref<2x10240x64xf32, #tpu.memory_space<hbm>> -> memref<1x10240x64xf32, #tpu.memory_space<hbm>>
      %dma_wait3A_183 = tpu.memref_squeeze %dma_wait3A_182 : memref<1x10240x64xf32, #tpu.memory_space<hbm>> -> memref<10240x64xf32, #tpu.memory_space<hbm>>
      %dma_wait3A_184 = arith.constant 0 : i32
      %dma_wait3A_185 = arith.constant 0 : i32
      %dma_wait3A_186 = tpu.memref_slice %dma_wait3A_183[%dma_wait3A_184, %dma_wait3A_185] : memref<10240x64xf32, #tpu.memory_space<hbm>> -> memref<10240x64xf32, #tpu.memory_space<hbm>>
      tpu.wait_indirect_dma semaphore(%arg12 : memref<!tpu.dma_semaphore, #tpu.memory_space<semaphore_mem>>) src(%dma_wait3A_186 : memref<10240x64xf32, #tpu.memory_space<hbm>>) dst(%dma_wait3A_176 : memref<128x64xf32, #tpu.memory_space<vmem>>)
      %add3A_187 = arith.constant 3 : i32
      %add3A_188 = arith.addi %mul3A_85, %add3A_187 : i32
      %dma_start3A_189 = arith.constant 3 : i32
      %dma_start3A_190 = arith.constant 0 : i32
      %dma_start3A_191 = arith.constant 0 : i32
      %dma_start3A_192 = tpu.memref_slice %arg8[%dma_start3A_189, %dma_start3A_190, %dma_start3A_191] : memref<4x128x64xf32, #tpu.memory_space<vmem>> -> memref<1x128x64xf32, #tpu.memory_space<vmem>>
      %dma_start3A_193 = tpu.memref_squeeze %dma_start3A_192 : memref<1x128x64xf32, #tpu.memory_space<vmem>> -> memref<128x64xf32, #tpu.memory_space<vmem>>
      %dma_start3A_194 = arith.constant 0 : i32
      %dma_start3A_195 = tpu.memref_slice %arg7[%add3A_188, %dma_start3A_194] : memref<160x128xi32, #tpu.memory_space<vmem>> -> memref<1x128xi32, #tpu.memory_space<vmem>>
      %dma_start3A_196 = tpu.memref_squeeze %dma_start3A_195 : memref<1x128xi32, #tpu.memory_space<vmem>> -> memref<128xi32, #tpu.memory_space<vmem>>
      %dma_start3A_197 = arith.constant 0 : i32
      %dma_start3A_198 = arith.constant 0 : i32
      %dma_start3A_199 = tpu.memref_slice %arg10[%dma_start3A_197, %dma_start3A_198] : memref<10240x64xf32, #tpu.memory_space<vmem_shared>> -> memref<10240x64xf32, #tpu.memory_space<vmem_shared>>
      tpu.enqueue_indirect_dma source(%dma_start3A_193 : memref<128x64xf32, #tpu.memory_space<vmem>>) target(%dma_start3A_199 : memref<10240x64xf32, #tpu.memory_space<vmem_shared>>) offsets(%dma_start3A_196 : memref<128xi32, #tpu.memory_space<vmem>>) semaphore(%arg14 : memref<!tpu.dma_semaphore, #tpu.memory_space<semaphore_mem>>) {add = true}
      %dma_wait3A_200 = arith.constant 0 : i32
      %dma_wait3A_201 = arith.constant 0 : i32
      %dma_wait3A_202 = arith.constant 0 : i32
      %dma_wait3A_203 = arith.constant 0 : i32
      %dma_wait3A_204 = tpu.memref_slice %arg8[%dma_wait3A_200, %dma_wait3A_202, %dma_wait3A_203] : memref<4x128x64xf32, #tpu.memory_space<vmem>> -> memref<1x128x64xf32, #tpu.memory_space<vmem>>
      %dma_wait3A_205 = tpu.memref_squeeze %dma_wait3A_204 : memref<1x128x64xf32, #tpu.memory_space<vmem>> -> memref<128x64xf32, #tpu.memory_space<vmem>>
      %dma_wait3A_206 = arith.constant 0 : i32
      %dma_wait3A_207 = tpu.memref_slice %arg7[%dma_wait3A_201, %dma_wait3A_206] : memref<160x128xi32, #tpu.memory_space<vmem>> -> memref<1x128xi32, #tpu.memory_space<vmem>>
      %dma_wait3A_208 = tpu.memref_squeeze %dma_wait3A_207 : memref<1x128xi32, #tpu.memory_space<vmem>> -> memref<128xi32, #tpu.memory_space<vmem>>
      %dma_wait3A_209 = arith.constant 0 : i32
      %dma_wait3A_210 = arith.constant 0 : i32
      %dma_wait3A_211 = tpu.memref_slice %arg10[%dma_wait3A_209, %dma_wait3A_210] : memref<10240x64xf32, #tpu.memory_space<vmem_shared>> -> memref<10240x64xf32, #tpu.memory_space<vmem_shared>>
      tpu.wait_indirect_dma semaphore(%arg13 : memref<!tpu.dma_semaphore, #tpu.memory_space<semaphore_mem>>) src(%dma_wait3A_205 : memref<128x64xf32, #tpu.memory_space<vmem>>) dst(%dma_wait3A_211 : memref<10240x64xf32, #tpu.memory_space<vmem_shared>>)
      %dma_wait3A_212 = arith.constant 1 : i32
      %dma_wait3A_213 = arith.constant 0 : i32
      %dma_wait3A_214 = arith.constant 0 : i32
      %dma_wait3A_215 = arith.constant 0 : i32
      %dma_wait3A_216 = tpu.memref_slice %arg8[%dma_wait3A_212, %dma_wait3A_214, %dma_wait3A_215] : memref<4x128x64xf32, #tpu.memory_space<vmem>> -> memref<1x128x64xf32, #tpu.memory_space<vmem>>
      %dma_wait3A_217 = tpu.memref_squeeze %dma_wait3A_216 : memref<1x128x64xf32, #tpu.memory_space<vmem>> -> memref<128x64xf32, #tpu.memory_space<vmem>>
      %dma_wait3A_218 = arith.constant 0 : i32
      %dma_wait3A_219 = tpu.memref_slice %arg7[%dma_wait3A_213, %dma_wait3A_218] : memref<160x128xi32, #tpu.memory_space<vmem>> -> memref<1x128xi32, #tpu.memory_space<vmem>>
      %dma_wait3A_220 = tpu.memref_squeeze %dma_wait3A_219 : memref<1x128xi32, #tpu.memory_space<vmem>> -> memref<128xi32, #tpu.memory_space<vmem>>
      %dma_wait3A_221 = arith.constant 0 : i32
      %dma_wait3A_222 = arith.constant 0 : i32
      %dma_wait3A_223 = tpu.memref_slice %arg10[%dma_wait3A_221, %dma_wait3A_222] : memref<10240x64xf32, #tpu.memory_space<vmem_shared>> -> memref<10240x64xf32, #tpu.memory_space<vmem_shared>>
      tpu.wait_indirect_dma semaphore(%arg13 : memref<!tpu.dma_semaphore, #tpu.memory_space<semaphore_mem>>) src(%dma_wait3A_217 : memref<128x64xf32, #tpu.memory_space<vmem>>) dst(%dma_wait3A_223 : memref<10240x64xf32, #tpu.memory_space<vmem_shared>>)
      %add3A_224 = arith.constant 1 : i32
      %add3A_225 = arith.addi %scan3A_83, %add3A_224 : i32
      %lt3A = arith.constant 40 : i32
      %lt3A_226 = arith.cmpi slt, %add3A_225, %lt3A : i32
      %convert_element_type3A = arith.extui %lt3A_226 : i1 to i32
      %cond3A = arith.constant 0 : i32
      %cond3A_227 = arith.cmpi ne, %convert_element_type3A, %cond3A : i32
      scf.if %cond3A_227 {
        %add3A_259 = arith.constant 4 : i32
        %add3A_260 = arith.addi %mul3A_85, %add3A_259 : i32
        %add3A_261 = arith.constant 0 : i32
        %add3A_262 = arith.addi %add3A_260, %add3A_261 : i32
        %dma_start3A_263 = arith.constant 0 : i32
        %dma_start3A_264 = arith.constant 0 : i32
        %dma_start3A_265 = arith.constant 0 : i32
        %dma_start3A_266 = tpu.memref_slice %arg8[%dma_start3A_263, %dma_start3A_264, %dma_start3A_265] : memref<4x128x64xf32, #tpu.memory_space<vmem>> -> memref<1x128x64xf32, #tpu.memory_space<vmem>>
        %dma_start3A_267 = tpu.memref_squeeze %dma_start3A_266 : memref<1x128x64xf32, #tpu.memory_space<vmem>> -> memref<128x64xf32, #tpu.memory_space<vmem>>
        %dma_start3A_268 = arith.constant 0 : i32
        %dma_start3A_269 = tpu.memref_slice %arg6[%add3A_262, %dma_start3A_268] : memref<160x128xi32, #tpu.memory_space<vmem>> -> memref<1x128xi32, #tpu.memory_space<vmem>>
        %dma_start3A_270 = tpu.memref_squeeze %dma_start3A_269 : memref<1x128xi32, #tpu.memory_space<vmem>> -> memref<128xi32, #tpu.memory_space<vmem>>
        %dma_start3A_271 = arith.constant 0 : i32
        %dma_start3A_272 = arith.constant 0 : i32
        %dma_start3A_273 = tpu.memref_slice %arg2[%arg0, %dma_start3A_271, %dma_start3A_272] : memref<2x10240x64xf32, #tpu.memory_space<hbm>> -> memref<1x10240x64xf32, #tpu.memory_space<hbm>>
        %dma_start3A_274 = tpu.memref_squeeze %dma_start3A_273 : memref<1x10240x64xf32, #tpu.memory_space<hbm>> -> memref<10240x64xf32, #tpu.memory_space<hbm>>
        %dma_start3A_275 = arith.constant 0 : i32
        %dma_start3A_276 = arith.constant 0 : i32
        %dma_start3A_277 = tpu.memref_slice %dma_start3A_274[%dma_start3A_275, %dma_start3A_276] : memref<10240x64xf32, #tpu.memory_space<hbm>> -> memref<10240x64xf32, #tpu.memory_space<hbm>>
        tpu.enqueue_indirect_dma source(%dma_start3A_277 : memref<10240x64xf32, #tpu.memory_space<hbm>>) target(%dma_start3A_267 : memref<128x64xf32, #tpu.memory_space<vmem>>) offsets(%dma_start3A_270 : memref<128xi32, #tpu.memory_space<vmem>>) semaphore(%arg11 : memref<!tpu.dma_semaphore, #tpu.memory_space<semaphore_mem>>)
        %add3A_278 = arith.constant 4 : i32
        %add3A_279 = arith.addi %mul3A_85, %add3A_278 : i32
        %add3A_280 = arith.constant 1 : i32
        %add3A_281 = arith.addi %add3A_279, %add3A_280 : i32
        %dma_start3A_282 = arith.constant 1 : i32
        %dma_start3A_283 = arith.constant 0 : i32
        %dma_start3A_284 = arith.constant 0 : i32
        %dma_start3A_285 = tpu.memref_slice %arg8[%dma_start3A_282, %dma_start3A_283, %dma_start3A_284] : memref<4x128x64xf32, #tpu.memory_space<vmem>> -> memref<1x128x64xf32, #tpu.memory_space<vmem>>
        %dma_start3A_286 = tpu.memref_squeeze %dma_start3A_285 : memref<1x128x64xf32, #tpu.memory_space<vmem>> -> memref<128x64xf32, #tpu.memory_space<vmem>>
        %dma_start3A_287 = arith.constant 0 : i32
        %dma_start3A_288 = tpu.memref_slice %arg6[%add3A_281, %dma_start3A_287] : memref<160x128xi32, #tpu.memory_space<vmem>> -> memref<1x128xi32, #tpu.memory_space<vmem>>
        %dma_start3A_289 = tpu.memref_squeeze %dma_start3A_288 : memref<1x128xi32, #tpu.memory_space<vmem>> -> memref<128xi32, #tpu.memory_space<vmem>>
        %dma_start3A_290 = arith.constant 0 : i32
        %dma_start3A_291 = arith.constant 0 : i32
        %dma_start3A_292 = tpu.memref_slice %arg2[%arg0, %dma_start3A_290, %dma_start3A_291] : memref<2x10240x64xf32, #tpu.memory_space<hbm>> -> memref<1x10240x64xf32, #tpu.memory_space<hbm>>
        %dma_start3A_293 = tpu.memref_squeeze %dma_start3A_292 : memref<1x10240x64xf32, #tpu.memory_space<hbm>> -> memref<10240x64xf32, #tpu.memory_space<hbm>>
        %dma_start3A_294 = arith.constant 0 : i32
        %dma_start3A_295 = arith.constant 0 : i32
        %dma_start3A_296 = tpu.memref_slice %dma_start3A_293[%dma_start3A_294, %dma_start3A_295] : memref<10240x64xf32, #tpu.memory_space<hbm>> -> memref<10240x64xf32, #tpu.memory_space<hbm>>
        tpu.enqueue_indirect_dma source(%dma_start3A_296 : memref<10240x64xf32, #tpu.memory_space<hbm>>) target(%dma_start3A_286 : memref<128x64xf32, #tpu.memory_space<vmem>>) offsets(%dma_start3A_289 : memref<128xi32, #tpu.memory_space<vmem>>) semaphore(%arg11 : memref<!tpu.dma_semaphore, #tpu.memory_space<semaphore_mem>>)
      } else {
      }
      %dma_wait3A_228 = arith.constant 2 : i32
      %dma_wait3A_229 = arith.constant 0 : i32
      %dma_wait3A_230 = arith.constant 0 : i32
      %dma_wait3A_231 = arith.constant 0 : i32
      %dma_wait3A_232 = tpu.memref_slice %arg8[%dma_wait3A_228, %dma_wait3A_230, %dma_wait3A_231] : memref<4x128x64xf32, #tpu.memory_space<vmem>> -> memref<1x128x64xf32, #tpu.memory_space<vmem>>
      %dma_wait3A_233 = tpu.memref_squeeze %dma_wait3A_232 : memref<1x128x64xf32, #tpu.memory_space<vmem>> -> memref<128x64xf32, #tpu.memory_space<vmem>>
      %dma_wait3A_234 = arith.constant 0 : i32
      %dma_wait3A_235 = tpu.memref_slice %arg7[%dma_wait3A_229, %dma_wait3A_234] : memref<160x128xi32, #tpu.memory_space<vmem>> -> memref<1x128xi32, #tpu.memory_space<vmem>>
      %dma_wait3A_236 = tpu.memref_squeeze %dma_wait3A_235 : memref<1x128xi32, #tpu.memory_space<vmem>> -> memref<128xi32, #tpu.memory_space<vmem>>
      %dma_wait3A_237 = arith.constant 0 : i32
      %dma_wait3A_238 = arith.constant 0 : i32
      %dma_wait3A_239 = tpu.memref_slice %arg10[%dma_wait3A_237, %dma_wait3A_238] : memref<10240x64xf32, #tpu.memory_space<vmem_shared>> -> memref<10240x64xf32, #tpu.memory_space<vmem_shared>>
      tpu.wait_indirect_dma semaphore(%arg14 : memref<!tpu.dma_semaphore, #tpu.memory_space<semaphore_mem>>) src(%dma_wait3A_233 : memref<128x64xf32, #tpu.memory_space<vmem>>) dst(%dma_wait3A_239 : memref<10240x64xf32, #tpu.memory_space<vmem_shared>>)
      %dma_wait3A_240 = arith.constant 3 : i32
      %dma_wait3A_241 = arith.constant 0 : i32
      %dma_wait3A_242 = arith.constant 0 : i32
      %dma_wait3A_243 = arith.constant 0 : i32
      %dma_wait3A_244 = tpu.memref_slice %arg8[%dma_wait3A_240, %dma_wait3A_242, %dma_wait3A_243] : memref<4x128x64xf32, #tpu.memory_space<vmem>> -> memref<1x128x64xf32, #tpu.memory_space<vmem>>
      %dma_wait3A_245 = tpu.memref_squeeze %dma_wait3A_244 : memref<1x128x64xf32, #tpu.memory_space<vmem>> -> memref<128x64xf32, #tpu.memory_space<vmem>>
      %dma_wait3A_246 = arith.constant 0 : i32
      %dma_wait3A_247 = tpu.memref_slice %arg7[%dma_wait3A_241, %dma_wait3A_246] : memref<160x128xi32, #tpu.memory_space<vmem>> -> memref<1x128xi32, #tpu.memory_space<vmem>>
      %dma_wait3A_248 = tpu.memref_squeeze %dma_wait3A_247 : memref<1x128xi32, #tpu.memory_space<vmem>> -> memref<128xi32, #tpu.memory_space<vmem>>
      %dma_wait3A_249 = arith.constant 0 : i32
      %dma_wait3A_250 = arith.constant 0 : i32
      %dma_wait3A_251 = tpu.memref_slice %arg10[%dma_wait3A_249, %dma_wait3A_250] : memref<10240x64xf32, #tpu.memory_space<vmem_shared>> -> memref<10240x64xf32, #tpu.memory_space<vmem_shared>>
      tpu.wait_indirect_dma semaphore(%arg14 : memref<!tpu.dma_semaphore, #tpu.memory_space<semaphore_mem>>) src(%dma_wait3A_245 : memref<128x64xf32, #tpu.memory_space<vmem>>) dst(%dma_wait3A_251 : memref<10240x64xf32, #tpu.memory_space<vmem_shared>>)
      %add3A_252 = arith.constant 1 : i32
      %add3A_253 = arith.addi %scan3A_83, %add3A_252 : i32
      %lt3A_254 = arith.constant 40 : i32
      %lt3A_255 = arith.cmpi slt, %add3A_253, %lt3A_254 : i32
      %convert_element_type3A_256 = arith.extui %lt3A_255 : i1 to i32
      %cond3A_257 = arith.constant 0 : i32
      %cond3A_258 = arith.cmpi ne, %convert_element_type3A_256, %cond3A_257 : i32
      scf.if %cond3A_258 {
        %add3A_259 = arith.constant 4 : i32
        %add3A_260 = arith.addi %mul3A_85, %add3A_259 : i32
        %add3A_261 = arith.constant 2 : i32
        %add3A_262 = arith.addi %add3A_260, %add3A_261 : i32
        %dma_start3A_263 = arith.constant 2 : i32
        %dma_start3A_264 = arith.constant 0 : i32
        %dma_start3A_265 = arith.constant 0 : i32
        %dma_start3A_266 = tpu.memref_slice %arg8[%dma_start3A_263, %dma_start3A_264, %dma_start3A_265] : memref<4x128x64xf32, #tpu.memory_space<vmem>> -> memref<1x128x64xf32, #tpu.memory_space<vmem>>
        %dma_start3A_267 = tpu.memref_squeeze %dma_start3A_266 : memref<1x128x64xf32, #tpu.memory_space<vmem>> -> memref<128x64xf32, #tpu.memory_space<vmem>>
        %dma_start3A_268 = arith.constant 0 : i32
        %dma_start3A_269 = tpu.memref_slice %arg6[%add3A_262, %dma_start3A_268] : memref<160x128xi32, #tpu.memory_space<vmem>> -> memref<1x128xi32, #tpu.memory_space<vmem>>
        %dma_start3A_270 = tpu.memref_squeeze %dma_start3A_269 : memref<1x128xi32, #tpu.memory_space<vmem>> -> memref<128xi32, #tpu.memory_space<vmem>>
        %dma_start3A_271 = arith.constant 0 : i32
        %dma_start3A_272 = arith.constant 0 : i32
        %dma_start3A_273 = tpu.memref_slice %arg2[%arg0, %dma_start3A_271, %dma_start3A_272] : memref<2x10240x64xf32, #tpu.memory_space<hbm>> -> memref<1x10240x64xf32, #tpu.memory_space<hbm>>
        %dma_start3A_274 = tpu.memref_squeeze %dma_start3A_273 : memref<1x10240x64xf32, #tpu.memory_space<hbm>> -> memref<10240x64xf32, #tpu.memory_space<hbm>>
        %dma_start3A_275 = arith.constant 0 : i32
        %dma_start3A_276 = arith.constant 0 : i32
        %dma_start3A_277 = tpu.memref_slice %dma_start3A_274[%dma_start3A_275, %dma_start3A_276] : memref<10240x64xf32, #tpu.memory_space<hbm>> -> memref<10240x64xf32, #tpu.memory_space<hbm>>
        tpu.enqueue_indirect_dma source(%dma_start3A_277 : memref<10240x64xf32, #tpu.memory_space<hbm>>) target(%dma_start3A_267 : memref<128x64xf32, #tpu.memory_space<vmem>>) offsets(%dma_start3A_270 : memref<128xi32, #tpu.memory_space<vmem>>) semaphore(%arg12 : memref<!tpu.dma_semaphore, #tpu.memory_space<semaphore_mem>>)
        %add3A_278 = arith.constant 4 : i32
        %add3A_279 = arith.addi %mul3A_85, %add3A_278 : i32
        %add3A_280 = arith.constant 3 : i32
        %add3A_281 = arith.addi %add3A_279, %add3A_280 : i32
        %dma_start3A_282 = arith.constant 3 : i32
        %dma_start3A_283 = arith.constant 0 : i32
        %dma_start3A_284 = arith.constant 0 : i32
        %dma_start3A_285 = tpu.memref_slice %arg8[%dma_start3A_282, %dma_start3A_283, %dma_start3A_284] : memref<4x128x64xf32, #tpu.memory_space<vmem>> -> memref<1x128x64xf32, #tpu.memory_space<vmem>>
        %dma_start3A_286 = tpu.memref_squeeze %dma_start3A_285 : memref<1x128x64xf32, #tpu.memory_space<vmem>> -> memref<128x64xf32, #tpu.memory_space<vmem>>
        %dma_start3A_287 = arith.constant 0 : i32
        %dma_start3A_288 = tpu.memref_slice %arg6[%add3A_281, %dma_start3A_287] : memref<160x128xi32, #tpu.memory_space<vmem>> -> memref<1x128xi32, #tpu.memory_space<vmem>>
        %dma_start3A_289 = tpu.memref_squeeze %dma_start3A_288 : memref<1x128xi32, #tpu.memory_space<vmem>> -> memref<128xi32, #tpu.memory_space<vmem>>
        %dma_start3A_290 = arith.constant 0 : i32
        %dma_start3A_291 = arith.constant 0 : i32
        %dma_start3A_292 = tpu.memref_slice %arg2[%arg0, %dma_start3A_290, %dma_start3A_291] : memref<2x10240x64xf32, #tpu.memory_space<hbm>> -> memref<1x10240x64xf32, #tpu.memory_space<hbm>>
        %dma_start3A_293 = tpu.memref_squeeze %dma_start3A_292 : memref<1x10240x64xf32, #tpu.memory_space<hbm>> -> memref<10240x64xf32, #tpu.memory_space<hbm>>
        %dma_start3A_294 = arith.constant 0 : i32
        %dma_start3A_295 = arith.constant 0 : i32
        %dma_start3A_296 = tpu.memref_slice %dma_start3A_293[%dma_start3A_294, %dma_start3A_295] : memref<10240x64xf32, #tpu.memory_space<hbm>> -> memref<10240x64xf32, #tpu.memory_space<hbm>>
        tpu.enqueue_indirect_dma source(%dma_start3A_296 : memref<10240x64xf32, #tpu.memory_space<hbm>>) target(%dma_start3A_286 : memref<128x64xf32, #tpu.memory_space<vmem>>) offsets(%dma_start3A_289 : memref<128xi32, #tpu.memory_space<vmem>>) semaphore(%arg12 : memref<!tpu.dma_semaphore, #tpu.memory_space<semaphore_mem>>)
      } else {
      }
    }
    %scan3A_81 = arith.constant 40 : i32
    %barrier3A_82 = arith.constant 0 : index
    tpu.barrier barrier_id(%barrier3A_82)
    "tpu.region"() ({
      %run_scoped3A = tpu.sem_alloc : memref<!tpu.dma_semaphore, #tpu.memory_space<semaphore_mem>>
      %dma_start3A_83 = arith.constant 0 : i32
      %dma_start3A_84 = tpu.memref_slice %arg5[%arg0, %mul3A_6, %dma_start3A_83] : memref<2x10240x64xf32, #tpu.memory_space<hbm>> -> memref<1x640x64xf32, #tpu.memory_space<hbm>>
      %dma_start3A_85 = tpu.memref_squeeze %dma_start3A_84 : memref<1x640x64xf32, #tpu.memory_space<hbm>> -> memref<640x64xf32, #tpu.memory_space<hbm>>
      %dma_start3A_86 = arith.constant 0 : i32
      %dma_start3A_87 = tpu.memref_slice %arg10[%mul3A_6, %dma_start3A_86] : memref<10240x64xf32, #tpu.memory_space<vmem_shared>> -> memref<640x64xf32, #tpu.memory_space<vmem_shared>>
      tpu.enqueue_dma source(%dma_start3A_87 : memref<640x64xf32, #tpu.memory_space<vmem_shared>>) target(%dma_start3A_85 : memref<640x64xf32, #tpu.memory_space<hbm>>) target_semaphore(%run_scoped3A : memref<!tpu.dma_semaphore, #tpu.memory_space<semaphore_mem>>)
      %dma_wait3A = arith.constant 0 : i32
      %dma_wait3A_88 = tpu.memref_slice %arg5[%arg0, %mul3A_6, %dma_wait3A] : memref<2x10240x64xf32, #tpu.memory_space<hbm>> -> memref<1x640x64xf32, #tpu.memory_space<hbm>>
      %dma_wait3A_89 = tpu.memref_squeeze %dma_wait3A_88 : memref<1x640x64xf32, #tpu.memory_space<hbm>> -> memref<640x64xf32, #tpu.memory_space<hbm>>
      %dma_wait3A_90 = arith.constant 0 : i32
      %dma_wait3A_91 = tpu.memref_slice %arg10[%mul3A_6, %dma_wait3A_90] : memref<10240x64xf32, #tpu.memory_space<vmem_shared>> -> memref<640x64xf32, #tpu.memory_space<vmem_shared>>
      tpu.wait_dma2 semaphore(%run_scoped3A : memref<!tpu.dma_semaphore, #tpu.memory_space<semaphore_mem>>) src(%dma_wait3A_91 : memref<640x64xf32, #tpu.memory_space<vmem_shared>>) dst(%dma_wait3A_89 : memref<640x64xf32, #tpu.memory_space<hbm>>)
      tpu.yield
    }) : () -> ()
    return
  }
}

module attributes {stable_mosaic.version = 14 : i64} {
  func.func @_atom_body(%arg0: i32, %arg1: memref<512x9xi32, #tpu.memory_space<vmem>>, %arg2: memref<9x128x128xf32, #tpu.memory_space<vmem>>, %arg3: memref<2x512x64xf32, #tpu.memory_space<vmem>>) attributes {dimension_semantics = [#tpu.dimension_semantics<arbitrary>], iteration_bounds = array<i64: 20>, scalar_prefetch = 0 : i64, scratch_operands = 0 : i64, tpu.core_type = #tpu.core_type<tc>, window_params = [{transform_indices = @transform_0, window_bounds = array<i64: 512, 9>}, {pipeline_mode = #tpu.pipeline_mode<synchronous>, transform_indices = @transform_1, window_bounds = array<i64: 9, 128, 128>}, {transform_indices = @transform_2, window_bounds = array<i64: 2, 512, 64>}]} {
    %iota3A = tpu.iota {dimensions = array<i32: 1>} : vector<1x128xi32>
    %broadcast_in_dim3A = arith.constant 0.000000e+00 : f32
    %broadcast_in_dim3A_0 = vector.broadcast %broadcast_in_dim3A : f32 to vector<512x128xf32>
    %get3A = arith.constant 0 : index
    %get3A_1 = arith.constant 0 : index
    %get3A_2 = vector.load %arg1[%get3A, %get3A_1] : memref<512x9xi32, #tpu.memory_space<vmem>>, vector<512x1xi32>
    %eq3A = vector.broadcast %get3A_2 : vector<512x1xi32> to vector<512x128xi32>
    %eq3A_3 = vector.broadcast %iota3A : vector<1x128xi32> to vector<512x128xi32>
    %eq3A_4 = arith.cmpi eq, %eq3A, %eq3A_3 : vector<512x128xi32>
    %convert_element_type3A = arith.extui %eq3A_4 : vector<512x128xi1> to vector<512x128xi32>
    %convert_element_type3A_5 = arith.sitofp %convert_element_type3A : vector<512x128xi32> to vector<512x128xf32>
    %get3A_6 = arith.constant 0 : index
    %get3A_7 = arith.constant 0 : index
    %get3A_8 = arith.constant 0 : index
    %get3A_9 = vector.load %arg2[%get3A_6, %get3A_7, %get3A_8] : memref<9x128x128xf32, #tpu.memory_space<vmem>>, vector<1x128x128xf32>
    %get3A_10 = vector.shape_cast %get3A_9 : vector<1x128x128xf32> to vector<128x128xf32>
    %dot_general3A = arith.constant dense<0.000000e+00> : vector<512x128xf32>
    %dot_general3A_11 = tpu.matmul %convert_element_type3A_5, %get3A_10, %dot_general3A {dimension_numbers = #tpu.dot_dimension_numbers<[1], [0], [0], [1], [0, 0, 1, 1], [], []>, precision = #tpu.contract_precision<fp32>, transpose_lhs_hint = false} : vector<512x128xf32>, vector<128x128xf32>, vector<512x128xf32> -> vector<512x128xf32>
    %add3A = arith.addf %broadcast_in_dim3A_0, %dot_general3A_11 : vector<512x128xf32>
    %get3A_12 = arith.constant 0 : index
    %get3A_13 = arith.constant 1 : index
    %get3A_14 = vector.load %arg1[%get3A_12, %get3A_13] : memref<512x9xi32, #tpu.memory_space<vmem>>, vector<512x1xi32>
    %eq3A_15 = vector.broadcast %get3A_14 : vector<512x1xi32> to vector<512x128xi32>
    %eq3A_16 = vector.broadcast %iota3A : vector<1x128xi32> to vector<512x128xi32>
    %eq3A_17 = arith.cmpi eq, %eq3A_15, %eq3A_16 : vector<512x128xi32>
    %convert_element_type3A_18 = arith.extui %eq3A_17 : vector<512x128xi1> to vector<512x128xi32>
    %convert_element_type3A_19 = arith.sitofp %convert_element_type3A_18 : vector<512x128xi32> to vector<512x128xf32>
    %get3A_20 = arith.constant 1 : index
    %get3A_21 = arith.constant 0 : index
    %get3A_22 = arith.constant 0 : index
    %get3A_23 = vector.load %arg2[%get3A_20, %get3A_21, %get3A_22] : memref<9x128x128xf32, #tpu.memory_space<vmem>>, vector<1x128x128xf32>
    %get3A_24 = vector.shape_cast %get3A_23 : vector<1x128x128xf32> to vector<128x128xf32>
    %dot_general3A_25 = arith.constant dense<0.000000e+00> : vector<512x128xf32>
    %dot_general3A_26 = tpu.matmul %convert_element_type3A_19, %get3A_24, %dot_general3A_25 {dimension_numbers = #tpu.dot_dimension_numbers<[1], [0], [0], [1], [0, 0, 1, 1], [], []>, precision = #tpu.contract_precision<fp32>, transpose_lhs_hint = false} : vector<512x128xf32>, vector<128x128xf32>, vector<512x128xf32> -> vector<512x128xf32>
    %add3A_27 = arith.addf %add3A, %dot_general3A_26 : vector<512x128xf32>
    %get3A_28 = arith.constant 0 : index
    %get3A_29 = arith.constant 2 : index
    %get3A_30 = vector.load %arg1[%get3A_28, %get3A_29] : memref<512x9xi32, #tpu.memory_space<vmem>>, vector<512x1xi32>
    %eq3A_31 = vector.broadcast %get3A_30 : vector<512x1xi32> to vector<512x128xi32>
    %eq3A_32 = vector.broadcast %iota3A : vector<1x128xi32> to vector<512x128xi32>
    %eq3A_33 = arith.cmpi eq, %eq3A_31, %eq3A_32 : vector<512x128xi32>
    %convert_element_type3A_34 = arith.extui %eq3A_33 : vector<512x128xi1> to vector<512x128xi32>
    %convert_element_type3A_35 = arith.sitofp %convert_element_type3A_34 : vector<512x128xi32> to vector<512x128xf32>
    %get3A_36 = arith.constant 2 : index
    %get3A_37 = arith.constant 0 : index
    %get3A_38 = arith.constant 0 : index
    %get3A_39 = vector.load %arg2[%get3A_36, %get3A_37, %get3A_38] : memref<9x128x128xf32, #tpu.memory_space<vmem>>, vector<1x128x128xf32>
    %get3A_40 = vector.shape_cast %get3A_39 : vector<1x128x128xf32> to vector<128x128xf32>
    %dot_general3A_41 = arith.constant dense<0.000000e+00> : vector<512x128xf32>
    %dot_general3A_42 = tpu.matmul %convert_element_type3A_35, %get3A_40, %dot_general3A_41 {dimension_numbers = #tpu.dot_dimension_numbers<[1], [0], [0], [1], [0, 0, 1, 1], [], []>, precision = #tpu.contract_precision<fp32>, transpose_lhs_hint = false} : vector<512x128xf32>, vector<128x128xf32>, vector<512x128xf32> -> vector<512x128xf32>
    %add3A_43 = arith.addf %add3A_27, %dot_general3A_42 : vector<512x128xf32>
    %get3A_44 = arith.constant 0 : index
    %get3A_45 = arith.constant 3 : index
    %get3A_46 = vector.load %arg1[%get3A_44, %get3A_45] : memref<512x9xi32, #tpu.memory_space<vmem>>, vector<512x1xi32>
    %eq3A_47 = vector.broadcast %get3A_46 : vector<512x1xi32> to vector<512x128xi32>
    %eq3A_48 = vector.broadcast %iota3A : vector<1x128xi32> to vector<512x128xi32>
    %eq3A_49 = arith.cmpi eq, %eq3A_47, %eq3A_48 : vector<512x128xi32>
    %convert_element_type3A_50 = arith.extui %eq3A_49 : vector<512x128xi1> to vector<512x128xi32>
    %convert_element_type3A_51 = arith.sitofp %convert_element_type3A_50 : vector<512x128xi32> to vector<512x128xf32>
    %get3A_52 = arith.constant 3 : index
    %get3A_53 = arith.constant 0 : index
    %get3A_54 = arith.constant 0 : index
    %get3A_55 = vector.load %arg2[%get3A_52, %get3A_53, %get3A_54] : memref<9x128x128xf32, #tpu.memory_space<vmem>>, vector<1x128x128xf32>
    %get3A_56 = vector.shape_cast %get3A_55 : vector<1x128x128xf32> to vector<128x128xf32>
    %dot_general3A_57 = arith.constant dense<0.000000e+00> : vector<512x128xf32>
    %dot_general3A_58 = tpu.matmul %convert_element_type3A_51, %get3A_56, %dot_general3A_57 {dimension_numbers = #tpu.dot_dimension_numbers<[1], [0], [0], [1], [0, 0, 1, 1], [], []>, precision = #tpu.contract_precision<fp32>, transpose_lhs_hint = false} : vector<512x128xf32>, vector<128x128xf32>, vector<512x128xf32> -> vector<512x128xf32>
    %add3A_59 = arith.addf %add3A_43, %dot_general3A_58 : vector<512x128xf32>
    %get3A_60 = arith.constant 0 : index
    %get3A_61 = arith.constant 4 : index
    %get3A_62 = vector.load %arg1[%get3A_60, %get3A_61] : memref<512x9xi32, #tpu.memory_space<vmem>>, vector<512x1xi32>
    %eq3A_63 = vector.broadcast %get3A_62 : vector<512x1xi32> to vector<512x128xi32>
    %eq3A_64 = vector.broadcast %iota3A : vector<1x128xi32> to vector<512x128xi32>
    %eq3A_65 = arith.cmpi eq, %eq3A_63, %eq3A_64 : vector<512x128xi32>
    %convert_element_type3A_66 = arith.extui %eq3A_65 : vector<512x128xi1> to vector<512x128xi32>
    %convert_element_type3A_67 = arith.sitofp %convert_element_type3A_66 : vector<512x128xi32> to vector<512x128xf32>
    %get3A_68 = arith.constant 4 : index
    %get3A_69 = arith.constant 0 : index
    %get3A_70 = arith.constant 0 : index
    %get3A_71 = vector.load %arg2[%get3A_68, %get3A_69, %get3A_70] : memref<9x128x128xf32, #tpu.memory_space<vmem>>, vector<1x128x128xf32>
    %get3A_72 = vector.shape_cast %get3A_71 : vector<1x128x128xf32> to vector<128x128xf32>
    %dot_general3A_73 = arith.constant dense<0.000000e+00> : vector<512x128xf32>
    %dot_general3A_74 = tpu.matmul %convert_element_type3A_67, %get3A_72, %dot_general3A_73 {dimension_numbers = #tpu.dot_dimension_numbers<[1], [0], [0], [1], [0, 0, 1, 1], [], []>, precision = #tpu.contract_precision<fp32>, transpose_lhs_hint = false} : vector<512x128xf32>, vector<128x128xf32>, vector<512x128xf32> -> vector<512x128xf32>
    %add3A_75 = arith.addf %add3A_59, %dot_general3A_74 : vector<512x128xf32>
    %get3A_76 = arith.constant 0 : index
    %get3A_77 = arith.constant 5 : index
    %get3A_78 = vector.load %arg1[%get3A_76, %get3A_77] : memref<512x9xi32, #tpu.memory_space<vmem>>, vector<512x1xi32>
    %eq3A_79 = vector.broadcast %get3A_78 : vector<512x1xi32> to vector<512x128xi32>
    %eq3A_80 = vector.broadcast %iota3A : vector<1x128xi32> to vector<512x128xi32>
    %eq3A_81 = arith.cmpi eq, %eq3A_79, %eq3A_80 : vector<512x128xi32>
    %convert_element_type3A_82 = arith.extui %eq3A_81 : vector<512x128xi1> to vector<512x128xi32>
    %convert_element_type3A_83 = arith.sitofp %convert_element_type3A_82 : vector<512x128xi32> to vector<512x128xf32>
    %get3A_84 = arith.constant 5 : index
    %get3A_85 = arith.constant 0 : index
    %get3A_86 = arith.constant 0 : index
    %get3A_87 = vector.load %arg2[%get3A_84, %get3A_85, %get3A_86] : memref<9x128x128xf32, #tpu.memory_space<vmem>>, vector<1x128x128xf32>
    %get3A_88 = vector.shape_cast %get3A_87 : vector<1x128x128xf32> to vector<128x128xf32>
    %dot_general3A_89 = arith.constant dense<0.000000e+00> : vector<512x128xf32>
    %dot_general3A_90 = tpu.matmul %convert_element_type3A_83, %get3A_88, %dot_general3A_89 {dimension_numbers = #tpu.dot_dimension_numbers<[1], [0], [0], [1], [0, 0, 1, 1], [], []>, precision = #tpu.contract_precision<fp32>, transpose_lhs_hint = false} : vector<512x128xf32>, vector<128x128xf32>, vector<512x128xf32> -> vector<512x128xf32>
    %add3A_91 = arith.addf %add3A_75, %dot_general3A_90 : vector<512x128xf32>
    %get3A_92 = arith.constant 0 : index
    %get3A_93 = arith.constant 6 : index
    %get3A_94 = vector.load %arg1[%get3A_92, %get3A_93] : memref<512x9xi32, #tpu.memory_space<vmem>>, vector<512x1xi32>
    %eq3A_95 = vector.broadcast %get3A_94 : vector<512x1xi32> to vector<512x128xi32>
    %eq3A_96 = vector.broadcast %iota3A : vector<1x128xi32> to vector<512x128xi32>
    %eq3A_97 = arith.cmpi eq, %eq3A_95, %eq3A_96 : vector<512x128xi32>
    %convert_element_type3A_98 = arith.extui %eq3A_97 : vector<512x128xi1> to vector<512x128xi32>
    %convert_element_type3A_99 = arith.sitofp %convert_element_type3A_98 : vector<512x128xi32> to vector<512x128xf32>
    %get3A_100 = arith.constant 6 : index
    %get3A_101 = arith.constant 0 : index
    %get3A_102 = arith.constant 0 : index
    %get3A_103 = vector.load %arg2[%get3A_100, %get3A_101, %get3A_102] : memref<9x128x128xf32, #tpu.memory_space<vmem>>, vector<1x128x128xf32>
    %get3A_104 = vector.shape_cast %get3A_103 : vector<1x128x128xf32> to vector<128x128xf32>
    %dot_general3A_105 = arith.constant dense<0.000000e+00> : vector<512x128xf32>
    %dot_general3A_106 = tpu.matmul %convert_element_type3A_99, %get3A_104, %dot_general3A_105 {dimension_numbers = #tpu.dot_dimension_numbers<[1], [0], [0], [1], [0, 0, 1, 1], [], []>, precision = #tpu.contract_precision<fp32>, transpose_lhs_hint = false} : vector<512x128xf32>, vector<128x128xf32>, vector<512x128xf32> -> vector<512x128xf32>
    %add3A_107 = arith.addf %add3A_91, %dot_general3A_106 : vector<512x128xf32>
    %get3A_108 = arith.constant 0 : index
    %get3A_109 = arith.constant 7 : index
    %get3A_110 = vector.load %arg1[%get3A_108, %get3A_109] : memref<512x9xi32, #tpu.memory_space<vmem>>, vector<512x1xi32>
    %eq3A_111 = vector.broadcast %get3A_110 : vector<512x1xi32> to vector<512x128xi32>
    %eq3A_112 = vector.broadcast %iota3A : vector<1x128xi32> to vector<512x128xi32>
    %eq3A_113 = arith.cmpi eq, %eq3A_111, %eq3A_112 : vector<512x128xi32>
    %convert_element_type3A_114 = arith.extui %eq3A_113 : vector<512x128xi1> to vector<512x128xi32>
    %convert_element_type3A_115 = arith.sitofp %convert_element_type3A_114 : vector<512x128xi32> to vector<512x128xf32>
    %get3A_116 = arith.constant 7 : index
    %get3A_117 = arith.constant 0 : index
    %get3A_118 = arith.constant 0 : index
    %get3A_119 = vector.load %arg2[%get3A_116, %get3A_117, %get3A_118] : memref<9x128x128xf32, #tpu.memory_space<vmem>>, vector<1x128x128xf32>
    %get3A_120 = vector.shape_cast %get3A_119 : vector<1x128x128xf32> to vector<128x128xf32>
    %dot_general3A_121 = arith.constant dense<0.000000e+00> : vector<512x128xf32>
    %dot_general3A_122 = tpu.matmul %convert_element_type3A_115, %get3A_120, %dot_general3A_121 {dimension_numbers = #tpu.dot_dimension_numbers<[1], [0], [0], [1], [0, 0, 1, 1], [], []>, precision = #tpu.contract_precision<fp32>, transpose_lhs_hint = false} : vector<512x128xf32>, vector<128x128xf32>, vector<512x128xf32> -> vector<512x128xf32>
    %add3A_123 = arith.addf %add3A_107, %dot_general3A_122 : vector<512x128xf32>
    %get3A_124 = arith.constant 0 : index
    %get3A_125 = arith.constant 8 : index
    %get3A_126 = vector.load %arg1[%get3A_124, %get3A_125] : memref<512x9xi32, #tpu.memory_space<vmem>>, vector<512x1xi32>
    %eq3A_127 = vector.broadcast %get3A_126 : vector<512x1xi32> to vector<512x128xi32>
    %eq3A_128 = vector.broadcast %iota3A : vector<1x128xi32> to vector<512x128xi32>
    %eq3A_129 = arith.cmpi eq, %eq3A_127, %eq3A_128 : vector<512x128xi32>
    %convert_element_type3A_130 = arith.extui %eq3A_129 : vector<512x128xi1> to vector<512x128xi32>
    %convert_element_type3A_131 = arith.sitofp %convert_element_type3A_130 : vector<512x128xi32> to vector<512x128xf32>
    %get3A_132 = arith.constant 8 : index
    %get3A_133 = arith.constant 0 : index
    %get3A_134 = arith.constant 0 : index
    %get3A_135 = vector.load %arg2[%get3A_132, %get3A_133, %get3A_134] : memref<9x128x128xf32, #tpu.memory_space<vmem>>, vector<1x128x128xf32>
    %get3A_136 = vector.shape_cast %get3A_135 : vector<1x128x128xf32> to vector<128x128xf32>
    %dot_general3A_137 = arith.constant dense<0.000000e+00> : vector<512x128xf32>
    %dot_general3A_138 = tpu.matmul %convert_element_type3A_131, %get3A_136, %dot_general3A_137 {dimension_numbers = #tpu.dot_dimension_numbers<[1], [0], [0], [1], [0, 0, 1, 1], [], []>, precision = #tpu.contract_precision<fp32>, transpose_lhs_hint = false} : vector<512x128xf32>, vector<128x128xf32>, vector<512x128xf32> -> vector<512x128xf32>
    %add3A_139 = arith.addf %add3A_123, %dot_general3A_138 : vector<512x128xf32>
    %slice3A = vector.extract_strided_slice %add3A_139 {offsets = [0, 0], sizes = [512, 64], strides = [1, 1]} : vector<512x128xf32> to vector<512x64xf32>
    %swap3A = arith.constant 0 : index
    %swap3A_140 = arith.constant 0 : index
    %swap3A_141 = arith.constant 0 : index
    %swap3A_142 = vector.load %arg3[%swap3A, %swap3A_140, %swap3A_141] : memref<2x512x64xf32, #tpu.memory_space<vmem>>, vector<1x512x64xf32>
    %swap3A_143 = vector.shape_cast %swap3A_142 : vector<1x512x64xf32> to vector<512x64xf32>
    %swap3A_144 = vector.shape_cast %slice3A : vector<512x64xf32> to vector<1x512x64xf32>
    tpu.vector_store %arg3[%swap3A, %swap3A_140, %swap3A_141], %swap3A_144 {strides = array<i32>} : memref<2x512x64xf32, #tpu.memory_space<vmem>>, vector<1x512x64xf32>,
    %slice3A_145 = vector.extract_strided_slice %add3A_139 {offsets = [0, 64], sizes = [512, 64], strides = [1, 1]} : vector<512x128xf32> to vector<512x64xf32>
    %swap3A_146 = arith.constant 1 : index
    %swap3A_147 = arith.constant 0 : index
    %swap3A_148 = arith.constant 0 : index
    %swap3A_149 = vector.load %arg3[%swap3A_146, %swap3A_147, %swap3A_148] : memref<2x512x64xf32, #tpu.memory_space<vmem>>, vector<1x512x64xf32>
    %swap3A_150 = vector.shape_cast %swap3A_149 : vector<1x512x64xf32> to vector<512x64xf32>
    %swap3A_151 = vector.shape_cast %slice3A_145 : vector<512x64xf32> to vector<1x512x64xf32>
    tpu.vector_store %arg3[%swap3A_146, %swap3A_147, %swap3A_148], %swap3A_151 {strides = array<i32>} : memref<2x512x64xf32, #tpu.memory_space<vmem>>, vector<1x512x64xf32>,
    return
  }
  func.func @transform_0(%arg0: i32) -> (i32, i32) {
    %c0_i32 = arith.constant 0 : i32
    %c0_i32_0 = arith.constant 0 : i32
    return %arg0, %c0_i32 : i32, i32
  }
  func.func @transform_1(%arg0: i32) -> (i32, i32, i32) {
    %c0_i32 = arith.constant 0 : i32
    %c0_i32_0 = arith.constant 0 : i32
    %c0_i32_1 = arith.constant 0 : i32
    %c0_i32_2 = arith.constant 0 : i32
    return %c0_i32, %c0_i32_0, %c0_i32_1 : i32, i32, i32
  }
  func.func @transform_2(%arg0: i32) -> (i32, i32, i32) {
    %c0_i32 = arith.constant 0 : i32
    %c0_i32_0 = arith.constant 0 : i32
    %c0_i32_1 = arith.constant 0 : i32
    return %c0_i32, %arg0, %c0_i32_0 : i32, i32, i32
  }
}

module attributes {stable_mosaic.version = 14 : i64} {
  func.func @_combine_body(%arg0: i32, %arg1: memref<2x512x64xf32, #tpu.memory_space<vmem>>, %arg2: memref<2x512x64xf32, #tpu.memory_space<vmem>>, %arg3: memref<128x128xf32, #tpu.memory_space<vmem>>, %arg4: memref<128x128xf32, #tpu.memory_space<vmem>>, %arg5: memref<1x128xf32, #tpu.memory_space<vmem>>, %arg6: memref<2x512x64xf32, #tpu.memory_space<vmem>>) attributes {dimension_semantics = [#tpu.dimension_semantics<arbitrary>], iteration_bounds = array<i64: 20>, scalar_prefetch = 0 : i64, scratch_operands = 0 : i64, tpu.core_type = #tpu.core_type<tc>, window_params = [{transform_indices = @transform_0, window_bounds = array<i64: 2, 512, 64>}, {transform_indices = @transform_1, window_bounds = array<i64: 2, 512, 64>}, {pipeline_mode = #tpu.pipeline_mode<synchronous>, transform_indices = @transform_2, window_bounds = array<i64: 128, 128>}, {pipeline_mode = #tpu.pipeline_mode<synchronous>, transform_indices = @transform_3, window_bounds = array<i64: 128, 128>}, {pipeline_mode = #tpu.pipeline_mode<synchronous>, transform_indices = @transform_4, window_bounds = array<i64: 1, 128>}, {transform_indices = @transform_5, window_bounds = array<i64: 2, 512, 64>}]} {
    %get3A = arith.constant 0 : index
    %get3A_0 = arith.constant 0 : index
    %get3A_1 = arith.constant 0 : index
    %get3A_2 = vector.load %arg1[%get3A, %get3A_0, %get3A_1] : memref<2x512x64xf32, #tpu.memory_space<vmem>>, vector<1x512x64xf32>
    %get3A_3 = vector.shape_cast %get3A_2 : vector<1x512x64xf32> to vector<512x64xf32>
    %get3A_4 = arith.constant 1 : index
    %get3A_5 = arith.constant 0 : index
    %get3A_6 = arith.constant 0 : index
    %get3A_7 = vector.load %arg1[%get3A_4, %get3A_5, %get3A_6] : memref<2x512x64xf32, #tpu.memory_space<vmem>>, vector<1x512x64xf32>
    %get3A_8 = vector.shape_cast %get3A_7 : vector<1x512x64xf32> to vector<512x64xf32>
    %concatenate3A = tpu.concatenate %get3A_3, %get3A_8 in 1 : vector<512x64xf32>, vector<512x64xf32> -> vector<512x128xf32>
    %get3A_9 = arith.constant 0 : index
    %get3A_10 = arith.constant 0 : index
    %get3A_11 = arith.constant 0 : index
    %get3A_12 = vector.load %arg2[%get3A_9, %get3A_10, %get3A_11] : memref<2x512x64xf32, #tpu.memory_space<vmem>>, vector<1x512x64xf32>
    %get3A_13 = vector.shape_cast %get3A_12 : vector<1x512x64xf32> to vector<512x64xf32>
    %get3A_14 = arith.constant 1 : index
    %get3A_15 = arith.constant 0 : index
    %get3A_16 = arith.constant 0 : index
    %get3A_17 = vector.load %arg2[%get3A_14, %get3A_15, %get3A_16] : memref<2x512x64xf32, #tpu.memory_space<vmem>>, vector<1x512x64xf32>
    %get3A_18 = vector.shape_cast %get3A_17 : vector<1x512x64xf32> to vector<512x64xf32>
    %concatenate3A_19 = tpu.concatenate %get3A_13, %get3A_18 in 1 : vector<512x64xf32>, vector<512x64xf32> -> vector<512x128xf32>
    %get3A_20 = arith.constant 0 : index
    %get3A_21 = arith.constant 0 : index
    %get3A_22 = vector.load %arg3[%get3A_20, %get3A_21] : memref<128x128xf32, #tpu.memory_space<vmem>>, vector<128x128xf32>
    %dot_general3A = arith.constant dense<0.000000e+00> : vector<512x128xf32>
    %dot_general3A_23 = tpu.matmul %concatenate3A, %get3A_22, %dot_general3A {dimension_numbers = #tpu.dot_dimension_numbers<[1], [0], [0], [1], [0, 0, 1, 1], [], []>, transpose_lhs_hint = false} : vector<512x128xf32>, vector<128x128xf32>, vector<512x128xf32> -> vector<512x128xf32>
    %get3A_24 = arith.constant 0 : index
    %get3A_25 = arith.constant 0 : index
    %get3A_26 = vector.load %arg4[%get3A_24, %get3A_25] : memref<128x128xf32, #tpu.memory_space<vmem>>, vector<128x128xf32>
    %dot_general3A_27 = arith.constant dense<0.000000e+00> : vector<512x128xf32>
    %dot_general3A_28 = tpu.matmul %concatenate3A_19, %get3A_26, %dot_general3A_27 {dimension_numbers = #tpu.dot_dimension_numbers<[1], [0], [0], [1], [0, 0, 1, 1], [], []>, transpose_lhs_hint = false} : vector<512x128xf32>, vector<128x128xf32>, vector<512x128xf32> -> vector<512x128xf32>
    %add3A = arith.addf %dot_general3A_23, %dot_general3A_28 : vector<512x128xf32>
    %get3A_29 = arith.constant 0 : index
    %get3A_30 = arith.constant 0 : index
    %get3A_31 = vector.load %arg5[%get3A_29, %get3A_30] : memref<1x128xf32, #tpu.memory_space<vmem>>, vector<1x128xf32>
    %add3A_32 = vector.broadcast %get3A_31 : vector<1x128xf32> to vector<512x128xf32>
    %add3A_33 = arith.addf %add3A, %add3A_32 : vector<512x128xf32>
    %slice3A = vector.extract_strided_slice %add3A_33 {offsets = [0, 0], sizes = [512, 64], strides = [1, 1]} : vector<512x128xf32> to vector<512x64xf32>
    %swap3A = arith.constant 0 : index
    %swap3A_34 = arith.constant 0 : index
    %swap3A_35 = arith.constant 0 : index
    %swap3A_36 = vector.load %arg6[%swap3A, %swap3A_34, %swap3A_35] : memref<2x512x64xf32, #tpu.memory_space<vmem>>, vector<1x512x64xf32>
    %swap3A_37 = vector.shape_cast %swap3A_36 : vector<1x512x64xf32> to vector<512x64xf32>
    %swap3A_38 = vector.shape_cast %slice3A : vector<512x64xf32> to vector<1x512x64xf32>
    tpu.vector_store %arg6[%swap3A, %swap3A_34, %swap3A_35], %swap3A_38 {strides = array<i32>} : memref<2x512x64xf32, #tpu.memory_space<vmem>>, vector<1x512x64xf32>,
    %slice3A_39 = vector.extract_strided_slice %add3A_33 {offsets = [0, 64], sizes = [512, 64], strides = [1, 1]} : vector<512x128xf32> to vector<512x64xf32>
    %swap3A_40 = arith.constant 1 : index
    %swap3A_41 = arith.constant 0 : index
    %swap3A_42 = arith.constant 0 : index
    %swap3A_43 = vector.load %arg6[%swap3A_40, %swap3A_41, %swap3A_42] : memref<2x512x64xf32, #tpu.memory_space<vmem>>, vector<1x512x64xf32>
    %swap3A_44 = vector.shape_cast %swap3A_43 : vector<1x512x64xf32> to vector<512x64xf32>
    %swap3A_45 = vector.shape_cast %slice3A_39 : vector<512x64xf32> to vector<1x512x64xf32>
    tpu.vector_store %arg6[%swap3A_40, %swap3A_41, %swap3A_42], %swap3A_45 {strides = array<i32>} : memref<2x512x64xf32, #tpu.memory_space<vmem>>, vector<1x512x64xf32>,
    return
  }
  func.func @transform_0(%arg0: i32) -> (i32, i32, i32) {
    %c0_i32 = arith.constant 0 : i32
    %c0_i32_0 = arith.constant 0 : i32
    %c0_i32_1 = arith.constant 0 : i32
    return %c0_i32, %arg0, %c0_i32_0 : i32, i32, i32
  }
  func.func @transform_1(%arg0: i32) -> (i32, i32, i32) {
    %c0_i32 = arith.constant 0 : i32
    %c0_i32_0 = arith.constant 0 : i32
    %c0_i32_1 = arith.constant 0 : i32
    return %c0_i32, %arg0, %c0_i32_0 : i32, i32, i32
  }
  func.func @transform_2(%arg0: i32) -> (i32, i32) {
    %c0_i32 = arith.constant 0 : i32
    %c0_i32_0 = arith.constant 0 : i32
    %c0_i32_1 = arith.constant 0 : i32
    return %c0_i32, %c0_i32_0 : i32, i32
  }
  func.func @transform_3(%arg0: i32) -> (i32, i32) {
    %c0_i32 = arith.constant 0 : i32
    %c0_i32_0 = arith.constant 0 : i32
    %c0_i32_1 = arith.constant 0 : i32
    return %c0_i32, %c0_i32_0 : i32, i32
  }
  func.func @transform_4(%arg0: i32) -> (i32, i32) {
    %c0_i32 = arith.constant 0 : i32
    %c0_i32_0 = arith.constant 0 : i32
    %c0_i32_1 = arith.constant 0 : i32
    return %c0_i32, %c0_i32_0 : i32, i32
  }
  func.func @transform_5(%arg0: i32) -> (i32, i32, i32) {
    %c0_i32 = arith.constant 0 : i32
    %c0_i32_0 = arith.constant 0 : i32
    %c0_i32_1 = arith.constant 0 : i32
    return %c0_i32, %arg0, %c0_i32_0 : i32, i32, i32
  }
}

</mosaic_0001>

<sc_bundles>
// kernel: kernel.12.cloned.1.call-start
scs
__scs_entry_jumppad:
0x0: {  	(pc) =	sbr.rel $0x88, $3  }
0x1: {  	(tag) =	ssettag $0x0;
	lr =	simm.s32 $0x1  }
0x2: {  	[smem:$0x3F9B] =	sst lr;
	_ =	strace $0xD0000000  }
0x3: {  	_ = 	snop  }
0x4: {  	_ = 	snop  }
0x5: {  	_ = 	snop  }
0x6: {  	_ = 	snop  }
0x7: {  	_ = 	snop  }
__scs_overlays_trampoline_lowered:
0x8: {  	[smem:$0x3FAA] =	sst s0  }
0x9: {  	[smem:$0x3FAB] =	sst s1  }
0xa: {  	[smem:$0x3FAC] =	sst s2  }
0xb: {  	[smem:$0x3FAD] =	sst s3  }
0xc: {  	[smem:$0x3FAE] =	sst s4  }
0xd: {  	[smem:$0x3FAF] =	sst s5  }
0xe: {  	[smem:$0x3FB0] =	sst s6  }
0xf: {  	[smem:$0x3FB1] =	sst s7  }
0x10: {  	[smem:$0x3FB2] =	sst s8  }
0x11: {  	[smem:$0x3FB3] =	sst s9;
	s0 =	simm.s32 @!p0 $0x0  }
0x12: {  	s1 =	sld [smem:$0x3F99];
	s0 =	simm.s32 @p0 $0x1  }
0x13: {  	[smem:$0x3FB4] =	sst s0;
	s0 =	simm.s32 @!p1 $0x0  }
0x14: {  	s2 =	sld [smem:$0x3F98];
	s0 =	simm.s32 @p1 $0x1  }
0x15: {  	[smem:$0x3FB5] =	sst s0;
	s0 =	simm.s32 @!p2 $0x0  }
0x16: {  	s3 =	sld [smem:$0x3FDB];
	s0 =	simm.s32 @p2 $0x1  }
0x17: {  	s4 =	simm.s32 $0x1BF5;
	[smem:$0x3FB7] =	sst s0  }
0x18: {  	s0 =	sld [smem:$0x3F9A];
	_ =	swait.ge [sflag:s4], $0x0  }
0x19: {  	s7 =	sld [smem:$0x3F9B]  }
0x1a: {  	s8 =	sadd.s32 $0xFFFFE003, lr  }
0x1b: {  	s9 =	sadd.s32 $0xFFFFFEF7, lr;
	s5 =	simm.s32 $0xFFFFFFFF;
	p2 =	slt.u32 s8, $0xFFFFF086  }
0x1c: {  	p1 =	slt.u32 s9, $0xF7A;
	s5 =	simm.s32 @!p2 $0x0  }
0x1d: {  	s5 =	simm.s32 @p1 $0x1;
	p0 =	seq.s32 s7, s2  }
0x1e: {  	s7 =	smul.u32 @!p0 $0xF7A, s2;
	p2 =	seq.s32 @!p0 s5, $0x0  }
0x1f: {  	s9 =	smul.u32 $0xF7A, s1;
	s8 =	simm.s32 @!p0 $0x1BF5;
	p2 =	por !p2, p0  }
0x20: {  	[sflag:s8] =	ssyncset.s32 @!p0 $0xFFFFF086;
	s6 =	sadd.s32 @!p0 s3, s7;
	s7 =	simm.s32 @!p0 $0x108  }
0x21: {  	s3 =	sadd.s32 s3, s9;
	s6 =	sadd.s32 @!p0 $0x88, s6;
	s7 =	simm.s32 @p2 $0x1082  }
0x22: {  	[simem:s7], [sflag:s8] =	dma.local @!p0 [hbm:s6], $0xF7A  }
0x23: {  	s9 =	sor.u32 $0xD0000000, s2;
	s6 =	simm.s32 $0x108;
	_ =	swait.ge @!p0 [sflag:s8], $0x0  }
0x24: {  	s3 =	sadd.s32 $0x88, s3;
	s6 =	simm.s32 @!p1 $0x1082;
	[sflag:s4] =	ssyncset.s32 $0xFFFFF086  }
0x25: {  	[simem:s6], [sflag:s4] =	dma.local [hbm:s3], $0xF7A  }
0x26: {  	[smem:$0x3F9B] =	sst s1;
	(tag) =	ssettag s2;
	_ =	strace s9  }
0x27: {  	s1 =	sld [smem:$0x3FAB]  }
0x28: {  	s2 =	sld [smem:$0x3FAC]  }
0x29: {  	s4 =	sld [smem:$0x3FAE]  }
0x2a: {  	p0 =	seq.s32 s5, $0x0;
	s5 =	sld [smem:$0x3FAF]  }
0x2b: {  	s6 =	sld [smem:$0x3FB0]  }
0x2c: {  	s7 =	sld [smem:$0x3FB1]  }
0x2d: {  	s3 =	simm.s32 $0x108;
	s8 =	sld [smem:$0x3FB2]  }
0x2e: {  	s3 =	simm.s32 @!p0 $0x1082;
	s9 =	sld [smem:$0x3FB3]  }
0x2f: {  	lr =	sadd.s32 s0, s3;
	s0 =	sld [smem:$0x3FAA]  }
0x30: {  	s3 =	sld [smem:$0x3FAD]  }
0x31: {  	[smem:$0x3FB6] =	sst s10  }
0x32: {  	s10 =	sld [smem:$0x3FB4];
	_ =	sdelay $0x3  }
0x33: {  	p0 =	seq.s32 s10, $0x1;
	s10 =	sld [smem:$0x3FB6];
	_ =	sdelay $0x3  }
0x34: {  	[smem:$0x3FB6] =	sst s10  }
0x35: {  	s10 =	sld [smem:$0x3FB5];
	_ =	sdelay $0x3  }
0x36: {  	p1 =	seq.s32 s10, $0x1;
	s10 =	sld [smem:$0x3FB6];
	_ =	sdelay $0x3  }
0x37: {  	[smem:$0x3FB6] =	sst s10  }
0x38: {  	s10 =	sld [smem:$0x3FB7]  }
0x39: {  	_ = 	snop;
	(pc) =	sbr.ind lr, $3  }
0x3a: {  	_ = 	snop  }
0x3b: {  	_ = 	snop  }
0x3c: {  	p2 =	seq.s32 s10, $0x1;
	s10 =	sld [smem:$0x3FB6]  }
0x3d: {  	_ =	shalt  }
0x3e: {  	_ =	shalt  }
0x3f: {  	_ =	shalt  }
0x40: {  	_ =	shalt  }
0x41: {  	_ =	shalt  }
0x42: {  	_ =	shalt  }
0x43: {  	_ =	shalt  }
0x44: {  	_ =	shalt  }
0x45: {  	_ =	shalt  }
0x46: {  	_ =	shalt  }
0x47: {  	_ =	shalt  }
0x48: {  	_ =	shalt  }
0x49: {  	_ =	shalt  }
0x4a: {  	_ =	shalt  }
0x4b: {  	_ =	shalt  }
0x4c: {  	_ =	shalt  }
0x4d: {  	_ =	shalt  }
0x4e: {  	_ =	shalt  }
0x4f: {  	_ =	shalt  }
0x50: {  	_ =	shalt  }
0x51: {  	_ =	shalt  }
0x52: {  	_ =	shalt  }
0x53: {  	_ =	shalt  }
0x54: {  	_ =	shalt  }
0x55: {  	_ =	shalt  }
0x56: {  	_ =	shalt  }
0x57: {  	_ =	shalt  }
0x58: {  	_ =	shalt  }
0x59: {  	_ =	shalt  }
0x5a: {  	_ =	shalt  }
0x5b: {  	_ =	shalt  }
0x5c: {  	_ =	shalt  }
0x5d: {  	_ =	shalt  }
0x5e: {  	_ =	shalt  }
0x5f: {  	_ =	shalt  }
0x60: {  	_ =	shalt  }
0x61: {  	_ =	shalt  }
0x62: {  	_ =	shalt  }
0x63: {  	_ =	shalt  }
0x64: {  	_ =	shalt  }
0x65: {  	_ =	shalt  }
0x66: {  	_ =	shalt  }
0x67: {  	_ =	shalt  }
0x68: {  	_ =	shalt  }
0x69: {  	_ =	shalt  }
0x6a: {  	_ =	shalt  }
0x6b: {  	_ =	shalt  }
0x6c: {  	_ =	shalt  }
0x6d: {  	_ =	shalt  }
0x6e: {  	_ =	shalt  }
0x6f: {  	_ =	shalt  }
0x70: {  	_ =	shalt  }
0x71: {  	_ =	shalt  }
0x72: {  	_ =	shalt  }
0x73: {  	_ =	shalt  }
0x74: {  	_ =	shalt  }
0x75: {  	_ =	shalt  }
0x76: {  	_ =	shalt  }
0x77: {  	_ =	shalt  }
0x78: {  	_ =	shalt  }
0x79: {  	_ =	shalt  }
0x7a: {  	_ =	shalt  }
0x7b: {  	_ =	shalt  }
0x7c: {  	_ =	shalt  }
0x7d: {  	_ =	shalt  }
0x7e: {  	_ =	shalt  }
0x7f: {  	_ =	shalt  }
0x80: {  	_ =	shalt  }
0x81: {  	_ =	shalt  }
0x82: {  	_ =	shalt  }
0x83: {  	_ =	shalt  }
0x84: {  	_ =	shalt  }
0x85: {  	_ =	shalt  }
0x86: {  	_ =	shalt  }
0x87: {  	_ =	shalt  }
.Lfunc_end0:
.L_simem_size_0:
called_computation.1_lowered:
.L_overlay_start_0:
0x88: {  	s2 =	sld [smem:$0x3FD9]  }
0x89: {  	s3 =	sld [smem:$0x3FFE];
	_ =	sdelay $0x1  }
0x8a: {  	s1 =	srdreg.scid  }
0x8b: {  	s0 =	sand.u32 $0x1, s1  }
0x8c: {  	s17 =	sshll.u32 s0, $0xA;
	s2 =	sadd.s32 s3, s2  }
0x8d: {  	s2 =	sadd.s32 s2, s17  }
0x8e: {  	[smem:$0x3FC2] =	sst s2  }
0x8f: {  	_ = 	snop  }
0x90: {  	s2 =	sld [smem:$0x3FD0];
	(tm) =	ssettm $0x1  }
0x91: {  	s18 =	sld [smem:$0x3FFB];
	_ =	sdelay $0x3  }
0x92: {  	_ =	strace s18  }
0x93: {  	s3 =	sld [smem:$0x3FFC];
	_ =	sdelay $0x3  }
0x94: {  	_ =	strace s3  }
0x95: {  	s3 =	sld [smem:$0x3FFD];
	_ =	sdelay $0x3  }
0x96: {  	_ =	strace s3  }
0x97: {  	_ =	strace $0x8FFFFFFF  }
0x98: {  	s19 =	sld [smem:$0x3FDB];
	_ =	sdelay $0x1  }
0x99: {  	s4 =	simm.s32 $_scs_section_size  }
0x9a: {  	s5 =	simm.s32 $_size__tile_overlayer_lowered;
	s6 =	simm.s32 $_tile_overlayer_lowered  }
0x9b: {  	s22 =	simm.s32 $0x1BFF;
	s21 =	sshll.u32 s6, $0x1;
	s3 =	sadd.s32 s4, s19  }
0x9c: {  	s7 =	simm.s32 $0x0;
	s20 =	sshll.u32 s5, $0x1;
	s5 =	sadd.s32 s21, s3  }
0x9d: {  	[timem:s7], [sflag:s22] =	dma.local [hbm:s5], s20  }
0x9e: {  	_ =	swait.ge [sflag:s22], s20  }
0x9f: {  	s4 =	ssub.s32 $0x0, s20;
	[sflag:s22] =	ssyncset.done $0x0  }
0xa0: {  	[sflag:s22] =	ssyncadd.s32 s4;
	_ =	sdelay $0x1  }
0xa1: {  	s23 =	simm.s32 $0x1B8B  }
0xa2: {  	_ =	swait.ge [sflag:s23], $0x1  }
0xa3: {  	[sflag:s23] =	ssyncset.done $0x0  }
0xa4: {  	s25 =	simm.s32 $0x1B8E;
	s24 =	sld [smem:$0x3FFE];
	[sflag:s23] =	ssyncadd.s32 $0xFFFFFFFF  }
0xa5: {  	s26 =	simm.s32 $execute0_lowered;
	[smem:$0x3FD2] =	sst s25  }
0xa6: {  	s5 =	sshll.u32 s26, $0x1;
	_ =	strace $0x80000049;
	[dreg:$0x1] =	wrdreg $0xFFFFFFFF  }
0xa7: {  	s28 =	simm.s32 $_size_execute0_lowered;
	s3 =	sadd.s32 s3, s5;
	[dreg:$0x0] =	wrdreg $0x0  }
0xa8: {  	s5 =	sshll.u32 s28, $0x1;
	[dreg:$0x2] =	wrdreg s3  }
0xa9: {  	[dreg:$0x3] =	wrdreg s5  }
0xaa: {  	[dreg:$0x4] =	wrdreg $0xC0  }
0xab: {  	_ =	task [dreg:s7], $0x5FFFF  }
0xac: {  	[dreg:$0x1] =	wrdreg $0xFFFFFFFF  }
0xad: {  	[dreg:$0x0] =	wrdreg $0x60  }
0xae: {  	[dreg:$0x2] =	wrdreg s24  }
0xaf: {  	[dreg:$0x3] =	wrdreg s2  }
0xb0: {  	[dreg:$0x4] =	wrdreg $0x130000  }
0xb1: {  	[dreg:$0x5] =	wrdreg $0x9  }
0xb2: {  	_ =	task.clear_ibuf [dreg:s7], $0x6FFFF;
	_ =	strace $0x90000049  }
0xb3: {  	s29 =	simm.s32 $0x9;
	_ =	strace $0x8000004B  }
0xb4: {  	_ =	swait.ge [sflag:s29], $0x1  }
0xb5: {  	[sflag:s29] =	ssyncadd.s32 $0xFFFFFFFF  }
0xb6: {  	_ =	strace $0x9000004B  }
0xb7: {  	_ =	sfence  }
0xb8: {  	s30 =	sld [smem:$0x0];
	_ =	sdelay $0x2  }
0xb9: {  	s31 =	sshll.u32 s1, $0xD;
	s1 =	sshrl.u32 s1, $0x2  }
0xba: {  	s3 =	sand.u32 $0x4000, s31;
	s1 =	sadd.s32 s1, s30  }
0xbb: {  	s0 =	sor.u32 s3, s0;
	s1 =	sshll.u32 s1, $0x11  }
0xbc: {  	s0 =	sor.u32 s1, s0  }
0xbd: {  	s0 =	sadd.s32 $0x8F2B, s0  }
0xbe: {  	[sflag:s0] =	ssyncadd.remote.s32 $0x1  }
0xbf: {  	_ =	sfence.sel $0xFFFF  }
0xc0: {  	[dreg:$0x0] =	wrdreg $0xFFFFFFFF;
	(pc) =	sbr.abs _section_cstart, $3  }
0xc1: {  	[dreg:$0x1] =	wrdreg $0xFFFFFFFF  }
0xc2: {  	_ =	task.clear_ibuf [dreg:s7], $0x2FFFF;
	_ =	strace $0x9FFFFFFF  }
0xc3: {  	(tm) =	ssettm $0x7FFFFFFF  }
tec
execute0_lowered:
.L_overlay_start_1:
0x0: {  	(tag) =	ssettag $0x1  }
0x1: {  	s0 =	rddreg [dreg:$0x0]  }
0x2: {  	s1 =	srdreg.scid;
	s3 =	rddreg [dreg:$0x1]  }
0x3: {  	s2 =	rddreg [dreg:$0x2];
	s5 =	simm.s32 $0x0;
	s7 =	stileid.u32  }
0x4: {  	s19 =	simm.s32 $0x12000;
	s20 =	simm.s32 $0x5;
	s22 =	simm.s32 $0x80  }
0x5: {  	s23 =	simm.s32 $0xA000;
	s28 =	simm.s32 $0xE000;
	s9 =	smul.u32 $0xA000, s7  }
0x6: {  	s30 =	simm.s32 $0x10000;
	s31 =	simm.s32 $0x1;
	s6 =	smul.u32 $0xA00, s7  }
0x7: {  	s21 =	simm.s32 $0x4;
	s1 =	sand.u32 $0x1, s1;
	s7 =	smul.u32 $0x28000, s7  }
0x8: {  	[smem:$0x7FF] =	sst s5;
	s4 =	smul.u32 $0xA0000, s1;
	s1 =	ssub.s32 $0x2, s1  }
0x9: {  	_ =	strace $0x8000004A;
	s8 =	sadd.s32 s6, s0;
	s10 =	sshrl.u32 s1, $0x1  }
0xa: {  	s25 =	sshrl.u32 s7, $0x2;
	s3 =	sadd.s32 s3, s6;
	s29 =	sadd.s32 s9, s2  }
0xb: {  	s24 =	sshrl.u32 s4, $0x3;
	s4 =	sadd.s32 s9, s4;
	s1 =	ssub.s32 s1, s10  }
0xc: {  	[dreg:$0x4] =	wrdreg s3;
	s26 =	sadd.s32 $0x79A00, s8;
	s5 =	sadd.s32 s24, s0  }
0xd: {  	s4 =	sshrl.u32 s4, $0x3;
	[dreg:$0x5] =	wrdreg s26;
	s9 =	smax.u32 s1, $0x1  }
0xe: {  	s24 =	simm.s32 $0xC000;
	s1 =	simm.s32 $0x3;
	s26 =	simm.s32 $0x0  }
0xf: {  	s0 =	sadd.s32 s4, s0;
	s4 =	sadd.s32 s25, s2;
	s7 =	sadd.s32 $0x51A00, s5  }
0x10: {  	s25 =	sshrl.u32 s29, $0x3;
	s8 =	sadd.s32 $0x83A00, s0;
	s10 =	sadd.s32 $0x1000, s4  }
0x11: {  	s11 =	sadd.s32 $0x2000, s4;
	s12 =	sadd.s32 $0x3000, s4;
	s13 =	sadd.s32 $0x4000, s4  }
0x12: {  	s14 =	sadd.s32 $0x5000, s4;
	s15 =	sadd.s32 $0x6000, s4;
	s16 =	sadd.s32 $0x7000, s4  }
0x13: {  	v0 =	vimm.f32 $0.0e+00;
	s17 =	sadd.s32 $0x8000, s4;
	s18 =	sadd.s32 $0x9000, s4;
	s0 =	simm.s32 $0x2  }
.LBB2_1:
0x14: {  	s5 =	simm.s32 $0x0  }
0x15: {  	s3 =	sand.u32 $0x3F00, s5  }
0x16: {  	s5 =	sand.u32 $0x30, s5;
	s29 =	sshrl.u32 s3, $0x2  }
0x17: {  	s3 =	simm.s32 $0x40;
	s5 =	sor.u32 s5, s29;
	s29 =	simm.s32 $0x0  }
.LBB2_2:
0x18: {  	p0 =	sne.s32 s3, $0x3FC0  }
0x19: {  	[tilespmem:s5+$0x12000] =	vst v0;
	s29 =	sadd.s32 $0x10, s29;
	s5 =	smov.u32 s3;
	s3 =	sadd.s32 $0x40, s3  }
.Ltmp0:
0x1a: {  	(pc) =	sbr.rel @p0 .LBB2_2-.Ltmp0, $4  }
0x1b: {  	_ = 	snop  }
0x1c: {  	s5 =	sand.u32 $0x3F00, s5  }
0x1d: {  	s6 =	sand.u32 $0x30, s29;
	s5 =	sshrl.u32 s5, $0x2  }
0x1e: {  	s5 =	sor.u32 s6, s5  }
0x1f: {  	[tilespmem:s5+$0x12000] =	vst v0  }
0x20: {  	[spmem:s4] =	stream.linear.scatter [tilespmem:s19], [sflag:$0x5], $0x1000, $0x38;
	[tilespmem:$0x1D000] =	vst v63  }
0x21: {  	_ =	swait.ge [sflag:s20], $0x1000  }
0x22: {  	[sflag:s20] =	ssyncset.done $0x0  }
0x23: {  	[sflag:s20] =	ssyncadd.s32 $0xFFFFF000  }
0x24: {  	[spmem:s10] =	stream.linear.scatter [tilespmem:s19], [sflag:$0x5], $0x1000, $0x38;
	[tilespmem:$0x1D000] =	vst v63  }
0x25: {  	_ =	swait.ge [sflag:s20], $0x1000  }
0x26: {  	[sflag:s20] =	ssyncset.done $0x0  }
0x27: {  	[sflag:s20] =	ssyncadd.s32 $0xFFFFF000  }
0x28: {  	[spmem:s11] =	stream.linear.scatter [tilespmem:s19], [sflag:$0x5], $0x1000, $0x38;
	[tilespmem:$0x1D000] =	vst v63  }
0x29: {  	_ =	swait.ge [sflag:s20], $0x1000  }
0x2a: {  	[sflag:s20] =	ssyncset.done $0x0  }
0x2b: {  	[sflag:s20] =	ssyncadd.s32 $0xFFFFF000  }
0x2c: {  	[spmem:s12] =	stream.linear.scatter [tilespmem:s19], [sflag:$0x5], $0x1000, $0x38;
	[tilespmem:$0x1D000] =	vst v63  }
0x2d: {  	_ =	swait.ge [sflag:s20], $0x1000  }
0x2e: {  	[sflag:s20] =	ssyncset.done $0x0  }
0x2f: {  	[sflag:s20] =	ssyncadd.s32 $0xFFFFF000  }
0x30: {  	[spmem:s13] =	stream.linear.scatter [tilespmem:s19], [sflag:$0x5], $0x1000, $0x38;
	[tilespmem:$0x1D000] =	vst v63  }
0x31: {  	_ =	swait.ge [sflag:s20], $0x1000  }
0x32: {  	[sflag:s20] =	ssyncset.done $0x0  }
0x33: {  	[sflag:s20] =	ssyncadd.s32 $0xFFFFF000  }
0x34: {  	[spmem:s14] =	stream.linear.scatter [tilespmem:s19], [sflag:$0x5], $0x1000, $0x38;
	[tilespmem:$0x1D000] =	vst v63  }
0x35: {  	_ =	swait.ge [sflag:s20], $0x1000  }
0x36: {  	[sflag:s20] =	ssyncset.done $0x0  }
0x37: {  	[sflag:s20] =	ssyncadd.s32 $0xFFFFF000  }
0x38: {  	[spmem:s15] =	stream.linear.scatter [tilespmem:s19], [sflag:$0x5], $0x1000, $0x38;
	[tilespmem:$0x1D000] =	vst v63  }
0x39: {  	_ =	swait.ge [sflag:s20], $0x1000  }
0x3a: {  	[sflag:s20] =	ssyncset.done $0x0  }
0x3b: {  	[sflag:s20] =	ssyncadd.s32 $0xFFFFF000  }
0x3c: {  	[spmem:s16] =	stream.linear.scatter [tilespmem:s19], [sflag:$0x5], $0x1000, $0x38;
	[tilespmem:$0x1D000] =	vst v63  }
0x3d: {  	_ =	swait.ge [sflag:s20], $0x1000  }
0x3e: {  	[sflag:s20] =	ssyncset.done $0x0  }
0x3f: {  	[sflag:s20] =	ssyncadd.s32 $0xFFFFF000  }
0x40: {  	[spmem:s17] =	stream.linear.scatter [tilespmem:s19], [sflag:$0x5], $0x1000, $0x38;
	[tilespmem:$0x1D000] =	vst v63  }
0x41: {  	_ =	swait.ge [sflag:s20], $0x1000  }
0x42: {  	[sflag:s20] =	ssyncset.done $0x0  }
0x43: {  	[sflag:s20] =	ssyncadd.s32 $0xFFFFF000  }
0x44: {  	[spmem:s18] =	stream.linear.scatter [tilespmem:s19], [sflag:$0x5], $0x1000, $0x38;
	[tilespmem:$0x1D000] =	vst v63  }
0x45: {  	_ =	swait.ge [sflag:s20], $0x1000  }
0x46: {  	[sflag:s20] =	ssyncset.done $0x0  }
0x47: {  	s3 =	simm.s32 $0x0;
	s6 =	rddreg [dreg:$0x4];
	[sflag:s20] =	ssyncadd.s32 $0xFFFFF000  }
0x48: {  	[tilespmem:s3], [sflag:$0x5] =	stream.linear.gather [hbm4b:s6+s3], $0x5000, $0x38;
	[tilespmem:$0x1D000] =	vst v63  }
0x49: {  	_ =	swait.ge [sflag:s20], $0x5000  }
0x4a: {  	[sflag:s20] =	ssyncset.done $0x0  }
0x4b: {  	s6 =	simm.s32 $0x5000;
	s5 =	rddreg [dreg:$0x5];
	[sflag:s20] =	ssyncadd.s32 $0xFFFFB000  }
0x4c: {  	[tilespmem:s6], [sflag:$0x5] =	stream.linear.gather [hbm4b:s5+s3], $0x5000, $0x38;
	[tilespmem:$0x1D000] =	vst v63  }
0x4d: {  	_ =	swait.ge [sflag:s20], $0x5000  }
0x4e: {  	[sflag:s20] =	ssyncset.done $0x0  }
0x4f: {  	[sflag:s20] =	ssyncadd.s32 $0xFFFFB000  }
0x50: {  	[bflag:$0x0] =	sbarrier.arrive $0xFFFF  }
0x51: {  	[tilespmem:s23], [sflag:$0x1] =	stream.indirect.gather [hbm4b:s7+s22], $0x40, s3, s22, $0xb8;
	[tilespmem:$0x1D000] =	vst v63  }
0x52: {  	_ = 	snop  }
0x53: {  	[tilespmem:s24], [sflag:$0x1] =	stream.indirect.gather [hbm4b:s7+s22], $0x40, s22, s22, $0xb8;
	[tilespmem:$0x1D000] =	vst v63  }
0x54: {  	s6 =	simm.s32 $0x100  }
0x55: {  	[tilespmem:s28], [sflag:$0x2] =	stream.indirect.gather [hbm4b:s7+s22], $0x40, s6, s22, $0xb8;
	[tilespmem:$0x1D000] =	vst v63  }
0x56: {  	s5 =	simm.s32 $0x180  }
0x57: {  	[tilespmem:s30], [sflag:$0x2] =	stream.indirect.gather [hbm4b:s7+s22], $0x40, s5, s22, $0xb8;
	[tilespmem:$0x1D000] =	vst v63  }
0x58: {  	_ =	swait.ge [sflag:s31], $0x2000  }
0x59: {  	[sflag:s31] =	ssyncset.done $0x0  }
0x5a: {  	s6 =	simm.s32 $0x5000;
	[sflag:s31] =	ssyncadd.s32 $0xFFFFE000  }
0x5b: {  	[spmem:s2] =	stream.indirect.scatter.add.f32 [tilespmem:s23], [sflag:$0x3], $0x40, s6, s22, $0xb8;
	[tilespmem:$0x1D000] =	vst v63  }
0x5c: {  	_ =	swait.ge [sflag:s31], $0x2000  }
0x5d: {  	[sflag:s31] =	ssyncset.done $0x0  }
0x5e: {  	s5 =	simm.s32 $0x5080;
	[sflag:s31] =	ssyncadd.s32 $0xFFFFE000  }
0x5f: {  	[spmem:s2] =	stream.indirect.scatter.add.f32 [tilespmem:s24], [sflag:$0x3], $0x40, s5, s22, $0xb8;
	[tilespmem:$0x1D000] =	vst v63  }
0x60: {  	_ =	swait.ge [sflag:s0], $0x2000  }
0x61: {  	[sflag:s0] =	ssyncset.done $0x0  }
0x62: {  	s6 =	simm.s32 $0x5100;
	[sflag:s0] =	ssyncadd.s32 $0xFFFFE000  }
0x63: {  	[spmem:s2] =	stream.indirect.scatter.add.f32 [tilespmem:s28], [sflag:$0x4], $0x40, s6, s22, $0xb8;
	[tilespmem:$0x1D000] =	vst v63  }
0x64: {  	_ =	swait.ge [sflag:s0], $0x2000  }
0x65: {  	[sflag:s0] =	ssyncset.done $0x0  }
0x66: {  	s5 =	simm.s32 $0x5180;
	[sflag:s0] =	ssyncadd.s32 $0xFFFFE000  }
0x67: {  	[spmem:s2] =	stream.indirect.scatter.add.f32 [tilespmem:s30], [sflag:$0x4], $0x40, s5, s22, $0xb8;
	[tilespmem:$0x1D000] =	vst v63  }
0x68: {  	_ =	swait.ge [sflag:s1], $0x2000  }
0x69: {  	[sflag:s1] =	ssyncset.done $0x0  }
0x6a: {  	[sflag:s1] =	ssyncadd.s32 $0xFFFFE000  }
0x6b: {  	_ =	swait.ge [sflag:s1], $0x2000  }
0x6c: {  	[sflag:s1] =	ssyncset.done $0x0  }
0x6d: {  	s6 =	simm.s32 $0x200;
	[sflag:s1] =	ssyncadd.s32 $0xFFFFE000  }
0x6e: {  	[tilespmem:s23], [sflag:$0x1] =	stream.indirect.gather [hbm4b:s7+s22], $0x40, s6, s22, $0xb8;
	[tilespmem:$0x1D000] =	vst v63  }
0x6f: {  	s5 =	simm.s32 $0x280  }
0x70: {  	[tilespmem:s24], [sflag:$0x1] =	stream.indirect.gather [hbm4b:s7+s22], $0x40, s5, s22, $0xb8;
	[tilespmem:$0x1D000] =	vst v63  }
0x71: {  	_ =	swait.ge [sflag:s21], $0x2000  }
0x72: {  	[sflag:s21] =	ssyncset.done $0x0  }
0x73: {  	[sflag:s21] =	ssyncadd.s32 $0xFFFFE000  }
0x74: {  	_ =	swait.ge [sflag:s21], $0x2000  }
0x75: {  	s29 =	simm.s32 $0x800;
	[sflag:s21] =	ssyncset.done $0x0  }
0x76: {  	s3 =	simm.s32 $0x380;
	s6 =	simm.s32 $0x300;
	[sflag:s21] =	ssyncadd.s32 $0xFFFFE000  }
0x77: {  	[tilespmem:s28], [sflag:$0x2] =	stream.indirect.gather [hbm4b:s7+s22], $0x40, s6, s22, $0xb8;
	[tilespmem:$0x1D000] =	vst v63  }
.LBB2_4:
0x78: {  	[tilespmem:s30], [sflag:$0x2] =	stream.indirect.gather [hbm4b:s7+s22], $0x40, s3, s22, $0xb8;
	[tilespmem:$0x1D000] =	vst v63  }
0x79: {  	s3 =	smov.u32 s29  }
0x7a: {  	p0 =	sne.s32 s29, $0x13000;
	s29 =	sadd.s32 $0x800, s29;
	_ =	swait.ge [sflag:s31], $0x2000  }
0x7b: {  	s3 =	sshra.s32 s3, $0x2;
	[sflag:s31] =	ssyncset.done $0x0  }
0x7c: {  	s5 =	sadd.s32 $0x5000, s3;
	[sflag:s31] =	ssyncadd.s32 $0xFFFFE000  }
0x7d: {  	[spmem:s2] =	stream.indirect.scatter.add.f32 [tilespmem:s23], [sflag:$0x3], $0x40, s5, s22, $0xb8;
	[tilespmem:$0x1D000] =	vst v63  }
0x7e: {  	_ =	swait.ge [sflag:s31], $0x2000  }
0x7f: {  	[sflag:s31] =	ssyncset.done $0x0  }
0x80: {  	s5 =	sadd.s32 $0x5080, s3;
	[sflag:s31] =	ssyncadd.s32 $0xFFFFE000  }
0x81: {  	[spmem:s2] =	stream.indirect.scatter.add.f32 [tilespmem:s24], [sflag:$0x3], $0x40, s5, s22, $0xb8;
	[tilespmem:$0x1D000] =	vst v63  }
0x82: {  	_ =	swait.ge [sflag:s0], $0x2000  }
0x83: {  	[sflag:s0] =	ssyncset.done $0x0  }
0x84: {  	s5 =	sadd.s32 $0x5100, s3;
	[sflag:s0] =	ssyncadd.s32 $0xFFFFE000  }
0x85: {  	[spmem:s2] =	stream.indirect.scatter.add.f32 [tilespmem:s28], [sflag:$0x4], $0x40, s5, s22, $0xb8;
	[tilespmem:$0x1D000] =	vst v63  }
0x86: {  	_ =	swait.ge [sflag:s0], $0x2000  }
0x87: {  	[sflag:s0] =	ssyncset.done $0x0  }
0x88: {  	s5 =	sadd.s32 $0x5180, s3;
	[sflag:s0] =	ssyncadd.s32 $0xFFFFE000  }
0x89: {  	[spmem:s2] =	stream.indirect.scatter.add.f32 [tilespmem:s30], [sflag:$0x4], $0x40, s5, s22, $0xb8;
	[tilespmem:$0x1D000] =	vst v63  }
0x8a: {  	_ =	swait.ge [sflag:s1], $0x2000  }
0x8b: {  	[sflag:s1] =	ssyncset.done $0x0  }
0x8c: {  	[sflag:s1] =	ssyncadd.s32 $0xFFFFE000  }
0x8d: {  	_ =	swait.ge [sflag:s1], $0x2000  }
0x8e: {  	[sflag:s1] =	ssyncset.done $0x0  }
0x8f: {  	s5 =	sadd.s32 $0x200, s3;
	[sflag:s1] =	ssyncadd.s32 $0xFFFFE000  }
0x90: {  	[tilespmem:s23], [sflag:$0x1] =	stream.indirect.gather [hbm4b:s7+s22], $0x40, s5, s22, $0xb8;
	[tilespmem:$0x1D000] =	vst v63  }
0x91: {  	s5 =	sadd.s32 $0x280, s3  }
0x92: {  	[tilespmem:s24], [sflag:$0x1] =	stream.indirect.gather [hbm4b:s7+s22], $0x40, s5, s22, $0xb8;
	[tilespmem:$0x1D000] =	vst v63  }
0x93: {  	_ =	swait.ge [sflag:s21], $0x2000  }
0x94: {  	[sflag:s21] =	ssyncset.done $0x0  }
0x95: {  	[sflag:s21] =	ssyncadd.s32 $0xFFFFE000  }
.Ltmp1:
0x96: {  	_ =	swait.ge [sflag:s21], $0x2000;
	(pc) =	sbr.rel @p0 .LBB2_4-.Ltmp1, $4  }
0x97: {  	[sflag:s21] =	ssyncset.done $0x0  }
0x98: {  	s5 =	sadd.s32 $0x300, s3;
	[sflag:s21] =	ssyncadd.s32 $0xFFFFE000  }
0x99: {  	[tilespmem:s28], [sflag:$0x2] =	stream.indirect.gather [hbm4b:s7+s22], $0x40, s5, s22, $0xb8;
	[tilespmem:$0x1D000] =	vst v63  }
0x9a: {  	s3 =	sadd.s32 $0x380, s3  }
0x9b: {  	[tilespmem:s30], [sflag:$0x2] =	stream.indirect.gather [hbm4b:s7+s22], $0x40, s3, s22, $0xb8;
	[tilespmem:$0x1D000] =	vst v63  }
0x9c: {  	_ =	swait.ge [sflag:s31], $0x2000  }
0x9d: {  	[sflag:s31] =	ssyncset.done $0x0  }
0x9e: {  	s6 =	simm.s32 $0x9E00;
	[sflag:s31] =	ssyncadd.s32 $0xFFFFE000  }
0x9f: {  	[spmem:s2] =	stream.indirect.scatter.add.f32 [tilespmem:s23], [sflag:$0x3], $0x40, s6, s22, $0xb8;
	[tilespmem:$0x1D000] =	vst v63  }
0xa0: {  	_ =	swait.ge [sflag:s31], $0x2000  }
0xa1: {  	[sflag:s31] =	ssyncset.done $0x0  }
0xa2: {  	s29 =	simm.s32 $0x9E80;
	[sflag:s31] =	ssyncadd.s32 $0xFFFFE000  }
0xa3: {  	[spmem:s2] =	stream.indirect.scatter.add.f32 [tilespmem:s24], [sflag:$0x3], $0x40, s29, s22, $0xb8;
	[tilespmem:$0x1D000] =	vst v63  }
0xa4: {  	_ =	swait.ge [sflag:s0], $0x2000  }
0xa5: {  	[sflag:s0] =	ssyncset.done $0x0  }
0xa6: {  	s5 =	simm.s32 $0x9F00;
	[sflag:s0] =	ssyncadd.s32 $0xFFFFE000  }
0xa7: {  	[spmem:s2] =	stream.indirect.scatter.add.f32 [tilespmem:s28], [sflag:$0x4], $0x40, s5, s22, $0xb8;
	[tilespmem:$0x1D000] =	vst v63  }
0xa8: {  	_ =	swait.ge [sflag:s0], $0x2000  }
0xa9: {  	[sflag:s0] =	ssyncset.done $0x0  }
0xaa: {  	s6 =	simm.s32 $0x9F80;
	[sflag:s0] =	ssyncadd.s32 $0xFFFFE000  }
0xab: {  	[spmem:s2] =	stream.indirect.scatter.add.f32 [tilespmem:s30], [sflag:$0x4], $0x40, s6, s22, $0xb8;
	[tilespmem:$0x1D000] =	vst v63  }
0xac: {  	_ =	swait.ge [sflag:s1], $0x2000  }
0xad: {  	[sflag:s1] =	ssyncset.done $0x0  }
0xae: {  	[sflag:s1] =	ssyncadd.s32 $0xFFFFE000  }
0xaf: {  	_ =	swait.ge [sflag:s1], $0x2000  }
0xb0: {  	[sflag:s1] =	ssyncset.done $0x0  }
0xb1: {  	[sflag:s1] =	ssyncadd.s32 $0xFFFFE000  }
0xb2: {  	_ =	swait.ge [sflag:s21], $0x2000  }
0xb3: {  	[sflag:s21] =	ssyncset.done $0x0  }
0xb4: {  	[sflag:s21] =	ssyncadd.s32 $0xFFFFE000  }
0xb5: {  	_ =	swait.ge [sflag:s21], $0x2000  }
0xb6: {  	s26 =	sadd.s32 $0x1, s26;
	s29 =	stileid.u32;
	[sflag:s21] =	ssyncset.done $0x0  }
0xb7: {  	p0 =	sne.s32 s26, s9;
	s3 =	sshll.u32 s29, $0x6;
	[sflag:s21] =	ssyncadd.s32 $0xFFFFE000  }
.Ltmp2:
0xb8: {  	s3 =	sor.u32 $0x1C05, s3;
	[bflag:$0x0] =	sbarrier.arrive $0xFFFF;
	(pc) =	sbr.rel @p0 .LBB2_1-.Ltmp2, $4  }
0xb9: {  	[hbm:s8], [sflag:s3] =	dma.local [spmem:s25], $0x1400  }
0xba: {  	_ =	swait.ge [sflag:s20], $0x1400  }
0xbb: {  	[sflag:s20] =	ssyncset.done $0x0  }
0xbc: {  	[sflag:s20] =	ssyncadd.s32 $0xFFFFEC00  }
0xbd: {  	_ =	sfence.sel $0x180000  }
0xbe: {  	[bflag:$0x0] =	sbarrier.arrive $0xFFFF  }
0xbf: {  	_ =	strace $0x9000004A  }
0xc0: {  	s0 =	stileid.u32;
	[bflag:$0x2] =	sbarrier.arrive $0xFFFF  }
0xc1: {  	p0 =	sne.s32 s0, $0x0;
	s0 =	rddreg [dreg:$0x3]  }
0xc2: {  	s0 =	sadd.s32 @!p0 $0x100000, s0  }
0xc3: {  	[sflag:s0] =	ssyncadd.tile.s32 @!p0 $0x1;
	_ =	shalt  }
.Lfunc_end2:
_tile_overlayer_lowered:
.L_overlay_start_2:
0xc4: {  	(tag) =	ssettag $0x2  }
0xc5: {  	s0 =	rddreg [dreg:$0x0];
	s2 =	stileid.u32  }
0xc6: {  	s1 =	rddreg [dreg:$0x1];
	p0 =	sne.s32 s2, $0x0  }
0xc7: {  	s3 =	rddreg [dreg:$0x2];
	[bflag:$0x3] =	sbarrier.arrive $0xFFFF;
	s2 =	simm.s32 @!p0 $0x1C05  }
0xc8: {  	[timem:s3], [sflag:s2] =	dma.local @!p0 [hbm:s0], s1  }
0xc9: {  	s0 =	simm.s32 @!p0 $0x5  }
0xca: {  	_ =	swait.ge @!p0 [sflag:s0], s1  }
0xcb: {  	s1 =	ssub.s32 @!p0 $0x0, s1;
	[sflag:s0] =	ssyncset.done @!p0 $0x0  }
0xcc: {  	[sflag:s0] =	ssyncadd.s32 @!p0 s1  }
0xcd: {  	[bflag:$0x3] =	sbarrier.arrive $0xFFFF  }
0xce: {  	_ =	shalt  }

// kernel: kernel.15.cloned.1.call-start
scs
__scs_entry_jumppad:
0x0: {  	(pc) =	sbr.rel $0x88, $3  }
0x1: {  	(tag) =	ssettag $0x0;
	lr =	simm.s32 $0x1  }
0x2: {  	[smem:$0x3F9B] =	sst lr;
	_ =	strace $0xD0000000  }
0x3: {  	_ = 	snop  }
0x4: {  	_ = 	snop  }
0x5: {  	_ = 	snop  }
0x6: {  	_ = 	snop  }
0x7: {  	_ = 	snop  }
__scs_overlays_trampoline_lowered:
0x8: {  	[smem:$0x3FAA] =	sst s0  }
0x9: {  	[smem:$0x3FAB] =	sst s1  }
0xa: {  	[smem:$0x3FAC] =	sst s2  }
0xb: {  	[smem:$0x3FAD] =	sst s3  }
0xc: {  	[smem:$0x3FAE] =	sst s4  }
0xd: {  	[smem:$0x3FAF] =	sst s5  }
0xe: {  	[smem:$0x3FB0] =	sst s6  }
0xf: {  	[smem:$0x3FB1] =	sst s7  }
0x10: {  	[smem:$0x3FB2] =	sst s8  }
0x11: {  	[smem:$0x3FB3] =	sst s9;
	s0 =	simm.s32 @!p0 $0x0  }
0x12: {  	s1 =	sld [smem:$0x3F99];
	s0 =	simm.s32 @p0 $0x1  }
0x13: {  	[smem:$0x3FB4] =	sst s0;
	s0 =	simm.s32 @!p1 $0x0  }
0x14: {  	s2 =	sld [smem:$0x3F98];
	s0 =	simm.s32 @p1 $0x1  }
0x15: {  	[smem:$0x3FB5] =	sst s0;
	s0 =	simm.s32 @!p2 $0x0  }
0x16: {  	s3 =	sld [smem:$0x3FDB];
	s0 =	simm.s32 @p2 $0x1  }
0x17: {  	s4 =	simm.s32 $0x1BF5;
	[smem:$0x3FB7] =	sst s0  }
0x18: {  	s0 =	sld [smem:$0x3F9A];
	_ =	swait.ge [sflag:s4], $0x0  }
0x19: {  	s7 =	sld [smem:$0x3F9B]  }
0x1a: {  	s8 =	sadd.s32 $0xFFFFE003, lr  }
0x1b: {  	s9 =	sadd.s32 $0xFFFFFEF7, lr;
	s5 =	simm.s32 $0xFFFFFFFF;
	p2 =	slt.u32 s8, $0xFFFFF086  }
0x1c: {  	p1 =	slt.u32 s9, $0xF7A;
	s5 =	simm.s32 @!p2 $0x0  }
0x1d: {  	s5 =	simm.s32 @p1 $0x1;
	p0 =	seq.s32 s7, s2  }
0x1e: {  	s7 =	smul.u32 @!p0 $0xF7A, s2;
	p2 =	seq.s32 @!p0 s5, $0x0  }
0x1f: {  	s9 =	smul.u32 $0xF7A, s1;
	s8 =	simm.s32 @!p0 $0x1BF5;
	p2 =	por !p2, p0  }
0x20: {  	[sflag:s8] =	ssyncset.s32 @!p0 $0xFFFFF086;
	s6 =	sadd.s32 @!p0 s3, s7;
	s7 =	simm.s32 @!p0 $0x108  }
0x21: {  	s3 =	sadd.s32 s3, s9;
	s6 =	sadd.s32 @!p0 $0x88, s6;
	s7 =	simm.s32 @p2 $0x1082  }
0x22: {  	[simem:s7], [sflag:s8] =	dma.local @!p0 [hbm:s6], $0xF7A  }
0x23: {  	s9 =	sor.u32 $0xD0000000, s2;
	s6 =	simm.s32 $0x108;
	_ =	swait.ge @!p0 [sflag:s8], $0x0  }
0x24: {  	s3 =	sadd.s32 $0x88, s3;
	s6 =	simm.s32 @!p1 $0x1082;
	[sflag:s4] =	ssyncset.s32 $0xFFFFF086  }
0x25: {  	[simem:s6], [sflag:s4] =	dma.local [hbm:s3], $0xF7A  }
0x26: {  	[smem:$0x3F9B] =	sst s1;
	(tag) =	ssettag s2;
	_ =	strace s9  }
0x27: {  	s1 =	sld [smem:$0x3FAB]  }
0x28: {  	s2 =	sld [smem:$0x3FAC]  }
0x29: {  	s4 =	sld [smem:$0x3FAE]  }
0x2a: {  	p0 =	seq.s32 s5, $0x0;
	s5 =	sld [smem:$0x3FAF]  }
0x2b: {  	s6 =	sld [smem:$0x3FB0]  }
0x2c: {  	s7 =	sld [smem:$0x3FB1]  }
0x2d: {  	s3 =	simm.s32 $0x108;
	s8 =	sld [smem:$0x3FB2]  }
0x2e: {  	s3 =	simm.s32 @!p0 $0x1082;
	s9 =	sld [smem:$0x3FB3]  }
0x2f: {  	lr =	sadd.s32 s0, s3;
	s0 =	sld [smem:$0x3FAA]  }
0x30: {  	s3 =	sld [smem:$0x3FAD]  }
0x31: {  	[smem:$0x3FB6] =	sst s10  }
0x32: {  	s10 =	sld [smem:$0x3FB4];
	_ =	sdelay $0x3  }
0x33: {  	p0 =	seq.s32 s10, $0x1;
	s10 =	sld [smem:$0x3FB6];
	_ =	sdelay $0x3  }
0x34: {  	[smem:$0x3FB6] =	sst s10  }
0x35: {  	s10 =	sld [smem:$0x3FB5];
	_ =	sdelay $0x3  }
0x36: {  	p1 =	seq.s32 s10, $0x1;
	s10 =	sld [smem:$0x3FB6];
	_ =	sdelay $0x3  }
0x37: {  	[smem:$0x3FB6] =	sst s10  }
0x38: {  	s10 =	sld [smem:$0x3FB7]  }
0x39: {  	_ = 	snop;
	(pc) =	sbr.ind lr, $3  }
0x3a: {  	_ = 	snop  }
0x3b: {  	_ = 	snop  }
0x3c: {  	p2 =	seq.s32 s10, $0x1;
	s10 =	sld [smem:$0x3FB6]  }
0x3d: {  	_ =	shalt  }
0x3e: {  	_ =	shalt  }
0x3f: {  	_ =	shalt  }
0x40: {  	_ =	shalt  }
0x41: {  	_ =	shalt  }
0x42: {  	_ =	shalt  }
0x43: {  	_ =	shalt  }
0x44: {  	_ =	shalt  }
0x45: {  	_ =	shalt  }
0x46: {  	_ =	shalt  }
0x47: {  	_ =	shalt  }
0x48: {  	_ =	shalt  }
0x49: {  	_ =	shalt  }
0x4a: {  	_ =	shalt  }
0x4b: {  	_ =	shalt  }
0x4c: {  	_ =	shalt  }
0x4d: {  	_ =	shalt  }
0x4e: {  	_ =	shalt  }
0x4f: {  	_ =	shalt  }
0x50: {  	_ =	shalt  }
0x51: {  	_ =	shalt  }
0x52: {  	_ =	shalt  }
0x53: {  	_ =	shalt  }
0x54: {  	_ =	shalt  }
0x55: {  	_ =	shalt  }
0x56: {  	_ =	shalt  }
0x57: {  	_ =	shalt  }
0x58: {  	_ =	shalt  }
0x59: {  	_ =	shalt  }
0x5a: {  	_ =	shalt  }
0x5b: {  	_ =	shalt  }
0x5c: {  	_ =	shalt  }
0x5d: {  	_ =	shalt  }
0x5e: {  	_ =	shalt  }
0x5f: {  	_ =	shalt  }
0x60: {  	_ =	shalt  }
0x61: {  	_ =	shalt  }
0x62: {  	_ =	shalt  }
0x63: {  	_ =	shalt  }
0x64: {  	_ =	shalt  }
0x65: {  	_ =	shalt  }
0x66: {  	_ =	shalt  }
0x67: {  	_ =	shalt  }
0x68: {  	_ =	shalt  }
0x69: {  	_ =	shalt  }
0x6a: {  	_ =	shalt  }
0x6b: {  	_ =	shalt  }
0x6c: {  	_ =	shalt  }
0x6d: {  	_ =	shalt  }
0x6e: {  	_ =	shalt  }
0x6f: {  	_ =	shalt  }
0x70: {  	_ =	shalt  }
0x71: {  	_ =	shalt  }
0x72: {  	_ =	shalt  }
0x73: {  	_ =	shalt  }
0x74: {  	_ =	shalt  }
0x75: {  	_ =	shalt  }
0x76: {  	_ =	shalt  }
0x77: {  	_ =	shalt  }
0x78: {  	_ =	shalt  }
0x79: {  	_ =	shalt  }
0x7a: {  	_ =	shalt  }
0x7b: {  	_ =	shalt  }
0x7c: {  	_ =	shalt  }
0x7d: {  	_ =	shalt  }
0x7e: {  	_ =	shalt  }
0x7f: {  	_ =	shalt  }
0x80: {  	_ =	shalt  }
0x81: {  	_ =	shalt  }
0x82: {  	_ =	shalt  }
0x83: {  	_ =	shalt  }
0x84: {  	_ =	shalt  }
0x85: {  	_ =	shalt  }
0x86: {  	_ =	shalt  }
0x87: {  	_ =	shalt  }
.Lfunc_end0:
.L_simem_size_0:
called_computation.2_lowered:
.L_overlay_start_0:
0x88: {  	s2 =	sld [smem:$0x3FD9]  }
0x89: {  	s3 =	sld [smem:$0x3FFE];
	_ =	sdelay $0x1  }
0x8a: {  	s1 =	srdreg.scid  }
0x8b: {  	s0 =	sand.u32 $0x1, s1  }
0x8c: {  	s17 =	sshll.u32 s0, $0xA;
	s2 =	sadd.s32 s3, s2  }
0x8d: {  	s2 =	sadd.s32 s2, s17  }
0x8e: {  	[smem:$0x3FC2] =	sst s2  }
0x8f: {  	_ = 	snop  }
0x90: {  	s2 =	sld [smem:$0x3FD0];
	(tm) =	ssettm $0x1  }
0x91: {  	s18 =	sld [smem:$0x3FFB];
	_ =	sdelay $0x3  }
0x92: {  	_ =	strace s18  }
0x93: {  	s3 =	sld [smem:$0x3FFC];
	_ =	sdelay $0x3  }
0x94: {  	_ =	strace s3  }
0x95: {  	s3 =	sld [smem:$0x3FFD];
	_ =	sdelay $0x3  }
0x96: {  	_ =	strace s3  }
0x97: {  	_ =	strace $0x8FFFFFFF  }
0x98: {  	s19 =	sld [smem:$0x3FDB];
	_ =	sdelay $0x1  }
0x99: {  	s4 =	simm.s32 $_scs_section_size  }
0x9a: {  	s5 =	simm.s32 $_size__tile_overlayer_lowered;
	s6 =	simm.s32 $_tile_overlayer_lowered  }
0x9b: {  	s22 =	simm.s32 $0x1BFF;
	s21 =	sshll.u32 s6, $0x1;
	s3 =	sadd.s32 s4, s19  }
0x9c: {  	s7 =	simm.s32 $0x0;
	s20 =	sshll.u32 s5, $0x1;
	s5 =	sadd.s32 s21, s3  }
0x9d: {  	[timem:s7], [sflag:s22] =	dma.local [hbm:s5], s20  }
0x9e: {  	_ =	swait.ge [sflag:s22], s20  }
0x9f: {  	s4 =	ssub.s32 $0x0, s20;
	[sflag:s22] =	ssyncset.done $0x0  }
0xa0: {  	[sflag:s22] =	ssyncadd.s32 s4;
	_ =	sdelay $0x1  }
0xa1: {  	s23 =	simm.s32 $0x1B8B  }
0xa2: {  	_ =	swait.ge [sflag:s23], $0x1  }
0xa3: {  	[sflag:s23] =	ssyncset.done $0x0  }
0xa4: {  	s25 =	simm.s32 $0x1B8E;
	s24 =	sld [smem:$0x3FFE];
	[sflag:s23] =	ssyncadd.s32 $0xFFFFFFFF  }
0xa5: {  	s26 =	simm.s32 $execute0_lowered;
	[smem:$0x3FD2] =	sst s25  }
0xa6: {  	s5 =	sshll.u32 s26, $0x1;
	_ =	strace $0x8000004C;
	[dreg:$0x1] =	wrdreg $0xFFFFFFFF  }
0xa7: {  	s28 =	simm.s32 $_size_execute0_lowered;
	s3 =	sadd.s32 s3, s5;
	[dreg:$0x0] =	wrdreg $0x0  }
0xa8: {  	s5 =	sshll.u32 s28, $0x1;
	[dreg:$0x2] =	wrdreg s3  }
0xa9: {  	[dreg:$0x3] =	wrdreg s5  }
0xaa: {  	[dreg:$0x4] =	wrdreg $0xC0  }
0xab: {  	_ =	task [dreg:s7], $0x5FFFF  }
0xac: {  	[dreg:$0x1] =	wrdreg $0xFFFFFFFF  }
0xad: {  	[dreg:$0x0] =	wrdreg $0x60  }
0xae: {  	[dreg:$0x2] =	wrdreg s24  }
0xaf: {  	[dreg:$0x3] =	wrdreg s2  }
0xb0: {  	[dreg:$0x4] =	wrdreg $0x130000  }
0xb1: {  	[dreg:$0x5] =	wrdreg $0x9  }
0xb2: {  	_ =	task.clear_ibuf [dreg:s7], $0x6FFFF;
	_ =	strace $0x9000004C  }
0xb3: {  	s29 =	simm.s32 $0x9;
	_ =	strace $0x8000004E  }
0xb4: {  	_ =	swait.ge [sflag:s29], $0x1  }
0xb5: {  	[sflag:s29] =	ssyncadd.s32 $0xFFFFFFFF  }
0xb6: {  	_ =	strace $0x9000004E  }
0xb7: {  	_ =	sfence  }
0xb8: {  	s30 =	sld [smem:$0x0];
	_ =	sdelay $0x2  }
0xb9: {  	s31 =	sshll.u32 s1, $0xD;
	s1 =	sshrl.u32 s1, $0x2  }
0xba: {  	s3 =	sand.u32 $0x4000, s31;
	s1 =	sadd.s32 s1, s30  }
0xbb: {  	s0 =	sor.u32 s3, s0;
	s1 =	sshll.u32 s1, $0x11  }
0xbc: {  	s0 =	sor.u32 s1, s0  }
0xbd: {  	s0 =	sadd.s32 $0x8F2B, s0  }
0xbe: {  	[sflag:s0] =	ssyncadd.remote.s32 $0x1  }
0xbf: {  	_ =	sfence.sel $0xFFFF  }
0xc0: {  	[dreg:$0x0] =	wrdreg $0xFFFFFFFF;
	(pc) =	sbr.abs _section_cstart, $3  }
0xc1: {  	[dreg:$0x1] =	wrdreg $0xFFFFFFFF  }
0xc2: {  	_ =	task.clear_ibuf [dreg:s7], $0x2FFFF;
	_ =	strace $0x9FFFFFFF  }
0xc3: {  	(tm) =	ssettm $0x7FFFFFFF  }
tec
execute0_lowered:
.L_overlay_start_1:
0x0: {  	(tag) =	ssettag $0x1  }
0x1: {  	s0 =	rddreg [dreg:$0x0]  }
0x2: {  	s1 =	srdreg.scid;
	s3 =	rddreg [dreg:$0x1]  }
0x3: {  	s2 =	rddreg [dreg:$0x2];
	s5 =	simm.s32 $0x0;
	s7 =	stileid.u32  }
0x4: {  	s19 =	simm.s32 $0x12000;
	s20 =	simm.s32 $0x5;
	s22 =	simm.s32 $0x80  }
0x5: {  	s23 =	simm.s32 $0xA000;
	s28 =	simm.s32 $0xE000;
	s9 =	smul.u32 $0xA000, s7  }
0x6: {  	s30 =	simm.s32 $0x10000;
	s31 =	simm.s32 $0x1;
	s6 =	smul.u32 $0xA00, s7  }
0x7: {  	s21 =	simm.s32 $0x4;
	s1 =	sand.u32 $0x1, s1;
	s7 =	smul.u32 $0x28000, s7  }
0x8: {  	[smem:$0x7FF] =	sst s5;
	s4 =	smul.u32 $0xA0000, s1;
	s1 =	ssub.s32 $0x2, s1  }
0x9: {  	_ =	strace $0x8000004D;
	s8 =	sadd.s32 s6, s0;
	s10 =	sshrl.u32 s1, $0x1  }
0xa: {  	s25 =	sshrl.u32 s7, $0x2;
	s3 =	sadd.s32 s3, s6;
	s29 =	sadd.s32 s9, s2  }
0xb: {  	s24 =	sshrl.u32 s4, $0x3;
	s4 =	sadd.s32 s9, s4;
	s1 =	ssub.s32 s1, s10  }
0xc: {  	[dreg:$0x4] =	wrdreg s3;
	s26 =	sadd.s32 $0x79A00, s8;
	s5 =	sadd.s32 s24, s0  }
0xd: {  	s4 =	sshrl.u32 s4, $0x3;
	[dreg:$0x5] =	wrdreg s26;
	s9 =	smax.u32 s1, $0x1  }
0xe: {  	s24 =	simm.s32 $0xC000;
	s1 =	simm.s32 $0x3;
	s26 =	simm.s32 $0x0  }
0xf: {  	s0 =	sadd.s32 s4, s0;
	s4 =	sadd.s32 s25, s2;
	s7 =	sadd.s32 $0x51A00, s5  }
0x10: {  	s25 =	sshrl.u32 s29, $0x3;
	s8 =	sadd.s32 $0x83A00, s0;
	s10 =	sadd.s32 $0x1000, s4  }
0x11: {  	s11 =	sadd.s32 $0x2000, s4;
	s12 =	sadd.s32 $0x3000, s4;
	s13 =	sadd.s32 $0x4000, s4  }
0x12: {  	s14 =	sadd.s32 $0x5000, s4;
	s15 =	sadd.s32 $0x6000, s4;
	s16 =	sadd.s32 $0x7000, s4  }
0x13: {  	v0 =	vimm.f32 $0.0e+00;
	s17 =	sadd.s32 $0x8000, s4;
	s18 =	sadd.s32 $0x9000, s4;
	s0 =	simm.s32 $0x2  }
.LBB2_1:
0x14: {  	s5 =	simm.s32 $0x0  }
0x15: {  	s3 =	sand.u32 $0x3F00, s5  }
0x16: {  	s5 =	sand.u32 $0x30, s5;
	s29 =	sshrl.u32 s3, $0x2  }
0x17: {  	s3 =	simm.s32 $0x40;
	s5 =	sor.u32 s5, s29;
	s29 =	simm.s32 $0x0  }
.LBB2_2:
0x18: {  	p0 =	sne.s32 s3, $0x3FC0  }
0x19: {  	[tilespmem:s5+$0x12000] =	vst v0;
	s29 =	sadd.s32 $0x10, s29;
	s5 =	smov.u32 s3;
	s3 =	sadd.s32 $0x40, s3  }
.Ltmp0:
0x1a: {  	(pc) =	sbr.rel @p0 .LBB2_2-.Ltmp0, $4  }
0x1b: {  	_ = 	snop  }
0x1c: {  	s5 =	sand.u32 $0x3F00, s5  }
0x1d: {  	s6 =	sand.u32 $0x30, s29;
	s5 =	sshrl.u32 s5, $0x2  }
0x1e: {  	s5 =	sor.u32 s6, s5  }
0x1f: {  	[tilespmem:s5+$0x12000] =	vst v0  }
0x20: {  	[spmem:s4] =	stream.linear.scatter [tilespmem:s19], [sflag:$0x5], $0x1000, $0x38;
	[tilespmem:$0x1D000] =	vst v63  }
0x21: {  	_ =	swait.ge [sflag:s20], $0x1000  }
0x22: {  	[sflag:s20] =	ssyncset.done $0x0  }
0x23: {  	[sflag:s20] =	ssyncadd.s32 $0xFFFFF000  }
0x24: {  	[spmem:s10] =	stream.linear.scatter [tilespmem:s19], [sflag:$0x5], $0x1000, $0x38;
	[tilespmem:$0x1D000] =	vst v63  }
0x25: {  	_ =	swait.ge [sflag:s20], $0x1000  }
0x26: {  	[sflag:s20] =	ssyncset.done $0x0  }
0x27: {  	[sflag:s20] =	ssyncadd.s32 $0xFFFFF000  }
0x28: {  	[spmem:s11] =	stream.linear.scatter [tilespmem:s19], [sflag:$0x5], $0x1000, $0x38;
	[tilespmem:$0x1D000] =	vst v63  }
0x29: {  	_ =	swait.ge [sflag:s20], $0x1000  }
0x2a: {  	[sflag:s20] =	ssyncset.done $0x0  }
0x2b: {  	[sflag:s20] =	ssyncadd.s32 $0xFFFFF000  }
0x2c: {  	[spmem:s12] =	stream.linear.scatter [tilespmem:s19], [sflag:$0x5], $0x1000, $0x38;
	[tilespmem:$0x1D000] =	vst v63  }
0x2d: {  	_ =	swait.ge [sflag:s20], $0x1000  }
0x2e: {  	[sflag:s20] =	ssyncset.done $0x0  }
0x2f: {  	[sflag:s20] =	ssyncadd.s32 $0xFFFFF000  }
0x30: {  	[spmem:s13] =	stream.linear.scatter [tilespmem:s19], [sflag:$0x5], $0x1000, $0x38;
	[tilespmem:$0x1D000] =	vst v63  }
0x31: {  	_ =	swait.ge [sflag:s20], $0x1000  }
0x32: {  	[sflag:s20] =	ssyncset.done $0x0  }
0x33: {  	[sflag:s20] =	ssyncadd.s32 $0xFFFFF000  }
0x34: {  	[spmem:s14] =	stream.linear.scatter [tilespmem:s19], [sflag:$0x5], $0x1000, $0x38;
	[tilespmem:$0x1D000] =	vst v63  }
0x35: {  	_ =	swait.ge [sflag:s20], $0x1000  }
0x36: {  	[sflag:s20] =	ssyncset.done $0x0  }
0x37: {  	[sflag:s20] =	ssyncadd.s32 $0xFFFFF000  }
0x38: {  	[spmem:s15] =	stream.linear.scatter [tilespmem:s19], [sflag:$0x5], $0x1000, $0x38;
	[tilespmem:$0x1D000] =	vst v63  }
0x39: {  	_ =	swait.ge [sflag:s20], $0x1000  }
0x3a: {  	[sflag:s20] =	ssyncset.done $0x0  }
0x3b: {  	[sflag:s20] =	ssyncadd.s32 $0xFFFFF000  }
0x3c: {  	[spmem:s16] =	stream.linear.scatter [tilespmem:s19], [sflag:$0x5], $0x1000, $0x38;
	[tilespmem:$0x1D000] =	vst v63  }
0x3d: {  	_ =	swait.ge [sflag:s20], $0x1000  }
0x3e: {  	[sflag:s20] =	ssyncset.done $0x0  }
0x3f: {  	[sflag:s20] =	ssyncadd.s32 $0xFFFFF000  }
0x40: {  	[spmem:s17] =	stream.linear.scatter [tilespmem:s19], [sflag:$0x5], $0x1000, $0x38;
	[tilespmem:$0x1D000] =	vst v63  }
0x41: {  	_ =	swait.ge [sflag:s20], $0x1000  }
0x42: {  	[sflag:s20] =	ssyncset.done $0x0  }
0x43: {  	[sflag:s20] =	ssyncadd.s32 $0xFFFFF000  }
0x44: {  	[spmem:s18] =	stream.linear.scatter [tilespmem:s19], [sflag:$0x5], $0x1000, $0x38;
	[tilespmem:$0x1D000] =	vst v63  }
0x45: {  	_ =	swait.ge [sflag:s20], $0x1000  }
0x46: {  	[sflag:s20] =	ssyncset.done $0x0  }
0x47: {  	s3 =	simm.s32 $0x0;
	s6 =	rddreg [dreg:$0x4];
	[sflag:s20] =	ssyncadd.s32 $0xFFFFF000  }
0x48: {  	[tilespmem:s3], [sflag:$0x5] =	stream.linear.gather [hbm4b:s6+s3], $0x5000, $0x38;
	[tilespmem:$0x1D000] =	vst v63  }
0x49: {  	_ =	swait.ge [sflag:s20], $0x5000  }
0x4a: {  	[sflag:s20] =	ssyncset.done $0x0  }
0x4b: {  	s6 =	simm.s32 $0x5000;
	s5 =	rddreg [dreg:$0x5];
	[sflag:s20] =	ssyncadd.s32 $0xFFFFB000  }
0x4c: {  	[tilespmem:s6], [sflag:$0x5] =	stream.linear.gather [hbm4b:s5+s3], $0x5000, $0x38;
	[tilespmem:$0x1D000] =	vst v63  }
0x4d: {  	_ =	swait.ge [sflag:s20], $0x5000  }
0x4e: {  	[sflag:s20] =	ssyncset.done $0x0  }
0x4f: {  	[sflag:s20] =	ssyncadd.s32 $0xFFFFB000  }
0x50: {  	[bflag:$0x0] =	sbarrier.arrive $0xFFFF  }
0x51: {  	[tilespmem:s23], [sflag:$0x1] =	stream.indirect.gather [hbm4b:s7+s22], $0x40, s3, s22, $0xb8;
	[tilespmem:$0x1D000] =	vst v63  }
0x52: {  	_ = 	snop  }
0x53: {  	[tilespmem:s24], [sflag:$0x1] =	stream.indirect.gather [hbm4b:s7+s22], $0x40, s22, s22, $0xb8;
	[tilespmem:$0x1D000] =	vst v63  }
0x54: {  	s6 =	simm.s32 $0x100  }
0x55: {  	[tilespmem:s28], [sflag:$0x2] =	stream.indirect.gather [hbm4b:s7+s22], $0x40, s6, s22, $0xb8;
	[tilespmem:$0x1D000] =	vst v63  }
0x56: {  	s5 =	simm.s32 $0x180  }
0x57: {  	[tilespmem:s30], [sflag:$0x2] =	stream.indirect.gather [hbm4b:s7+s22], $0x40, s5, s22, $0xb8;
	[tilespmem:$0x1D000] =	vst v63  }
0x58: {  	_ =	swait.ge [sflag:s31], $0x2000  }
0x59: {  	[sflag:s31] =	ssyncset.done $0x0  }
0x5a: {  	s6 =	simm.s32 $0x5000;
	[sflag:s31] =	ssyncadd.s32 $0xFFFFE000  }
0x5b: {  	[spmem:s2] =	stream.indirect.scatter.add.f32 [tilespmem:s23], [sflag:$0x3], $0x40, s6, s22, $0xb8;
	[tilespmem:$0x1D000] =	vst v63  }
0x5c: {  	_ =	swait.ge [sflag:s31], $0x2000  }
0x5d: {  	[sflag:s31] =	ssyncset.done $0x0  }
0x5e: {  	s5 =	simm.s32 $0x5080;
	[sflag:s31] =	ssyncadd.s32 $0xFFFFE000  }
0x5f: {  	[spmem:s2] =	stream.indirect.scatter.add.f32 [tilespmem:s24], [sflag:$0x3], $0x40, s5, s22, $0xb8;
	[tilespmem:$0x1D000] =	vst v63  }
0x60: {  	_ =	swait.ge [sflag:s0], $0x2000  }
0x61: {  	[sflag:s0] =	ssyncset.done $0x0  }
0x62: {  	s6 =	simm.s32 $0x5100;
	[sflag:s0] =	ssyncadd.s32 $0xFFFFE000  }
0x63: {  	[spmem:s2] =	stream.indirect.scatter.add.f32 [tilespmem:s28], [sflag:$0x4], $0x40, s6, s22, $0xb8;
	[tilespmem:$0x1D000] =	vst v63  }
0x64: {  	_ =	swait.ge [sflag:s0], $0x2000  }
0x65: {  	[sflag:s0] =	ssyncset.done $0x0  }
0x66: {  	s5 =	simm.s32 $0x5180;
	[sflag:s0] =	ssyncadd.s32 $0xFFFFE000  }
0x67: {  	[spmem:s2] =	stream.indirect.scatter.add.f32 [tilespmem:s30], [sflag:$0x4], $0x40, s5, s22, $0xb8;
	[tilespmem:$0x1D000] =	vst v63  }
0x68: {  	_ =	swait.ge [sflag:s1], $0x2000  }
0x69: {  	[sflag:s1] =	ssyncset.done $0x0  }
0x6a: {  	[sflag:s1] =	ssyncadd.s32 $0xFFFFE000  }
0x6b: {  	_ =	swait.ge [sflag:s1], $0x2000  }
0x6c: {  	[sflag:s1] =	ssyncset.done $0x0  }
0x6d: {  	s6 =	simm.s32 $0x200;
	[sflag:s1] =	ssyncadd.s32 $0xFFFFE000  }
0x6e: {  	[tilespmem:s23], [sflag:$0x1] =	stream.indirect.gather [hbm4b:s7+s22], $0x40, s6, s22, $0xb8;
	[tilespmem:$0x1D000] =	vst v63  }
0x6f: {  	s5 =	simm.s32 $0x280  }
0x70: {  	[tilespmem:s24], [sflag:$0x1] =	stream.indirect.gather [hbm4b:s7+s22], $0x40, s5, s22, $0xb8;
	[tilespmem:$0x1D000] =	vst v63  }
0x71: {  	_ =	swait.ge [sflag:s21], $0x2000  }
0x72: {  	[sflag:s21] =	ssyncset.done $0x0  }
0x73: {  	[sflag:s21] =	ssyncadd.s32 $0xFFFFE000  }
0x74: {  	_ =	swait.ge [sflag:s21], $0x2000  }
0x75: {  	s29 =	simm.s32 $0x800;
	[sflag:s21] =	ssyncset.done $0x0  }
0x76: {  	s3 =	simm.s32 $0x380;
	s6 =	simm.s32 $0x300;
	[sflag:s21] =	ssyncadd.s32 $0xFFFFE000  }
0x77: {  	[tilespmem:s28], [sflag:$0x2] =	stream.indirect.gather [hbm4b:s7+s22], $0x40, s6, s22, $0xb8;
	[tilespmem:$0x1D000] =	vst v63  }
.LBB2_4:
0x78: {  	[tilespmem:s30], [sflag:$0x2] =	stream.indirect.gather [hbm4b:s7+s22], $0x40, s3, s22, $0xb8;
	[tilespmem:$0x1D000] =	vst v63  }
0x79: {  	s3 =	smov.u32 s29  }
0x7a: {  	p0 =	sne.s32 s29, $0x13000;
	s29 =	sadd.s32 $0x800, s29;
	_ =	swait.ge [sflag:s31], $0x2000  }
0x7b: {  	s3 =	sshra.s32 s3, $0x2;
	[sflag:s31] =	ssyncset.done $0x0  }
0x7c: {  	s5 =	sadd.s32 $0x5000, s3;
	[sflag:s31] =	ssyncadd.s32 $0xFFFFE000  }
0x7d: {  	[spmem:s2] =	stream.indirect.scatter.add.f32 [tilespmem:s23], [sflag:$0x3], $0x40, s5, s22, $0xb8;
	[tilespmem:$0x1D000] =	vst v63  }
0x7e: {  	_ =	swait.ge [sflag:s31], $0x2000  }
0x7f: {  	[sflag:s31] =	ssyncset.done $0x0  }
0x80: {  	s5 =	sadd.s32 $0x5080, s3;
	[sflag:s31] =	ssyncadd.s32 $0xFFFFE000  }
0x81: {  	[spmem:s2] =	stream.indirect.scatter.add.f32 [tilespmem:s24], [sflag:$0x3], $0x40, s5, s22, $0xb8;
	[tilespmem:$0x1D000] =	vst v63  }
0x82: {  	_ =	swait.ge [sflag:s0], $0x2000  }
0x83: {  	[sflag:s0] =	ssyncset.done $0x0  }
0x84: {  	s5 =	sadd.s32 $0x5100, s3;
	[sflag:s0] =	ssyncadd.s32 $0xFFFFE000  }
0x85: {  	[spmem:s2] =	stream.indirect.scatter.add.f32 [tilespmem:s28], [sflag:$0x4], $0x40, s5, s22, $0xb8;
	[tilespmem:$0x1D000] =	vst v63  }
0x86: {  	_ =	swait.ge [sflag:s0], $0x2000  }
0x87: {  	[sflag:s0] =	ssyncset.done $0x0  }
0x88: {  	s5 =	sadd.s32 $0x5180, s3;
	[sflag:s0] =	ssyncadd.s32 $0xFFFFE000  }
0x89: {  	[spmem:s2] =	stream.indirect.scatter.add.f32 [tilespmem:s30], [sflag:$0x4], $0x40, s5, s22, $0xb8;
	[tilespmem:$0x1D000] =	vst v63  }
0x8a: {  	_ =	swait.ge [sflag:s1], $0x2000  }
0x8b: {  	[sflag:s1] =	ssyncset.done $0x0  }
0x8c: {  	[sflag:s1] =	ssyncadd.s32 $0xFFFFE000  }
0x8d: {  	_ =	swait.ge [sflag:s1], $0x2000  }
0x8e: {  	[sflag:s1] =	ssyncset.done $0x0  }
0x8f: {  	s5 =	sadd.s32 $0x200, s3;
	[sflag:s1] =	ssyncadd.s32 $0xFFFFE000  }
0x90: {  	[tilespmem:s23], [sflag:$0x1] =	stream.indirect.gather [hbm4b:s7+s22], $0x40, s5, s22, $0xb8;
	[tilespmem:$0x1D000] =	vst v63  }
0x91: {  	s5 =	sadd.s32 $0x280, s3  }
0x92: {  	[tilespmem:s24], [sflag:$0x1] =	stream.indirect.gather [hbm4b:s7+s22], $0x40, s5, s22, $0xb8;
	[tilespmem:$0x1D000] =	vst v63  }
0x93: {  	_ =	swait.ge [sflag:s21], $0x2000  }
0x94: {  	[sflag:s21] =	ssyncset.done $0x0  }
0x95: {  	[sflag:s21] =	ssyncadd.s32 $0xFFFFE000  }
.Ltmp1:
0x96: {  	_ =	swait.ge [sflag:s21], $0x2000;
	(pc) =	sbr.rel @p0 .LBB2_4-.Ltmp1, $4  }
0x97: {  	[sflag:s21] =	ssyncset.done $0x0  }
0x98: {  	s5 =	sadd.s32 $0x300, s3;
	[sflag:s21] =	ssyncadd.s32 $0xFFFFE000  }
0x99: {  	[tilespmem:s28], [sflag:$0x2] =	stream.indirect.gather [hbm4b:s7+s22], $0x40, s5, s22, $0xb8;
	[tilespmem:$0x1D000] =	vst v63  }
0x9a: {  	s3 =	sadd.s32 $0x380, s3  }
0x9b: {  	[tilespmem:s30], [sflag:$0x2] =	stream.indirect.gather [hbm4b:s7+s22], $0x40, s3, s22, $0xb8;
	[tilespmem:$0x1D000] =	vst v63  }
0x9c: {  	_ =	swait.ge [sflag:s31], $0x2000  }
0x9d: {  	[sflag:s31] =	ssyncset.done $0x0  }
0x9e: {  	s6 =	simm.s32 $0x9E00;
	[sflag:s31] =	ssyncadd.s32 $0xFFFFE000  }
0x9f: {  	[spmem:s2] =	stream.indirect.scatter.add.f32 [tilespmem:s23], [sflag:$0x3], $0x40, s6, s22, $0xb8;
	[tilespmem:$0x1D000] =	vst v63  }
0xa0: {  	_ =	swait.ge [sflag:s31], $0x2000  }
0xa1: {  	[sflag:s31] =	ssyncset.done $0x0  }
0xa2: {  	s29 =	simm.s32 $0x9E80;
	[sflag:s31] =	ssyncadd.s32 $0xFFFFE000  }
0xa3: {  	[spmem:s2] =	stream.indirect.scatter.add.f32 [tilespmem:s24], [sflag:$0x3], $0x40, s29, s22, $0xb8;
	[tilespmem:$0x1D000] =	vst v63  }
0xa4: {  	_ =	swait.ge [sflag:s0], $0x2000  }
0xa5: {  	[sflag:s0] =	ssyncset.done $0x0  }
0xa6: {  	s5 =	simm.s32 $0x9F00;
	[sflag:s0] =	ssyncadd.s32 $0xFFFFE000  }
0xa7: {  	[spmem:s2] =	stream.indirect.scatter.add.f32 [tilespmem:s28], [sflag:$0x4], $0x40, s5, s22, $0xb8;
	[tilespmem:$0x1D000] =	vst v63  }
0xa8: {  	_ =	swait.ge [sflag:s0], $0x2000  }
0xa9: {  	[sflag:s0] =	ssyncset.done $0x0  }
0xaa: {  	s6 =	simm.s32 $0x9F80;
	[sflag:s0] =	ssyncadd.s32 $0xFFFFE000  }
0xab: {  	[spmem:s2] =	stream.indirect.scatter.add.f32 [tilespmem:s30], [sflag:$0x4], $0x40, s6, s22, $0xb8;
	[tilespmem:$0x1D000] =	vst v63  }
0xac: {  	_ =	swait.ge [sflag:s1], $0x2000  }
0xad: {  	[sflag:s1] =	ssyncset.done $0x0  }
0xae: {  	[sflag:s1] =	ssyncadd.s32 $0xFFFFE000  }
0xaf: {  	_ =	swait.ge [sflag:s1], $0x2000  }
0xb0: {  	[sflag:s1] =	ssyncset.done $0x0  }
0xb1: {  	[sflag:s1] =	ssyncadd.s32 $0xFFFFE000  }
0xb2: {  	_ =	swait.ge [sflag:s21], $0x2000  }
0xb3: {  	[sflag:s21] =	ssyncset.done $0x0  }
0xb4: {  	[sflag:s21] =	ssyncadd.s32 $0xFFFFE000  }
0xb5: {  	_ =	swait.ge [sflag:s21], $0x2000  }
0xb6: {  	s26 =	sadd.s32 $0x1, s26;
	s29 =	stileid.u32;
	[sflag:s21] =	ssyncset.done $0x0  }
0xb7: {  	p0 =	sne.s32 s26, s9;
	s3 =	sshll.u32 s29, $0x6;
	[sflag:s21] =	ssyncadd.s32 $0xFFFFE000  }
.Ltmp2:
0xb8: {  	s3 =	sor.u32 $0x1C05, s3;
	[bflag:$0x0] =	sbarrier.arrive $0xFFFF;
	(pc) =	sbr.rel @p0 .LBB2_1-.Ltmp2, $4  }
0xb9: {  	[hbm:s8], [sflag:s3] =	dma.local [spmem:s25], $0x1400  }
0xba: {  	_ =	swait.ge [sflag:s20], $0x1400  }
0xbb: {  	[sflag:s20] =	ssyncset.done $0x0  }
0xbc: {  	[sflag:s20] =	ssyncadd.s32 $0xFFFFEC00  }
0xbd: {  	_ =	sfence.sel $0x180000  }
0xbe: {  	[bflag:$0x0] =	sbarrier.arrive $0xFFFF  }
0xbf: {  	_ =	strace $0x9000004D  }
0xc0: {  	s0 =	stileid.u32;
	[bflag:$0x2] =	sbarrier.arrive $0xFFFF  }
0xc1: {  	p0 =	sne.s32 s0, $0x0;
	s0 =	rddreg [dreg:$0x3]  }
0xc2: {  	s0 =	sadd.s32 @!p0 $0x100000, s0  }
0xc3: {  	[sflag:s0] =	ssyncadd.tile.s32 @!p0 $0x1;
	_ =	shalt  }
.Lfunc_end2:
_tile_overlayer_lowered:
.L_overlay_start_2:
0xc4: {  	(tag) =	ssettag $0x2  }
0xc5: {  	s0 =	rddreg [dreg:$0x0];
	s2 =	stileid.u32  }
0xc6: {  	s1 =	rddreg [dreg:$0x1];
	p0 =	sne.s32 s2, $0x0  }
0xc7: {  	s3 =	rddreg [dreg:$0x2];
	[bflag:$0x3] =	sbarrier.arrive $0xFFFF;
	s2 =	simm.s32 @!p0 $0x1C05  }
0xc8: {  	[timem:s3], [sflag:s2] =	dma.local @!p0 [hbm:s0], s1  }
0xc9: {  	s0 =	simm.s32 @!p0 $0x5  }
0xca: {  	_ =	swait.ge @!p0 [sflag:s0], s1  }
0xcb: {  	s1 =	ssub.s32 @!p0 $0x0, s1;
	[sflag:s0] =	ssyncset.done @!p0 $0x0  }
0xcc: {  	[sflag:s0] =	ssyncadd.s32 @!p0 s1  }
0xcd: {  	[bflag:$0x3] =	sbarrier.arrive $0xFFFF  }
0xce: {  	_ =	shalt  }

// kernel: kernel.9.cloned.1.call-start
scs
__scs_entry_jumppad:
0x0: {  	(pc) =	sbr.rel $0x88, $3  }
0x1: {  	(tag) =	ssettag $0x0;
	lr =	simm.s32 $0x1  }
0x2: {  	[smem:$0x3F9B] =	sst lr;
	_ =	strace $0xD0000000  }
0x3: {  	_ = 	snop  }
0x4: {  	_ = 	snop  }
0x5: {  	_ = 	snop  }
0x6: {  	_ = 	snop  }
0x7: {  	_ = 	snop  }
__scs_overlays_trampoline_lowered:
0x8: {  	[smem:$0x3FAA] =	sst s0  }
0x9: {  	[smem:$0x3FAB] =	sst s1  }
0xa: {  	[smem:$0x3FAC] =	sst s2  }
0xb: {  	[smem:$0x3FAD] =	sst s3  }
0xc: {  	[smem:$0x3FAE] =	sst s4  }
0xd: {  	[smem:$0x3FAF] =	sst s5  }
0xe: {  	[smem:$0x3FB0] =	sst s6  }
0xf: {  	[smem:$0x3FB1] =	sst s7  }
0x10: {  	[smem:$0x3FB2] =	sst s8  }
0x11: {  	[smem:$0x3FB3] =	sst s9;
	s0 =	simm.s32 @!p0 $0x0  }
0x12: {  	s1 =	sld [smem:$0x3F99];
	s0 =	simm.s32 @p0 $0x1  }
0x13: {  	[smem:$0x3FB4] =	sst s0;
	s0 =	simm.s32 @!p1 $0x0  }
0x14: {  	s2 =	sld [smem:$0x3F98];
	s0 =	simm.s32 @p1 $0x1  }
0x15: {  	[smem:$0x3FB5] =	sst s0;
	s0 =	simm.s32 @!p2 $0x0  }
0x16: {  	s3 =	sld [smem:$0x3FDB];
	s0 =	simm.s32 @p2 $0x1  }
0x17: {  	s4 =	simm.s32 $0x1BF5;
	[smem:$0x3FB7] =	sst s0  }
0x18: {  	s0 =	sld [smem:$0x3F9A];
	_ =	swait.ge [sflag:s4], $0x0  }
0x19: {  	s7 =	sld [smem:$0x3F9B]  }
0x1a: {  	s8 =	sadd.s32 $0xFFFFE003, lr  }
0x1b: {  	s9 =	sadd.s32 $0xFFFFFEF7, lr;
	s5 =	simm.s32 $0xFFFFFFFF;
	p2 =	slt.u32 s8, $0xFFFFF086  }
0x1c: {  	p1 =	slt.u32 s9, $0xF7A;
	s5 =	simm.s32 @!p2 $0x0  }
0x1d: {  	s5 =	simm.s32 @p1 $0x1;
	p0 =	seq.s32 s7, s2  }
0x1e: {  	s7 =	smul.u32 @!p0 $0xF7A, s2;
	p2 =	seq.s32 @!p0 s5, $0x0  }
0x1f: {  	s9 =	smul.u32 $0xF7A, s1;
	s8 =	simm.s32 @!p0 $0x1BF5;
	p2 =	por !p2, p0  }
0x20: {  	[sflag:s8] =	ssyncset.s32 @!p0 $0xFFFFF086;
	s6 =	sadd.s32 @!p0 s3, s7;
	s7 =	simm.s32 @!p0 $0x108  }
0x21: {  	s3 =	sadd.s32 s3, s9;
	s6 =	sadd.s32 @!p0 $0x88, s6;
	s7 =	simm.s32 @p2 $0x1082  }
0x22: {  	[simem:s7], [sflag:s8] =	dma.local @!p0 [hbm:s6], $0xF7A  }
0x23: {  	s9 =	sor.u32 $0xD0000000, s2;
	s6 =	simm.s32 $0x108;
	_ =	swait.ge @!p0 [sflag:s8], $0x0  }
0x24: {  	s3 =	sadd.s32 $0x88, s3;
	s6 =	simm.s32 @!p1 $0x1082;
	[sflag:s4] =	ssyncset.s32 $0xFFFFF086  }
0x25: {  	[simem:s6], [sflag:s4] =	dma.local [hbm:s3], $0xF7A  }
0x26: {  	[smem:$0x3F9B] =	sst s1;
	(tag) =	ssettag s2;
	_ =	strace s9  }
0x27: {  	s1 =	sld [smem:$0x3FAB]  }
0x28: {  	s2 =	sld [smem:$0x3FAC]  }
0x29: {  	s4 =	sld [smem:$0x3FAE]  }
0x2a: {  	p0 =	seq.s32 s5, $0x0;
	s5 =	sld [smem:$0x3FAF]  }
0x2b: {  	s6 =	sld [smem:$0x3FB0]  }
0x2c: {  	s7 =	sld [smem:$0x3FB1]  }
0x2d: {  	s3 =	simm.s32 $0x108;
	s8 =	sld [smem:$0x3FB2]  }
0x2e: {  	s3 =	simm.s32 @!p0 $0x1082;
	s9 =	sld [smem:$0x3FB3]  }
0x2f: {  	lr =	sadd.s32 s0, s3;
	s0 =	sld [smem:$0x3FAA]  }
0x30: {  	s3 =	sld [smem:$0x3FAD]  }
0x31: {  	[smem:$0x3FB6] =	sst s10  }
0x32: {  	s10 =	sld [smem:$0x3FB4];
	_ =	sdelay $0x3  }
0x33: {  	p0 =	seq.s32 s10, $0x1;
	s10 =	sld [smem:$0x3FB6];
	_ =	sdelay $0x3  }
0x34: {  	[smem:$0x3FB6] =	sst s10  }
0x35: {  	s10 =	sld [smem:$0x3FB5];
	_ =	sdelay $0x3  }
0x36: {  	p1 =	seq.s32 s10, $0x1;
	s10 =	sld [smem:$0x3FB6];
	_ =	sdelay $0x3  }
0x37: {  	[smem:$0x3FB6] =	sst s10  }
0x38: {  	s10 =	sld [smem:$0x3FB7]  }
0x39: {  	_ = 	snop;
	(pc) =	sbr.ind lr, $3  }
0x3a: {  	_ = 	snop  }
0x3b: {  	_ = 	snop  }
0x3c: {  	p2 =	seq.s32 s10, $0x1;
	s10 =	sld [smem:$0x3FB6]  }
0x3d: {  	_ =	shalt  }
0x3e: {  	_ =	shalt  }
0x3f: {  	_ =	shalt  }
0x40: {  	_ =	shalt  }
0x41: {  	_ =	shalt  }
0x42: {  	_ =	shalt  }
0x43: {  	_ =	shalt  }
0x44: {  	_ =	shalt  }
0x45: {  	_ =	shalt  }
0x46: {  	_ =	shalt  }
0x47: {  	_ =	shalt  }
0x48: {  	_ =	shalt  }
0x49: {  	_ =	shalt  }
0x4a: {  	_ =	shalt  }
0x4b: {  	_ =	shalt  }
0x4c: {  	_ =	shalt  }
0x4d: {  	_ =	shalt  }
0x4e: {  	_ =	shalt  }
0x4f: {  	_ =	shalt  }
0x50: {  	_ =	shalt  }
0x51: {  	_ =	shalt  }
0x52: {  	_ =	shalt  }
0x53: {  	_ =	shalt  }
0x54: {  	_ =	shalt  }
0x55: {  	_ =	shalt  }
0x56: {  	_ =	shalt  }
0x57: {  	_ =	shalt  }
0x58: {  	_ =	shalt  }
0x59: {  	_ =	shalt  }
0x5a: {  	_ =	shalt  }
0x5b: {  	_ =	shalt  }
0x5c: {  	_ =	shalt  }
0x5d: {  	_ =	shalt  }
0x5e: {  	_ =	shalt  }
0x5f: {  	_ =	shalt  }
0x60: {  	_ =	shalt  }
0x61: {  	_ =	shalt  }
0x62: {  	_ =	shalt  }
0x63: {  	_ =	shalt  }
0x64: {  	_ =	shalt  }
0x65: {  	_ =	shalt  }
0x66: {  	_ =	shalt  }
0x67: {  	_ =	shalt  }
0x68: {  	_ =	shalt  }
0x69: {  	_ =	shalt  }
0x6a: {  	_ =	shalt  }
0x6b: {  	_ =	shalt  }
0x6c: {  	_ =	shalt  }
0x6d: {  	_ =	shalt  }
0x6e: {  	_ =	shalt  }
0x6f: {  	_ =	shalt  }
0x70: {  	_ =	shalt  }
0x71: {  	_ =	shalt  }
0x72: {  	_ =	shalt  }
0x73: {  	_ =	shalt  }
0x74: {  	_ =	shalt  }
0x75: {  	_ =	shalt  }
0x76: {  	_ =	shalt  }
0x77: {  	_ =	shalt  }
0x78: {  	_ =	shalt  }
0x79: {  	_ =	shalt  }
0x7a: {  	_ =	shalt  }
0x7b: {  	_ =	shalt  }
0x7c: {  	_ =	shalt  }
0x7d: {  	_ =	shalt  }
0x7e: {  	_ =	shalt  }
0x7f: {  	_ =	shalt  }
0x80: {  	_ =	shalt  }
0x81: {  	_ =	shalt  }
0x82: {  	_ =	shalt  }
0x83: {  	_ =	shalt  }
0x84: {  	_ =	shalt  }
0x85: {  	_ =	shalt  }
0x86: {  	_ =	shalt  }
0x87: {  	_ =	shalt  }
.Lfunc_end0:
.L_simem_size_0:
called_computation_lowered:
.L_overlay_start_0:
0x88: {  	s2 =	sld [smem:$0x3FD9]  }
0x89: {  	s3 =	sld [smem:$0x3FFE];
	_ =	sdelay $0x1  }
0x8a: {  	s1 =	srdreg.scid  }
0x8b: {  	s0 =	sand.u32 $0x1, s1  }
0x8c: {  	s17 =	sshll.u32 s0, $0xA;
	s2 =	sadd.s32 s3, s2  }
0x8d: {  	s2 =	sadd.s32 s2, s17  }
0x8e: {  	[smem:$0x3FC2] =	sst s2  }
0x8f: {  	_ = 	snop  }
0x90: {  	s2 =	sld [smem:$0x3FD0];
	(tm) =	ssettm $0x1  }
0x91: {  	s18 =	sld [smem:$0x3FFB];
	_ =	sdelay $0x3  }
0x92: {  	_ =	strace s18  }
0x93: {  	s3 =	sld [smem:$0x3FFC];
	_ =	sdelay $0x3  }
0x94: {  	_ =	strace s3  }
0x95: {  	s3 =	sld [smem:$0x3FFD];
	_ =	sdelay $0x3  }
0x96: {  	_ =	strace s3  }
0x97: {  	_ =	strace $0x8FFFFFFF  }
0x98: {  	s19 =	sld [smem:$0x3FDB];
	_ =	sdelay $0x1  }
0x99: {  	s4 =	simm.s32 $_scs_section_size  }
0x9a: {  	s5 =	simm.s32 $_size__tile_overlayer_lowered;
	s6 =	simm.s32 $_tile_overlayer_lowered  }
0x9b: {  	s22 =	simm.s32 $0x1BFF;
	s21 =	sshll.u32 s6, $0x1;
	s3 =	sadd.s32 s4, s19  }
0x9c: {  	s7 =	simm.s32 $0x0;
	s20 =	sshll.u32 s5, $0x1;
	s5 =	sadd.s32 s21, s3  }
0x9d: {  	[timem:s7], [sflag:s22] =	dma.local [hbm:s5], s20  }
0x9e: {  	_ =	swait.ge [sflag:s22], s20  }
0x9f: {  	s4 =	ssub.s32 $0x0, s20;
	[sflag:s22] =	ssyncset.done $0x0  }
0xa0: {  	[sflag:s22] =	ssyncadd.s32 s4;
	_ =	sdelay $0x1  }
0xa1: {  	s23 =	simm.s32 $0x1B8B  }
0xa2: {  	_ =	swait.ge [sflag:s23], $0x1  }
0xa3: {  	[sflag:s23] =	ssyncset.done $0x0  }
0xa4: {  	s25 =	simm.s32 $0x1B8E;
	s24 =	sld [smem:$0x3FFE];
	[sflag:s23] =	ssyncadd.s32 $0xFFFFFFFF  }
0xa5: {  	s26 =	simm.s32 $execute0_lowered;
	[smem:$0x3FD2] =	sst s25  }
0xa6: {  	s5 =	sshll.u32 s26, $0x1;
	_ =	strace $0x80000046;
	[dreg:$0x1] =	wrdreg $0xFFFFFFFF  }
0xa7: {  	s28 =	simm.s32 $_size_execute0_lowered;
	s3 =	sadd.s32 s3, s5;
	[dreg:$0x0] =	wrdreg $0x0  }
0xa8: {  	s5 =	sshll.u32 s28, $0x1;
	[dreg:$0x2] =	wrdreg s3  }
0xa9: {  	[dreg:$0x3] =	wrdreg s5  }
0xaa: {  	[dreg:$0x4] =	wrdreg $0xC0  }
0xab: {  	_ =	task [dreg:s7], $0x5FFFF  }
0xac: {  	[dreg:$0x1] =	wrdreg $0xFFFFFFFF  }
0xad: {  	[dreg:$0x0] =	wrdreg $0x60  }
0xae: {  	[dreg:$0x2] =	wrdreg s24  }
0xaf: {  	[dreg:$0x3] =	wrdreg s2  }
0xb0: {  	[dreg:$0x4] =	wrdreg $0x130000  }
0xb1: {  	[dreg:$0x5] =	wrdreg $0x9  }
0xb2: {  	_ =	task.clear_ibuf [dreg:s7], $0x6FFFF;
	_ =	strace $0x90000046  }
0xb3: {  	s29 =	simm.s32 $0x9;
	_ =	strace $0x80000048  }
0xb4: {  	_ =	swait.ge [sflag:s29], $0x1  }
0xb5: {  	[sflag:s29] =	ssyncadd.s32 $0xFFFFFFFF  }
0xb6: {  	_ =	strace $0x90000048  }
0xb7: {  	_ =	sfence  }
0xb8: {  	s30 =	sld [smem:$0x0];
	_ =	sdelay $0x2  }
0xb9: {  	s31 =	sshll.u32 s1, $0xD;
	s1 =	sshrl.u32 s1, $0x2  }
0xba: {  	s3 =	sand.u32 $0x4000, s31;
	s1 =	sadd.s32 s1, s30  }
0xbb: {  	s0 =	sor.u32 s3, s0;
	s1 =	sshll.u32 s1, $0x11  }
0xbc: {  	s0 =	sor.u32 s1, s0  }
0xbd: {  	s0 =	sadd.s32 $0x8F2B, s0  }
0xbe: {  	[sflag:s0] =	ssyncadd.remote.s32 $0x1  }
0xbf: {  	_ =	sfence.sel $0xFFFF  }
0xc0: {  	[dreg:$0x0] =	wrdreg $0xFFFFFFFF;
	(pc) =	sbr.abs _section_cstart, $3  }
0xc1: {  	[dreg:$0x1] =	wrdreg $0xFFFFFFFF  }
0xc2: {  	_ =	task.clear_ibuf [dreg:s7], $0x2FFFF;
	_ =	strace $0x9FFFFFFF  }
0xc3: {  	(tm) =	ssettm $0x7FFFFFFF  }
tec
execute0_lowered:
.L_overlay_start_1:
0x0: {  	(tag) =	ssettag $0x1  }
0x1: {  	s0 =	rddreg [dreg:$0x0]  }
0x2: {  	s1 =	srdreg.scid;
	s3 =	rddreg [dreg:$0x1]  }
0x3: {  	s2 =	rddreg [dreg:$0x2];
	s5 =	simm.s32 $0x0;
	s7 =	stileid.u32  }
0x4: {  	s19 =	simm.s32 $0x12000;
	s20 =	simm.s32 $0x5;
	s22 =	simm.s32 $0x80  }
0x5: {  	s23 =	simm.s32 $0xA000;
	s28 =	simm.s32 $0xE000;
	s9 =	smul.u32 $0xA000, s7  }
0x6: {  	s30 =	simm.s32 $0x10000;
	s31 =	simm.s32 $0x1;
	s6 =	smul.u32 $0xA00, s7  }
0x7: {  	s21 =	simm.s32 $0x4;
	s1 =	sand.u32 $0x1, s1;
	s7 =	smul.u32 $0x28000, s7  }
0x8: {  	[smem:$0x7FF] =	sst s5;
	s4 =	smul.u32 $0xA0000, s1;
	s1 =	ssub.s32 $0x2, s1  }
0x9: {  	_ =	strace $0x80000047;
	s8 =	sadd.s32 s6, s0;
	s10 =	sshrl.u32 s1, $0x1  }
0xa: {  	s25 =	sshrl.u32 s7, $0x2;
	s3 =	sadd.s32 s3, s6;
	s29 =	sadd.s32 s9, s2  }
0xb: {  	s24 =	sshrl.u32 s4, $0x3;
	s4 =	sadd.s32 s9, s4;
	s1 =	ssub.s32 s1, s10  }
0xc: {  	[dreg:$0x4] =	wrdreg s3;
	s26 =	sadd.s32 $0x79A00, s8;
	s5 =	sadd.s32 s24, s0  }
0xd: {  	s4 =	sshrl.u32 s4, $0x3;
	[dreg:$0x5] =	wrdreg s26;
	s9 =	smax.u32 s1, $0x1  }
0xe: {  	s24 =	simm.s32 $0xC000;
	s1 =	simm.s32 $0x3;
	s26 =	simm.s32 $0x0  }
0xf: {  	s0 =	sadd.s32 s4, s0;
	s4 =	sadd.s32 s25, s2;
	s7 =	sadd.s32 $0x51A00, s5  }
0x10: {  	s25 =	sshrl.u32 s29, $0x3;
	s8 =	sadd.s32 $0x83A00, s0;
	s10 =	sadd.s32 $0x1000, s4  }
0x11: {  	s11 =	sadd.s32 $0x2000, s4;
	s12 =	sadd.s32 $0x3000, s4;
	s13 =	sadd.s32 $0x4000, s4  }
0x12: {  	s14 =	sadd.s32 $0x5000, s4;
	s15 =	sadd.s32 $0x6000, s4;
	s16 =	sadd.s32 $0x7000, s4  }
0x13: {  	v0 =	vimm.f32 $0.0e+00;
	s17 =	sadd.s32 $0x8000, s4;
	s18 =	sadd.s32 $0x9000, s4;
	s0 =	simm.s32 $0x2  }
.LBB2_1:
0x14: {  	s5 =	simm.s32 $0x0  }
0x15: {  	s3 =	sand.u32 $0x3F00, s5  }
0x16: {  	s5 =	sand.u32 $0x30, s5;
	s29 =	sshrl.u32 s3, $0x2  }
0x17: {  	s3 =	simm.s32 $0x40;
	s5 =	sor.u32 s5, s29;
	s29 =	simm.s32 $0x0  }
.LBB2_2:
0x18: {  	p0 =	sne.s32 s3, $0x3FC0  }
0x19: {  	[tilespmem:s5+$0x12000] =	vst v0;
	s29 =	sadd.s32 $0x10, s29;
	s5 =	smov.u32 s3;
	s3 =	sadd.s32 $0x40, s3  }
.Ltmp0:
0x1a: {  	(pc) =	sbr.rel @p0 .LBB2_2-.Ltmp0, $4  }
0x1b: {  	_ = 	snop  }
0x1c: {  	s5 =	sand.u32 $0x3F00, s5  }
0x1d: {  	s6 =	sand.u32 $0x30, s29;
	s5 =	sshrl.u32 s5, $0x2  }
0x1e: {  	s5 =	sor.u32 s6, s5  }
0x1f: {  	[tilespmem:s5+$0x12000] =	vst v0  }
0x20: {  	[spmem:s4] =	stream.linear.scatter [tilespmem:s19], [sflag:$0x5], $0x1000, $0x38;
	[tilespmem:$0x1D000] =	vst v63  }
0x21: {  	_ =	swait.ge [sflag:s20], $0x1000  }
0x22: {  	[sflag:s20] =	ssyncset.done $0x0  }
0x23: {  	[sflag:s20] =	ssyncadd.s32 $0xFFFFF000  }
0x24: {  	[spmem:s10] =	stream.linear.scatter [tilespmem:s19], [sflag:$0x5], $0x1000, $0x38;
	[tilespmem:$0x1D000] =	vst v63  }
0x25: {  	_ =	swait.ge [sflag:s20], $0x1000  }
0x26: {  	[sflag:s20] =	ssyncset.done $0x0  }
0x27: {  	[sflag:s20] =	ssyncadd.s32 $0xFFFFF000  }
0x28: {  	[spmem:s11] =	stream.linear.scatter [tilespmem:s19], [sflag:$0x5], $0x1000, $0x38;
	[tilespmem:$0x1D000] =	vst v63  }
0x29: {  	_ =	swait.ge [sflag:s20], $0x1000  }
0x2a: {  	[sflag:s20] =	ssyncset.done $0x0  }
0x2b: {  	[sflag:s20] =	ssyncadd.s32 $0xFFFFF000  }
0x2c: {  	[spmem:s12] =	stream.linear.scatter [tilespmem:s19], [sflag:$0x5], $0x1000, $0x38;
	[tilespmem:$0x1D000] =	vst v63  }
0x2d: {  	_ =	swait.ge [sflag:s20], $0x1000  }
0x2e: {  	[sflag:s20] =	ssyncset.done $0x0  }
0x2f: {  	[sflag:s20] =	ssyncadd.s32 $0xFFFFF000  }
0x30: {  	[spmem:s13] =	stream.linear.scatter [tilespmem:s19], [sflag:$0x5], $0x1000, $0x38;
	[tilespmem:$0x1D000] =	vst v63  }
0x31: {  	_ =	swait.ge [sflag:s20], $0x1000  }
0x32: {  	[sflag:s20] =	ssyncset.done $0x0  }
0x33: {  	[sflag:s20] =	ssyncadd.s32 $0xFFFFF000  }
0x34: {  	[spmem:s14] =	stream.linear.scatter [tilespmem:s19], [sflag:$0x5], $0x1000, $0x38;
	[tilespmem:$0x1D000] =	vst v63  }
0x35: {  	_ =	swait.ge [sflag:s20], $0x1000  }
0x36: {  	[sflag:s20] =	ssyncset.done $0x0  }
0x37: {  	[sflag:s20] =	ssyncadd.s32 $0xFFFFF000  }
0x38: {  	[spmem:s15] =	stream.linear.scatter [tilespmem:s19], [sflag:$0x5], $0x1000, $0x38;
	[tilespmem:$0x1D000] =	vst v63  }
0x39: {  	_ =	swait.ge [sflag:s20], $0x1000  }
0x3a: {  	[sflag:s20] =	ssyncset.done $0x0  }
0x3b: {  	[sflag:s20] =	ssyncadd.s32 $0xFFFFF000  }
0x3c: {  	[spmem:s16] =	stream.linear.scatter [tilespmem:s19], [sflag:$0x5], $0x1000, $0x38;
	[tilespmem:$0x1D000] =	vst v63  }
0x3d: {  	_ =	swait.ge [sflag:s20], $0x1000  }
0x3e: {  	[sflag:s20] =	ssyncset.done $0x0  }
0x3f: {  	[sflag:s20] =	ssyncadd.s32 $0xFFFFF000  }
0x40: {  	[spmem:s17] =	stream.linear.scatter [tilespmem:s19], [sflag:$0x5], $0x1000, $0x38;
	[tilespmem:$0x1D000] =	vst v63  }
0x41: {  	_ =	swait.ge [sflag:s20], $0x1000  }
0x42: {  	[sflag:s20] =	ssyncset.done $0x0  }
0x43: {  	[sflag:s20] =	ssyncadd.s32 $0xFFFFF000  }
0x44: {  	[spmem:s18] =	stream.linear.scatter [tilespmem:s19], [sflag:$0x5], $0x1000, $0x38;
	[tilespmem:$0x1D000] =	vst v63  }
0x45: {  	_ =	swait.ge [sflag:s20], $0x1000  }
0x46: {  	[sflag:s20] =	ssyncset.done $0x0  }
0x47: {  	s3 =	simm.s32 $0x0;
	s6 =	rddreg [dreg:$0x4];
	[sflag:s20] =	ssyncadd.s32 $0xFFFFF000  }
0x48: {  	[tilespmem:s3], [sflag:$0x5] =	stream.linear.gather [hbm4b:s6+s3], $0x5000, $0x38;
	[tilespmem:$0x1D000] =	vst v63  }
0x49: {  	_ =	swait.ge [sflag:s20], $0x5000  }
0x4a: {  	[sflag:s20] =	ssyncset.done $0x0  }
0x4b: {  	s6 =	simm.s32 $0x5000;
	s5 =	rddreg [dreg:$0x5];
	[sflag:s20] =	ssyncadd.s32 $0xFFFFB000  }
0x4c: {  	[tilespmem:s6], [sflag:$0x5] =	stream.linear.gather [hbm4b:s5+s3], $0x5000, $0x38;
	[tilespmem:$0x1D000] =	vst v63  }
0x4d: {  	_ =	swait.ge [sflag:s20], $0x5000  }
0x4e: {  	[sflag:s20] =	ssyncset.done $0x0  }
0x4f: {  	[sflag:s20] =	ssyncadd.s32 $0xFFFFB000  }
0x50: {  	[bflag:$0x0] =	sbarrier.arrive $0xFFFF  }
0x51: {  	[tilespmem:s23], [sflag:$0x1] =	stream.indirect.gather [hbm4b:s7+s22], $0x40, s3, s22, $0xb8;
	[tilespmem:$0x1D000] =	vst v63  }
0x52: {  	_ = 	snop  }
0x53: {  	[tilespmem:s24], [sflag:$0x1] =	stream.indirect.gather [hbm4b:s7+s22], $0x40, s22, s22, $0xb8;
	[tilespmem:$0x1D000] =	vst v63  }
0x54: {  	s6 =	simm.s32 $0x100  }
0x55: {  	[tilespmem:s28], [sflag:$0x2] =	stream.indirect.gather [hbm4b:s7+s22], $0x40, s6, s22, $0xb8;
	[tilespmem:$0x1D000] =	vst v63  }
0x56: {  	s5 =	simm.s32 $0x180  }
0x57: {  	[tilespmem:s30], [sflag:$0x2] =	stream.indirect.gather [hbm4b:s7+s22], $0x40, s5, s22, $0xb8;
	[tilespmem:$0x1D000] =	vst v63  }
0x58: {  	_ =	swait.ge [sflag:s31], $0x2000  }
0x59: {  	[sflag:s31] =	ssyncset.done $0x0  }
0x5a: {  	s6 =	simm.s32 $0x5000;
	[sflag:s31] =	ssyncadd.s32 $0xFFFFE000  }
0x5b: {  	[spmem:s2] =	stream.indirect.scatter.add.f32 [tilespmem:s23], [sflag:$0x3], $0x40, s6, s22, $0xb8;
	[tilespmem:$0x1D000] =	vst v63  }
0x5c: {  	_ =	swait.ge [sflag:s31], $0x2000  }
0x5d: {  	[sflag:s31] =	ssyncset.done $0x0  }
0x5e: {  	s5 =	simm.s32 $0x5080;
	[sflag:s31] =	ssyncadd.s32 $0xFFFFE000  }
0x5f: {  	[spmem:s2] =	stream.indirect.scatter.add.f32 [tilespmem:s24], [sflag:$0x3], $0x40, s5, s22, $0xb8;
	[tilespmem:$0x1D000] =	vst v63  }
0x60: {  	_ =	swait.ge [sflag:s0], $0x2000  }
0x61: {  	[sflag:s0] =	ssyncset.done $0x0  }
0x62: {  	s6 =	simm.s32 $0x5100;
	[sflag:s0] =	ssyncadd.s32 $0xFFFFE000  }
0x63: {  	[spmem:s2] =	stream.indirect.scatter.add.f32 [tilespmem:s28], [sflag:$0x4], $0x40, s6, s22, $0xb8;
	[tilespmem:$0x1D000] =	vst v63  }
0x64: {  	_ =	swait.ge [sflag:s0], $0x2000  }
0x65: {  	[sflag:s0] =	ssyncset.done $0x0  }
0x66: {  	s5 =	simm.s32 $0x5180;
	[sflag:s0] =	ssyncadd.s32 $0xFFFFE000  }
0x67: {  	[spmem:s2] =	stream.indirect.scatter.add.f32 [tilespmem:s30], [sflag:$0x4], $0x40, s5, s22, $0xb8;
	[tilespmem:$0x1D000] =	vst v63  }
0x68: {  	_ =	swait.ge [sflag:s1], $0x2000  }
0x69: {  	[sflag:s1] =	ssyncset.done $0x0  }
0x6a: {  	[sflag:s1] =	ssyncadd.s32 $0xFFFFE000  }
0x6b: {  	_ =	swait.ge [sflag:s1], $0x2000  }
0x6c: {  	[sflag:s1] =	ssyncset.done $0x0  }
0x6d: {  	s6 =	simm.s32 $0x200;
	[sflag:s1] =	ssyncadd.s32 $0xFFFFE000  }
0x6e: {  	[tilespmem:s23], [sflag:$0x1] =	stream.indirect.gather [hbm4b:s7+s22], $0x40, s6, s22, $0xb8;
	[tilespmem:$0x1D000] =	vst v63  }
0x6f: {  	s5 =	simm.s32 $0x280  }
0x70: {  	[tilespmem:s24], [sflag:$0x1] =	stream.indirect.gather [hbm4b:s7+s22], $0x40, s5, s22, $0xb8;
	[tilespmem:$0x1D000] =	vst v63  }
0x71: {  	_ =	swait.ge [sflag:s21], $0x2000  }
0x72: {  	[sflag:s21] =	ssyncset.done $0x0  }
0x73: {  	[sflag:s21] =	ssyncadd.s32 $0xFFFFE000  }
0x74: {  	_ =	swait.ge [sflag:s21], $0x2000  }
0x75: {  	s29 =	simm.s32 $0x800;
	[sflag:s21] =	ssyncset.done $0x0  }
0x76: {  	s3 =	simm.s32 $0x380;
	s6 =	simm.s32 $0x300;
	[sflag:s21] =	ssyncadd.s32 $0xFFFFE000  }
0x77: {  	[tilespmem:s28], [sflag:$0x2] =	stream.indirect.gather [hbm4b:s7+s22], $0x40, s6, s22, $0xb8;
	[tilespmem:$0x1D000] =	vst v63  }
.LBB2_4:
0x78: {  	[tilespmem:s30], [sflag:$0x2] =	stream.indirect.gather [hbm4b:s7+s22], $0x40, s3, s22, $0xb8;
	[tilespmem:$0x1D000] =	vst v63  }
0x79: {  	s3 =	smov.u32 s29  }
0x7a: {  	p0 =	sne.s32 s29, $0x13000;
	s29 =	sadd.s32 $0x800, s29;
	_ =	swait.ge [sflag:s31], $0x2000  }
0x7b: {  	s3 =	sshra.s32 s3, $0x2;
	[sflag:s31] =	ssyncset.done $0x0  }
0x7c: {  	s5 =	sadd.s32 $0x5000, s3;
	[sflag:s31] =	ssyncadd.s32 $0xFFFFE000  }
0x7d: {  	[spmem:s2] =	stream.indirect.scatter.add.f32 [tilespmem:s23], [sflag:$0x3], $0x40, s5, s22, $0xb8;
	[tilespmem:$0x1D000] =	vst v63  }
0x7e: {  	_ =	swait.ge [sflag:s31], $0x2000  }
0x7f: {  	[sflag:s31] =	ssyncset.done $0x0  }
0x80: {  	s5 =	sadd.s32 $0x5080, s3;
	[sflag:s31] =	ssyncadd.s32 $0xFFFFE000  }
0x81: {  	[spmem:s2] =	stream.indirect.scatter.add.f32 [tilespmem:s24], [sflag:$0x3], $0x40, s5, s22, $0xb8;
	[tilespmem:$0x1D000] =	vst v63  }
0x82: {  	_ =	swait.ge [sflag:s0], $0x2000  }
0x83: {  	[sflag:s0] =	ssyncset.done $0x0  }
0x84: {  	s5 =	sadd.s32 $0x5100, s3;
	[sflag:s0] =	ssyncadd.s32 $0xFFFFE000  }
0x85: {  	[spmem:s2] =	stream.indirect.scatter.add.f32 [tilespmem:s28], [sflag:$0x4], $0x40, s5, s22, $0xb8;
	[tilespmem:$0x1D000] =	vst v63  }
0x86: {  	_ =	swait.ge [sflag:s0], $0x2000  }
0x87: {  	[sflag:s0] =	ssyncset.done $0x0  }
0x88: {  	s5 =	sadd.s32 $0x5180, s3;
	[sflag:s0] =	ssyncadd.s32 $0xFFFFE000  }
0x89: {  	[spmem:s2] =	stream.indirect.scatter.add.f32 [tilespmem:s30], [sflag:$0x4], $0x40, s5, s22, $0xb8;
	[tilespmem:$0x1D000] =	vst v63  }
0x8a: {  	_ =	swait.ge [sflag:s1], $0x2000  }
0x8b: {  	[sflag:s1] =	ssyncset.done $0x0  }
0x8c: {  	[sflag:s1] =	ssyncadd.s32 $0xFFFFE000  }
0x8d: {  	_ =	swait.ge [sflag:s1], $0x2000  }
0x8e: {  	[sflag:s1] =	ssyncset.done $0x0  }
0x8f: {  	s5 =	sadd.s32 $0x200, s3;
	[sflag:s1] =	ssyncadd.s32 $0xFFFFE000  }
0x90: {  	[tilespmem:s23], [sflag:$0x1] =	stream.indirect.gather [hbm4b:s7+s22], $0x40, s5, s22, $0xb8;
	[tilespmem:$0x1D000] =	vst v63  }
0x91: {  	s5 =	sadd.s32 $0x280, s3  }
0x92: {  	[tilespmem:s24], [sflag:$0x1] =	stream.indirect.gather [hbm4b:s7+s22], $0x40, s5, s22, $0xb8;
	[tilespmem:$0x1D000] =	vst v63  }
0x93: {  	_ =	swait.ge [sflag:s21], $0x2000  }
0x94: {  	[sflag:s21] =	ssyncset.done $0x0  }
0x95: {  	[sflag:s21] =	ssyncadd.s32 $0xFFFFE000  }
.Ltmp1:
0x96: {  	_ =	swait.ge [sflag:s21], $0x2000;
	(pc) =	sbr.rel @p0 .LBB2_4-.Ltmp1, $4  }
0x97: {  	[sflag:s21] =	ssyncset.done $0x0  }
0x98: {  	s5 =	sadd.s32 $0x300, s3;
	[sflag:s21] =	ssyncadd.s32 $0xFFFFE000  }
0x99: {  	[tilespmem:s28], [sflag:$0x2] =	stream.indirect.gather [hbm4b:s7+s22], $0x40, s5, s22, $0xb8;
	[tilespmem:$0x1D000] =	vst v63  }
0x9a: {  	s3 =	sadd.s32 $0x380, s3  }
0x9b: {  	[tilespmem:s30], [sflag:$0x2] =	stream.indirect.gather [hbm4b:s7+s22], $0x40, s3, s22, $0xb8;
	[tilespmem:$0x1D000] =	vst v63  }
0x9c: {  	_ =	swait.ge [sflag:s31], $0x2000  }
0x9d: {  	[sflag:s31] =	ssyncset.done $0x0  }
0x9e: {  	s6 =	simm.s32 $0x9E00;
	[sflag:s31] =	ssyncadd.s32 $0xFFFFE000  }
0x9f: {  	[spmem:s2] =	stream.indirect.scatter.add.f32 [tilespmem:s23], [sflag:$0x3], $0x40, s6, s22, $0xb8;
	[tilespmem:$0x1D000] =	vst v63  }
0xa0: {  	_ =	swait.ge [sflag:s31], $0x2000  }
0xa1: {  	[sflag:s31] =	ssyncset.done $0x0  }
0xa2: {  	s29 =	simm.s32 $0x9E80;
	[sflag:s31] =	ssyncadd.s32 $0xFFFFE000  }
0xa3: {  	[spmem:s2] =	stream.indirect.scatter.add.f32 [tilespmem:s24], [sflag:$0x3], $0x40, s29, s22, $0xb8;
	[tilespmem:$0x1D000] =	vst v63  }
0xa4: {  	_ =	swait.ge [sflag:s0], $0x2000  }
0xa5: {  	[sflag:s0] =	ssyncset.done $0x0  }
0xa6: {  	s5 =	simm.s32 $0x9F00;
	[sflag:s0] =	ssyncadd.s32 $0xFFFFE000  }
0xa7: {  	[spmem:s2] =	stream.indirect.scatter.add.f32 [tilespmem:s28], [sflag:$0x4], $0x40, s5, s22, $0xb8;
	[tilespmem:$0x1D000] =	vst v63  }
0xa8: {  	_ =	swait.ge [sflag:s0], $0x2000  }
0xa9: {  	[sflag:s0] =	ssyncset.done $0x0  }
0xaa: {  	s6 =	simm.s32 $0x9F80;
	[sflag:s0] =	ssyncadd.s32 $0xFFFFE000  }
0xab: {  	[spmem:s2] =	stream.indirect.scatter.add.f32 [tilespmem:s30], [sflag:$0x4], $0x40, s6, s22, $0xb8;
	[tilespmem:$0x1D000] =	vst v63  }
0xac: {  	_ =	swait.ge [sflag:s1], $0x2000  }
0xad: {  	[sflag:s1] =	ssyncset.done $0x0  }
0xae: {  	[sflag:s1] =	ssyncadd.s32 $0xFFFFE000  }
0xaf: {  	_ =	swait.ge [sflag:s1], $0x2000  }
0xb0: {  	[sflag:s1] =	ssyncset.done $0x0  }
0xb1: {  	[sflag:s1] =	ssyncadd.s32 $0xFFFFE000  }
0xb2: {  	_ =	swait.ge [sflag:s21], $0x2000  }
0xb3: {  	[sflag:s21] =	ssyncset.done $0x0  }
0xb4: {  	[sflag:s21] =	ssyncadd.s32 $0xFFFFE000  }
0xb5: {  	_ =	swait.ge [sflag:s21], $0x2000  }
0xb6: {  	s26 =	sadd.s32 $0x1, s26;
	s29 =	stileid.u32;
	[sflag:s21] =	ssyncset.done $0x0  }
0xb7: {  	p0 =	sne.s32 s26, s9;
	s3 =	sshll.u32 s29, $0x6;
	[sflag:s21] =	ssyncadd.s32 $0xFFFFE000  }
.Ltmp2:
0xb8: {  	s3 =	sor.u32 $0x1C05, s3;
	[bflag:$0x0] =	sbarrier.arrive $0xFFFF;
	(pc) =	sbr.rel @p0 .LBB2_1-.Ltmp2, $4  }
0xb9: {  	[hbm:s8], [sflag:s3] =	dma.local [spmem:s25], $0x1400  }
0xba: {  	_ =	swait.ge [sflag:s20], $0x1400  }
0xbb: {  	[sflag:s20] =	ssyncset.done $0x0  }
0xbc: {  	[sflag:s20] =	ssyncadd.s32 $0xFFFFEC00  }
0xbd: {  	_ =	sfence.sel $0x180000  }
0xbe: {  	[bflag:$0x0] =	sbarrier.arrive $0xFFFF  }
0xbf: {  	_ =	strace $0x90000047  }
0xc0: {  	s0 =	stileid.u32;
	[bflag:$0x2] =	sbarrier.arrive $0xFFFF  }
0xc1: {  	p0 =	sne.s32 s0, $0x0;
	s0 =	rddreg [dreg:$0x3]  }
0xc2: {  	s0 =	sadd.s32 @!p0 $0x100000, s0  }
0xc3: {  	[sflag:s0] =	ssyncadd.tile.s32 @!p0 $0x1;
	_ =	shalt  }
.Lfunc_end2:
_tile_overlayer_lowered:
.L_overlay_start_2:
0xc4: {  	(tag) =	ssettag $0x2  }
0xc5: {  	s0 =	rddreg [dreg:$0x0];
	s2 =	stileid.u32  }
0xc6: {  	s1 =	rddreg [dreg:$0x1];
	p0 =	sne.s32 s2, $0x0  }
0xc7: {  	s3 =	rddreg [dreg:$0x2];
	[bflag:$0x3] =	sbarrier.arrive $0xFFFF;
	s2 =	simm.s32 @!p0 $0x1C05  }
0xc8: {  	[timem:s3], [sflag:s2] =	dma.local @!p0 [hbm:s0], s1  }
0xc9: {  	s0 =	simm.s32 @!p0 $0x5  }
0xca: {  	_ =	swait.ge @!p0 [sflag:s0], s1  }
0xcb: {  	s1 =	ssub.s32 @!p0 $0x0, s1;
	[sflag:s0] =	ssyncset.done @!p0 $0x0  }
0xcc: {  	[sflag:s0] =	ssyncadd.s32 @!p0 s1  }
0xcd: {  	[bflag:$0x3] =	sbarrier.arrive $0xFFFF  }
0xce: {  	_ =	shalt  }

</sc_bundles>
